<compile_context>
chip_gen: v7x
topology: tpu7x:2x2x1
jax: 0.10.2.dev20260603
libtpu: 0.0.44.dev20260713+nightly
codegen_flags: <defaults>
</compile_context>

<pallas_src>
import functools

import jax
import jax.numpy as jnp
from jax import lax
from jax.experimental import pallas as pl
from jax.experimental.pallas import tpu as pltpu
from jax.experimental.pallas import tpu_sc as plsc

N = 10000
E = 320000
D = 128

NC = 2
NS = 16
L = 16
NW = NC * NS
EPW = E // NW
CH = 125
IT = EPW // CH
STRIPE = 640
ZCH = 40

_mesh = plsc.VectorSubcoreMesh(core_axis_name="c", subcore_axis_name="s",
                               num_cores=NC, num_subcores=NS)



@functools.partial(
    pl.kernel,
    out_type=[jax.ShapeDtypeStruct((NW * N,), jnp.float32),
              jax.ShapeDtypeStruct((NW * N,), jnp.float32)],
    mesh=_mesh,
    scratch_types=[pltpu.VMEM((EPW,), jnp.int32),
                   pltpu.VMEM((EPW,), jnp.int32),
                   pltpu.VMEM((N,), jnp.float32),
                   pltpu.VMEM((N,), jnp.float32)],
    compiler_params=pltpu.CompilerParams(needs_layout_passes=False),
)
def _deg_kernel(src_hbm, dst_hbm, ho_hbm, hi_hbm, src_v, dst_v, ho_v, hi_v):
    c = lax.axis_index("c")
    s = lax.axis_index("s")
    wid = s * NC + c
    base = wid * EPW
    pltpu.sync_copy(src_hbm.at[pl.ds(base, EPW)], src_v)
    pltpu.sync_copy(dst_hbm.at[pl.ds(base, EPW)], dst_v)

    def zero_body(i, carry):
        z = jnp.zeros((L,), jnp.float32)
        ho_v[pl.ds(i * L, L)] = z
        hi_v[pl.ds(i * L, L)] = z
        return carry

    lax.fori_loop(0, N // L, zero_body, 0)

    ones = jnp.ones((L,), jnp.float32)

    def hist_body(j, carry):
        si = src_v[pl.ds(j * L, L)]
        di = dst_v[pl.ds(j * L, L)]
        plsc.addupdate_scatter(ho_v, [si], ones)
        plsc.addupdate_scatter(hi_v, [di], ones)
        return carry

    lax.fori_loop(0, EPW // L, hist_body, 0)

    pltpu.sync_copy(ho_v, ho_hbm.at[pl.ds(wid * N, N)])
    pltpu.sync_copy(hi_v, hi_hbm.at[pl.ds(wid * N, N)])



@functools.partial(
    pl.kernel,
    out_type=jax.ShapeDtypeStruct((NC, N, D), jnp.float32),
    mesh=_mesh,
    scratch_types=[pltpu.VMEM((2, CH), jnp.int32),
                   pltpu.VMEM((2, CH), jnp.int32),
                   pltpu.VMEM((2, CH), jnp.int32),
                   pltpu.VMEM((2, CH), jnp.int32),
                   pltpu.VMEM((CH, D), jnp.float32),
                   pltpu.VMEM((CH, D), jnp.float32),
                   pltpu.SemaphoreType.DMA,
                   pltpu.SemaphoreType.DMA,
                   pltpu.SemaphoreType.DMA,
                   pltpu.SemaphoreType.DMA,
                   pltpu.SemaphoreType.DMA,
                   pltpu.SemaphoreType.DMA,
                   pltpu.SemaphoreType.DMA,
                   pltpu.SemaphoreType.DMA,
                   pltpu.VMEM_SHARED((N, D), jnp.float32)],
    compiler_params=pltpu.CompilerParams(needs_layout_passes=False),
)
def _agg_kernel(h_hbm, edges_hbm, out_hbm, ib0, ib1, ib2, ib3, msg0, msg1,
                si0, si1, si2, si3, sg0, sg1, ss0, ss1, acc_sh):
    c = lax.axis_index("c")
    s = lax.axis_index("s")
    wid = s * NC + c
    c0 = wid * IT
    ibs = (ib0, ib1, ib2, ib3)
    sis = (si0, si1, si2, si3)
    msgs = (msg0, msg1)
    sgs = (sg0, sg1)
    sss = (ss0, ss1)

    def zb(i, carry):
        r = i // (D // L)
        col = (i % (D // L)) * L
        msg0[r, pl.ds(col, L)] = jnp.zeros((L,), jnp.float32)
        return carry

    lax.fori_loop(0, ZCH * (D // L), zb, 0)

    for k in range(STRIPE // ZCH):
        row = s * STRIPE + k * ZCH

        @pl.when(row < N)
        def _():
            pltpu.sync_copy(msg0.at[pl.ds(0, ZCH)],
                            acc_sh.at[pl.ds(row, ZCH)])

    for t in range(3):
        pltpu.async_copy(edges_hbm.at[c0 + t], ibs[t], sis[t])
    pltpu.make_async_copy(edges_hbm.at[c0], ib0, si0).wait()
    pltpu.async_copy(h_hbm.at[ib0.at[0]], msg0, sg0)

    plsc.subcore_barrier()

    def body(k, carry):
        b = c0 + 4 * k
        for t in range(4):
            j = b + t
            ibp = ibs[(t - 1) % 4]
            ibj = ibs[t]
            ibn = ibs[(t + 1) % 4]
            sip = sis[(t - 1) % 4]
            sin_ = sis[(t + 1) % 4]
            msgp = msgs[(t - 1) % 2]
            msgj = msgs[t % 2]
            sgj = sgs[t % 2]
            sgn = sgs[(t + 1) % 2]
            ssp = sss[(t - 1) % 2]
            ssj = sss[t % 2]

            if t == 0:
                @pl.when(k > 0)
                def _():
                    pltpu.make_async_copy(msgp, acc_sh.at[ibp.at[1]],
                                          ssp).wait()
            else:
                pltpu.make_async_copy(msgp, acc_sh.at[ibp.at[1]], ssp).wait()

            @pl.when(j + 3 <= c0 + IT - 1)
            def _():
                pltpu.async_copy(edges_hbm.at[j + 3], ibp, sip)

            @pl.when(j + 1 <= c0 + IT - 1)
            def _():
                pltpu.make_async_copy(edges_hbm.at[j + 1], ibn, sin_).wait()
                pltpu.async_copy(h_hbm.at[ibn.at[0]], msgp, sgn)

            pltpu.make_async_copy(h_hbm.at[ibj.at[0]], msgj, sgj).wait()
            pltpu.async_copy(msgj, acc_sh.at[ibj.at[1]], ssj, add=True)
        return carry

    lax.fori_loop(0, IT // 4, body, 0)

    pltpu.make_async_copy(msgs[(IT - 1) % 2],
                          acc_sh.at[ibs[(IT - 1) % 4].at[1]],
                          sss[(IT - 1) % 2]).wait()

    plsc.subcore_barrier()

    for k in range(STRIPE // ZCH):
        row = s * STRIPE + k * ZCH

        @pl.when(row < N)
        def _():
            pltpu.sync_copy(acc_sh.at[pl.ds(row, ZCH)],
                            out_hbm.at[c, pl.ds(row, ZCH)])



def _scale_mm_body(x_ref, w_ref, hist_ref, h_ref):
    deg = jnp.sum(hist_ref[...], axis=0)
    norm = lax.rsqrt(jnp.maximum(deg, 1.0))
    xs = x_ref[...] * norm[:, None]
    h_ref[...] = jnp.dot(xs, w_ref[...], precision=lax.Precision.HIGHEST,
                         preferred_element_type=jnp.float32)


def _scale_mm(x, w, hist):
    return pl.pallas_call(
        _scale_mm_body,
        out_shape=jax.ShapeDtypeStruct((N, D), jnp.float32),
    )(x, w, hist)



def _mlp_body(agg_ref, hist_ref, b_ref, w1_ref, b1_ref, w2_ref, b2_ref,
              out_ref):
    agg = agg_ref[0] + agg_ref[1]
    deg = jnp.sum(hist_ref[...], axis=0)
    norm = lax.rsqrt(jnp.maximum(deg, 1.0))
    h = agg * norm[:, None] + b_ref[...]
    h = jnp.maximum(h, 0.0)
    h = jnp.dot(h, w1_ref[...], precision=lax.Precision.HIGHEST,
                preferred_element_type=jnp.float32) + b1_ref[...]
    h = jnp.maximum(h, 0.0)
    out_ref[...] = jnp.dot(h, w2_ref[...], precision=lax.Precision.HIGHEST,
                           preferred_element_type=jnp.float32) + b2_ref[...]


def _mlp(agg2, hist, b, w1, b1, w2, b2):
    return pl.pallas_call(
        _mlp_body,
        out_shape=jax.ShapeDtypeStruct((N, D), jnp.float32),
    )(agg2, hist, b.reshape(1, D), w1, b1.reshape(1, D), w2,
      b2.reshape(1, D))


def kernel(x, edge_index, W, b, W1, b1, W2, b2):
    src = edge_index[0].astype(jnp.int32)
    dst = edge_index[1].astype(jnp.int32)
    edges3 = jnp.stack([src.reshape(E // CH, CH), dst.reshape(E // CH, CH)],
                       axis=1)
    hist_o, hist_i = _deg_kernel(src, dst)
    h = _scale_mm(x, W, hist_o.reshape(NW, N))
    agg2 = _agg_kernel(h, edges3)
    return _mlp(agg2, hist_i.reshape(NW, N), b, W1, b1, W2, b2)

# --- scband reference (transcript-rebuilt; emitter-appended) ---
"""Pipeline reference for scband-ngnn-gcnconv-28398323761561 (READ-ONLY COPY).

The authoritative reference and input builder live on the scoring server;
editing this copy changes nothing except your own understanding.
"""

import jax, jax.numpy as jnp
import numpy as np

N_NODES = 10000
N_EDGES = 320000
D_IN = 128
D_HID = 128
D_OUT = 128

def setup_inputs(seed: int = 0) -> dict:
    key = jax.random.key(seed)
    ks = jax.random.split(key, 8)
    x = jax.random.normal(ks[0], (N_NODES, D_IN), dtype=jnp.float32)
    edge_index = jax.random.randint(ks[1], (2, N_EDGES), 0, N_NODES, dtype=jnp.int64)
    # GraphConv weight (in->hidden) + bias
    W = jax.random.normal(ks[2], (D_IN, D_HID), dtype=jnp.float32) * (1.0 / np.sqrt(D_IN))
    b = jnp.zeros((D_HID,), dtype=jnp.float32)
    # fc_adj (hidden->hidden)
    W1 = jax.random.normal(ks[3], (D_HID, D_HID), dtype=jnp.float32) * (1.0 / np.sqrt(D_HID))
    b1 = jax.random.uniform(ks[4], (D_HID,), dtype=jnp.float32, minval=-1.0/np.sqrt(D_HID), maxval=1.0/np.sqrt(D_HID))
    # fc_adj2 (hidden->out)
    W2 = jax.random.normal(ks[5], (D_HID, D_OUT), dtype=jnp.float32) * (1.0 / np.sqrt(D_HID))
    b2 = jax.random.uniform(ks[6], (D_OUT,), dtype=jnp.float32, minval=-1.0/np.sqrt(D_OUT), maxval=1.0/np.sqrt(D_OUT))
    return {"x": x, "edge_index": edge_index, "W": W, "b": b, "W1": W1, "b1": b1, "W2": W2, "b2": b2}

def reference(x, edge_index, W, b, W1, b1, W2, b2):
    n = x.shape[0]
    src = edge_index[0]
    dst = edge_index[1]
    # DGL GraphConv with norm='both': h = D_dst^{-1/2} A D_src^{-1/2} X W + b
    deg_out = jnp.bincount(src, length=n).astype(x.dtype)
    deg_in = jnp.bincount(dst, length=n).astype(x.dtype)
    norm_src = jnp.power(jnp.clip(deg_out, 1.0, None), -0.5)
    norm_dst = jnp.power(jnp.clip(deg_in, 1.0, None), -0.5)
    h = x * norm_src[:, None]
    h = h @ W  # apply weight before aggregation (in_feats == hidden)
    msg = jnp.take(h, src, axis=0)
    agg = jax.ops.segment_sum(msg, dst, num_segments=n)
    h = agg * norm_dst[:, None] + b
    h = jax.nn.relu(h)
    h = h @ W1 + b1
    h = jax.nn.relu(h)
    out = h @ W2 + b2
    return out

if __name__ == "__main__":
    import jax
    _d = setup_inputs()
    print(jax.jit(kernel)(*tuple(_d.values())))

</pallas_src>

<mosaic_0001>
#map = affine_map<(d0, d1) -> (0, 0)>
#map1 = affine_map<(d0, d1) -> (0, 0, 0)>
module attributes {stable_mosaic.version = 14 : i64} {
  func.func @_agg_kernel(%arg0: i32, %arg1: i32, %arg2: memref<10000x128xf32, #tpu.memory_space<hbm>>, %arg3: memref<2560x2x125xi32, #tpu.memory_space<hbm>>, %arg4: memref<2x10000x128xf32, #tpu.memory_space<hbm>>, %arg5: memref<2x125xi32, #tpu.memory_space<vmem>>, %arg6: memref<2x125xi32, #tpu.memory_space<vmem>>, %arg7: memref<2x125xi32, #tpu.memory_space<vmem>>, %arg8: memref<2x125xi32, #tpu.memory_space<vmem>>, %arg9: memref<125x128xf32, #tpu.memory_space<vmem>>, %arg10: memref<125x128xf32, #tpu.memory_space<vmem>>, %arg11: memref<!tpu.dma_semaphore, #tpu.memory_space<semaphore_mem>>, %arg12: memref<!tpu.dma_semaphore, #tpu.memory_space<semaphore_mem>>, %arg13: memref<!tpu.dma_semaphore, #tpu.memory_space<semaphore_mem>>, %arg14: memref<!tpu.dma_semaphore, #tpu.memory_space<semaphore_mem>>, %arg15: memref<!tpu.dma_semaphore, #tpu.memory_space<semaphore_mem>>, %arg16: memref<!tpu.dma_semaphore, #tpu.memory_space<semaphore_mem>>, %arg17: memref<!tpu.dma_semaphore, #tpu.memory_space<semaphore_mem>>, %arg18: memref<!tpu.dma_semaphore, #tpu.memory_space<semaphore_mem>>, %arg19: memref<10000x128xf32, #tpu.memory_space<vmem_shared>>) attributes {dimension_semantics = [#tpu.dimension_semantics<core_parallel>, #tpu.dimension_semantics<subcore_parallel>], iteration_bounds = array<i64: 2, 16>, scalar_prefetch = 0 : i64, scratch_operands = 15 : i64, tpu.core_type = #tpu.core_type<sc_vector_subcore>, window_params = [{transform_indices = #map}, {transform_indices = #map1}, {transform_indices = #map1}]} {
    %mul3A = arith.constant 2 : i32
    %mul3A_0 = arith.muli %arg1, %mul3A : i32
    %add3A = arith.addi %mul3A_0, %arg0 : i32
    %mul3A_1 = arith.constant 80 : i32
    %mul3A_2 = arith.muli %add3A, %mul3A_1 : i32
    %scan3A = arith.constant 0 : i32
    %scan3A_3 = arith.constant 0 : i32
    %scan3A_4 = arith.constant 320 : i32
    %scan3A_5 = arith.addi %scan3A_3, %scan3A_4 : i32
    %scan3A_6 = arith.constant 1 : i32
    scf.for %scan3A_350 = %scan3A_3 to %scan3A_5 step %scan3A_6  : i32 {
      %jit3A = arith.constant 8 : i32
      %div3A = arith.divsi %scan3A_350, %jit3A : i32
      %sign3A = arith.constant 0 : i32
      %sign3A_351 = arith.cmpi sgt, %scan3A_350, %sign3A : i32
      %sign3A_352 = arith.extui %sign3A_351 : i1 to i32
      %sign3A_353 = arith.constant 0 : i32
      %sign3A_354 = arith.cmpi slt, %scan3A_350, %sign3A_353 : i32
      %sign3A_355 = arith.extui %sign3A_354 : i1 to i32
      %sign3A_356 = arith.subi %sign3A_352, %sign3A_355 : i32
      %sign3A_357 = arith.constant 0 : i32
      %sign3A_358 = arith.cmpi sgt, %jit3A, %sign3A_357 : i32
      %sign3A_359 = arith.extui %sign3A_358 : i1 to i32
      %sign3A_360 = arith.constant 0 : i32
      %sign3A_361 = arith.cmpi slt, %jit3A, %sign3A_360 : i32
      %sign3A_362 = arith.extui %sign3A_361 : i1 to i32
      %sign3A_363 = arith.subi %sign3A_359, %sign3A_362 : i32
      %ne3A = arith.cmpi ne, %sign3A_356, %sign3A_363 : i32
      %rem3A = arith.remsi %scan3A_350, %jit3A : i32
      %ne3A_364 = arith.constant 0 : i32
      %ne3A_365 = arith.cmpi ne, %rem3A, %ne3A_364 : i32
      %and3A = arith.andi %ne3A, %ne3A_365 : i1
      %sub3A = arith.constant 1 : i32
      %sub3A_366 = arith.subi %div3A, %sub3A : i32
      %select_n3A = arith.select %and3A, %sub3A_366, %div3A : i32
      %jit3A_367 = arith.constant 8 : i32
      %eq3A = arith.constant 0 : i32
      %eq3A_368 = arith.cmpi eq, %jit3A_367, %eq3A : i32
      %jit3A_369 = arith.constant 1 : i32
      %select_n3A_370 = arith.select %eq3A_368, %jit3A_369, %jit3A_367 : i32
      %rem3A_371 = arith.remsi %scan3A_350, %select_n3A_370 : i32
      %ne3A_372 = arith.constant 0 : i32
      %ne3A_373 = arith.cmpi ne, %rem3A_371, %ne3A_372 : i32
      %lt3A_374 = arith.constant 0 : i32
      %lt3A_375 = arith.cmpi slt, %rem3A_371, %lt3A_374 : i32
      %lt3A_376 = arith.constant 0 : i32
      %lt3A_377 = arith.cmpi slt, %select_n3A_370, %lt3A_376 : i32
      %ne3A_378 = arith.xori %lt3A_375, %lt3A_377 : i1
      %and3A_379 = arith.andi %ne3A_378, %ne3A_373 : i1
      %add3A_380 = arith.addi %rem3A_371, %select_n3A_370 : i32
      %select_n3A_381 = arith.select %and3A_379, %add3A_380, %rem3A_371 : i32
      %mul3A_382 = arith.constant 16 : i32
      %mul3A_383 = arith.muli %select_n3A_381, %mul3A_382 : i32
      %broadcast_in_dim3A = arith.constant 0.000000e+00 : f32
      %broadcast_in_dim3A_384 = vector.broadcast %broadcast_in_dim3A : f32 to vector<16xf32>
      %swap3A = arith.index_cast %select_n3A : i32 to index
      %swap3A_385 = arith.index_cast %mul3A_383 : i32 to index
      %swap3A_386 = tpu.vector_load %arg9[%swap3A, %swap3A_385] {strides = array<i32>} : memref<125x128xf32, #tpu.memory_space<vmem>>, vector<16xf32>,
      tpu.vector_store %arg9[%swap3A, %swap3A_385], %broadcast_in_dim3A_384 {strides = array<i32>} : memref<125x128xf32, #tpu.memory_space<vmem>>, vector<16xf32>,
    }
    %scan3A_7 = arith.constant 320 : i32
    %mul3A_8 = arith.constant 640 : i32
    %mul3A_9 = arith.muli %arg1, %mul3A_8 : i32
    %add3A_10 = arith.constant 0 : i32
    %add3A_11 = arith.addi %mul3A_9, %add3A_10 : i32
    %lt3A = arith.constant 10000 : i32
    %lt3A_12 = arith.cmpi slt, %add3A_11, %lt3A : i32
    %convert_element_type3A = arith.extui %lt3A_12 : i1 to i32
    %cond3A = arith.constant 0 : i32
    %cond3A_13 = arith.cmpi ne, %convert_element_type3A, %cond3A : i32
    scf.if %cond3A_13 {
      "tpu.region"() ({
        %run_scoped3A = tpu.sem_alloc : memref<!tpu.dma_semaphore, #tpu.memory_space<semaphore_mem>>
        %dma_start3A_350 = arith.constant 0 : i32
        %dma_start3A_351 = arith.constant 0 : i32
        %dma_start3A_352 = tpu.memref_slice %arg9[%dma_start3A_350, %dma_start3A_351] : memref<125x128xf32, #tpu.memory_space<vmem>> -> memref<40x128xf32, #tpu.memory_space<vmem>>
        %dma_start3A_353 = arith.constant 0 : i32
        %dma_start3A_354 = tpu.memref_slice %arg19[%add3A_11, %dma_start3A_353] : memref<10000x128xf32, #tpu.memory_space<vmem_shared>> -> memref<40x128xf32, #tpu.memory_space<vmem_shared>>
        %dma_start3A_355 = arith.constant 0 : i32
        %dma_start3A_356 = tpu.memref_slice %arg19[%add3A_11, %dma_start3A_355] : memref<10000x128xf32, #tpu.memory_space<vmem_shared>> -> memref<40x128xf32, #tpu.memory_space<vmem_shared>>
        %dma_start3A_357 = arith.constant 0 : i32
        %dma_start3A_358 = arith.constant 0 : i32
        %dma_start3A_359 = tpu.memref_slice %arg9[%dma_start3A_357, %dma_start3A_358] : memref<125x128xf32, #tpu.memory_space<vmem>> -> memref<40x128xf32, #tpu.memory_space<vmem>>
        tpu.enqueue_dma source(%dma_start3A_359 : memref<40x128xf32, #tpu.memory_space<vmem>>) target(%dma_start3A_356 : memref<40x128xf32, #tpu.memory_space<vmem_shared>>) target_semaphore(%run_scoped3A : memref<!tpu.dma_semaphore, #tpu.memory_space<semaphore_mem>>)
        %dma_wait3A_360 = arith.constant 0 : i32
        %dma_wait3A_361 = arith.constant 0 : i32
        %dma_wait3A_362 = tpu.memref_slice %arg9[%dma_wait3A_360, %dma_wait3A_361] : memref<125x128xf32, #tpu.memory_space<vmem>> -> memref<40x128xf32, #tpu.memory_space<vmem>>
        %dma_wait3A_363 = arith.constant 0 : i32
        %dma_wait3A_364 = tpu.memref_slice %arg19[%add3A_11, %dma_wait3A_363] : memref<10000x128xf32, #tpu.memory_space<vmem_shared>> -> memref<40x128xf32, #tpu.memory_space<vmem_shared>>
        %dma_wait3A_365 = arith.constant 0 : i32
        %dma_wait3A_366 = tpu.memref_slice %arg19[%add3A_11, %dma_wait3A_365] : memref<10000x128xf32, #tpu.memory_space<vmem_shared>> -> memref<40x128xf32, #tpu.memory_space<vmem_shared>>
        %dma_wait3A_367 = arith.constant 0 : i32
        %dma_wait3A_368 = arith.constant 0 : i32
        %dma_wait3A_369 = tpu.memref_slice %arg9[%dma_wait3A_367, %dma_wait3A_368] : memref<125x128xf32, #tpu.memory_space<vmem>> -> memref<40x128xf32, #tpu.memory_space<vmem>>
        tpu.wait_dma2 semaphore(%run_scoped3A : memref<!tpu.dma_semaphore, #tpu.memory_space<semaphore_mem>>) src(%dma_wait3A_369 : memref<40x128xf32, #tpu.memory_space<vmem>>) dst(%dma_wait3A_366 : memref<40x128xf32, #tpu.memory_space<vmem_shared>>)
        tpu.yield
      }) : () -> ()
    } else {
    }
    %mul3A_14 = arith.constant 640 : i32
    %mul3A_15 = arith.muli %arg1, %mul3A_14 : i32
    %add3A_16 = arith.constant 40 : i32
    %add3A_17 = arith.addi %mul3A_15, %add3A_16 : i32
    %lt3A_18 = arith.constant 10000 : i32
    %lt3A_19 = arith.cmpi slt, %add3A_17, %lt3A_18 : i32
    %convert_element_type3A_20 = arith.extui %lt3A_19 : i1 to i32
    %cond3A_21 = arith.constant 0 : i32
    %cond3A_22 = arith.cmpi ne, %convert_element_type3A_20, %cond3A_21 : i32
    scf.if %cond3A_22 {
      "tpu.region"() ({
        %run_scoped3A = tpu.sem_alloc : memref<!tpu.dma_semaphore, #tpu.memory_space<semaphore_mem>>
        %dma_start3A_350 = arith.constant 0 : i32
        %dma_start3A_351 = arith.constant 0 : i32
        %dma_start3A_352 = tpu.memref_slice %arg9[%dma_start3A_350, %dma_start3A_351] : memref<125x128xf32, #tpu.memory_space<vmem>> -> memref<40x128xf32, #tpu.memory_space<vmem>>
        %dma_start3A_353 = arith.constant 0 : i32
        %dma_start3A_354 = tpu.memref_slice %arg19[%add3A_17, %dma_start3A_353] : memref<10000x128xf32, #tpu.memory_space<vmem_shared>> -> memref<40x128xf32, #tpu.memory_space<vmem_shared>>
        %dma_start3A_355 = arith.constant 0 : i32
        %dma_start3A_356 = tpu.memref_slice %arg19[%add3A_17, %dma_start3A_355] : memref<10000x128xf32, #tpu.memory_space<vmem_shared>> -> memref<40x128xf32, #tpu.memory_space<vmem_shared>>
        %dma_start3A_357 = arith.constant 0 : i32
        %dma_start3A_358 = arith.constant 0 : i32
        %dma_start3A_359 = tpu.memref_slice %arg9[%dma_start3A_357, %dma_start3A_358] : memref<125x128xf32, #tpu.memory_space<vmem>> -> memref<40x128xf32, #tpu.memory_space<vmem>>
        tpu.enqueue_dma source(%dma_start3A_359 : memref<40x128xf32, #tpu.memory_space<vmem>>) target(%dma_start3A_356 : memref<40x128xf32, #tpu.memory_space<vmem_shared>>) target_semaphore(%run_scoped3A : memref<!tpu.dma_semaphore, #tpu.memory_space<semaphore_mem>>)
        %dma_wait3A_360 = arith.constant 0 : i32
        %dma_wait3A_361 = arith.constant 0 : i32
        %dma_wait3A_362 = tpu.memref_slice %arg9[%dma_wait3A_360, %dma_wait3A_361] : memref<125x128xf32, #tpu.memory_space<vmem>> -> memref<40x128xf32, #tpu.memory_space<vmem>>
        %dma_wait3A_363 = arith.constant 0 : i32
        %dma_wait3A_364 = tpu.memref_slice %arg19[%add3A_17, %dma_wait3A_363] : memref<10000x128xf32, #tpu.memory_space<vmem_shared>> -> memref<40x128xf32, #tpu.memory_space<vmem_shared>>
        %dma_wait3A_365 = arith.constant 0 : i32
        %dma_wait3A_366 = tpu.memref_slice %arg19[%add3A_17, %dma_wait3A_365] : memref<10000x128xf32, #tpu.memory_space<vmem_shared>> -> memref<40x128xf32, #tpu.memory_space<vmem_shared>>
        %dma_wait3A_367 = arith.constant 0 : i32
        %dma_wait3A_368 = arith.constant 0 : i32
        %dma_wait3A_369 = tpu.memref_slice %arg9[%dma_wait3A_367, %dma_wait3A_368] : memref<125x128xf32, #tpu.memory_space<vmem>> -> memref<40x128xf32, #tpu.memory_space<vmem>>
        tpu.wait_dma2 semaphore(%run_scoped3A : memref<!tpu.dma_semaphore, #tpu.memory_space<semaphore_mem>>) src(%dma_wait3A_369 : memref<40x128xf32, #tpu.memory_space<vmem>>) dst(%dma_wait3A_366 : memref<40x128xf32, #tpu.memory_space<vmem_shared>>)
        tpu.yield
      }) : () -> ()
    } else {
    }
    %mul3A_23 = arith.constant 640 : i32
    %mul3A_24 = arith.muli %arg1, %mul3A_23 : i32
    %add3A_25 = arith.constant 80 : i32
    %add3A_26 = arith.addi %mul3A_24, %add3A_25 : i32
    %lt3A_27 = arith.constant 10000 : i32
    %lt3A_28 = arith.cmpi slt, %add3A_26, %lt3A_27 : i32
    %convert_element_type3A_29 = arith.extui %lt3A_28 : i1 to i32
    %cond3A_30 = arith.constant 0 : i32
    %cond3A_31 = arith.cmpi ne, %convert_element_type3A_29, %cond3A_30 : i32
    scf.if %cond3A_31 {
      "tpu.region"() ({
        %run_scoped3A = tpu.sem_alloc : memref<!tpu.dma_semaphore, #tpu.memory_space<semaphore_mem>>
        %dma_start3A_350 = arith.constant 0 : i32
        %dma_start3A_351 = arith.constant 0 : i32
        %dma_start3A_352 = tpu.memref_slice %arg9[%dma_start3A_350, %dma_start3A_351] : memref<125x128xf32, #tpu.memory_space<vmem>> -> memref<40x128xf32, #tpu.memory_space<vmem>>
        %dma_start3A_353 = arith.constant 0 : i32
        %dma_start3A_354 = tpu.memref_slice %arg19[%add3A_26, %dma_start3A_353] : memref<10000x128xf32, #tpu.memory_space<vmem_shared>> -> memref<40x128xf32, #tpu.memory_space<vmem_shared>>
        %dma_start3A_355 = arith.constant 0 : i32
        %dma_start3A_356 = tpu.memref_slice %arg19[%add3A_26, %dma_start3A_355] : memref<10000x128xf32, #tpu.memory_space<vmem_shared>> -> memref<40x128xf32, #tpu.memory_space<vmem_shared>>
        %dma_start3A_357 = arith.constant 0 : i32
        %dma_start3A_358 = arith.constant 0 : i32
        %dma_start3A_359 = tpu.memref_slice %arg9[%dma_start3A_357, %dma_start3A_358] : memref<125x128xf32, #tpu.memory_space<vmem>> -> memref<40x128xf32, #tpu.memory_space<vmem>>
        tpu.enqueue_dma source(%dma_start3A_359 : memref<40x128xf32, #tpu.memory_space<vmem>>) target(%dma_start3A_356 : memref<40x128xf32, #tpu.memory_space<vmem_shared>>) target_semaphore(%run_scoped3A : memref<!tpu.dma_semaphore, #tpu.memory_space<semaphore_mem>>)
        %dma_wait3A_360 = arith.constant 0 : i32
        %dma_wait3A_361 = arith.constant 0 : i32
        %dma_wait3A_362 = tpu.memref_slice %arg9[%dma_wait3A_360, %dma_wait3A_361] : memref<125x128xf32, #tpu.memory_space<vmem>> -> memref<40x128xf32, #tpu.memory_space<vmem>>
        %dma_wait3A_363 = arith.constant 0 : i32
        %dma_wait3A_364 = tpu.memref_slice %arg19[%add3A_26, %dma_wait3A_363] : memref<10000x128xf32, #tpu.memory_space<vmem_shared>> -> memref<40x128xf32, #tpu.memory_space<vmem_shared>>
        %dma_wait3A_365 = arith.constant 0 : i32
        %dma_wait3A_366 = tpu.memref_slice %arg19[%add3A_26, %dma_wait3A_365] : memref<10000x128xf32, #tpu.memory_space<vmem_shared>> -> memref<40x128xf32, #tpu.memory_space<vmem_shared>>
        %dma_wait3A_367 = arith.constant 0 : i32
        %dma_wait3A_368 = arith.constant 0 : i32
        %dma_wait3A_369 = tpu.memref_slice %arg9[%dma_wait3A_367, %dma_wait3A_368] : memref<125x128xf32, #tpu.memory_space<vmem>> -> memref<40x128xf32, #tpu.memory_space<vmem>>
        tpu.wait_dma2 semaphore(%run_scoped3A : memref<!tpu.dma_semaphore, #tpu.memory_space<semaphore_mem>>) src(%dma_wait3A_369 : memref<40x128xf32, #tpu.memory_space<vmem>>) dst(%dma_wait3A_366 : memref<40x128xf32, #tpu.memory_space<vmem_shared>>)
        tpu.yield
      }) : () -> ()
    } else {
    }
    %mul3A_32 = arith.constant 640 : i32
    %mul3A_33 = arith.muli %arg1, %mul3A_32 : i32
    %add3A_34 = arith.constant 120 : i32
    %add3A_35 = arith.addi %mul3A_33, %add3A_34 : i32
    %lt3A_36 = arith.constant 10000 : i32
    %lt3A_37 = arith.cmpi slt, %add3A_35, %lt3A_36 : i32
    %convert_element_type3A_38 = arith.extui %lt3A_37 : i1 to i32
    %cond3A_39 = arith.constant 0 : i32
    %cond3A_40 = arith.cmpi ne, %convert_element_type3A_38, %cond3A_39 : i32
    scf.if %cond3A_40 {
      "tpu.region"() ({
        %run_scoped3A = tpu.sem_alloc : memref<!tpu.dma_semaphore, #tpu.memory_space<semaphore_mem>>
        %dma_start3A_350 = arith.constant 0 : i32
        %dma_start3A_351 = arith.constant 0 : i32
        %dma_start3A_352 = tpu.memref_slice %arg9[%dma_start3A_350, %dma_start3A_351] : memref<125x128xf32, #tpu.memory_space<vmem>> -> memref<40x128xf32, #tpu.memory_space<vmem>>
        %dma_start3A_353 = arith.constant 0 : i32
        %dma_start3A_354 = tpu.memref_slice %arg19[%add3A_35, %dma_start3A_353] : memref<10000x128xf32, #tpu.memory_space<vmem_shared>> -> memref<40x128xf32, #tpu.memory_space<vmem_shared>>
        %dma_start3A_355 = arith.constant 0 : i32
        %dma_start3A_356 = tpu.memref_slice %arg19[%add3A_35, %dma_start3A_355] : memref<10000x128xf32, #tpu.memory_space<vmem_shared>> -> memref<40x128xf32, #tpu.memory_space<vmem_shared>>
        %dma_start3A_357 = arith.constant 0 : i32
        %dma_start3A_358 = arith.constant 0 : i32
        %dma_start3A_359 = tpu.memref_slice %arg9[%dma_start3A_357, %dma_start3A_358] : memref<125x128xf32, #tpu.memory_space<vmem>> -> memref<40x128xf32, #tpu.memory_space<vmem>>
        tpu.enqueue_dma source(%dma_start3A_359 : memref<40x128xf32, #tpu.memory_space<vmem>>) target(%dma_start3A_356 : memref<40x128xf32, #tpu.memory_space<vmem_shared>>) target_semaphore(%run_scoped3A : memref<!tpu.dma_semaphore, #tpu.memory_space<semaphore_mem>>)
        %dma_wait3A_360 = arith.constant 0 : i32
        %dma_wait3A_361 = arith.constant 0 : i32
        %dma_wait3A_362 = tpu.memref_slice %arg9[%dma_wait3A_360, %dma_wait3A_361] : memref<125x128xf32, #tpu.memory_space<vmem>> -> memref<40x128xf32, #tpu.memory_space<vmem>>
        %dma_wait3A_363 = arith.constant 0 : i32
        %dma_wait3A_364 = tpu.memref_slice %arg19[%add3A_35, %dma_wait3A_363] : memref<10000x128xf32, #tpu.memory_space<vmem_shared>> -> memref<40x128xf32, #tpu.memory_space<vmem_shared>>
        %dma_wait3A_365 = arith.constant 0 : i32
        %dma_wait3A_366 = tpu.memref_slice %arg19[%add3A_35, %dma_wait3A_365] : memref<10000x128xf32, #tpu.memory_space<vmem_shared>> -> memref<40x128xf32, #tpu.memory_space<vmem_shared>>
        %dma_wait3A_367 = arith.constant 0 : i32
        %dma_wait3A_368 = arith.constant 0 : i32
        %dma_wait3A_369 = tpu.memref_slice %arg9[%dma_wait3A_367, %dma_wait3A_368] : memref<125x128xf32, #tpu.memory_space<vmem>> -> memref<40x128xf32, #tpu.memory_space<vmem>>
        tpu.wait_dma2 semaphore(%run_scoped3A : memref<!tpu.dma_semaphore, #tpu.memory_space<semaphore_mem>>) src(%dma_wait3A_369 : memref<40x128xf32, #tpu.memory_space<vmem>>) dst(%dma_wait3A_366 : memref<40x128xf32, #tpu.memory_space<vmem_shared>>)
        tpu.yield
      }) : () -> ()
    } else {
    }
    %mul3A_41 = arith.constant 640 : i32
    %mul3A_42 = arith.muli %arg1, %mul3A_41 : i32
    %add3A_43 = arith.constant 160 : i32
    %add3A_44 = arith.addi %mul3A_42, %add3A_43 : i32
    %lt3A_45 = arith.constant 10000 : i32
    %lt3A_46 = arith.cmpi slt, %add3A_44, %lt3A_45 : i32
    %convert_element_type3A_47 = arith.extui %lt3A_46 : i1 to i32
    %cond3A_48 = arith.constant 0 : i32
    %cond3A_49 = arith.cmpi ne, %convert_element_type3A_47, %cond3A_48 : i32
    scf.if %cond3A_49 {
      "tpu.region"() ({
        %run_scoped3A = tpu.sem_alloc : memref<!tpu.dma_semaphore, #tpu.memory_space<semaphore_mem>>
        %dma_start3A_350 = arith.constant 0 : i32
        %dma_start3A_351 = arith.constant 0 : i32
        %dma_start3A_352 = tpu.memref_slice %arg9[%dma_start3A_350, %dma_start3A_351] : memref<125x128xf32, #tpu.memory_space<vmem>> -> memref<40x128xf32, #tpu.memory_space<vmem>>
        %dma_start3A_353 = arith.constant 0 : i32
        %dma_start3A_354 = tpu.memref_slice %arg19[%add3A_44, %dma_start3A_353] : memref<10000x128xf32, #tpu.memory_space<vmem_shared>> -> memref<40x128xf32, #tpu.memory_space<vmem_shared>>
        %dma_start3A_355 = arith.constant 0 : i32
        %dma_start3A_356 = tpu.memref_slice %arg19[%add3A_44, %dma_start3A_355] : memref<10000x128xf32, #tpu.memory_space<vmem_shared>> -> memref<40x128xf32, #tpu.memory_space<vmem_shared>>
        %dma_start3A_357 = arith.constant 0 : i32
        %dma_start3A_358 = arith.constant 0 : i32
        %dma_start3A_359 = tpu.memref_slice %arg9[%dma_start3A_357, %dma_start3A_358] : memref<125x128xf32, #tpu.memory_space<vmem>> -> memref<40x128xf32, #tpu.memory_space<vmem>>
        tpu.enqueue_dma source(%dma_start3A_359 : memref<40x128xf32, #tpu.memory_space<vmem>>) target(%dma_start3A_356 : memref<40x128xf32, #tpu.memory_space<vmem_shared>>) target_semaphore(%run_scoped3A : memref<!tpu.dma_semaphore, #tpu.memory_space<semaphore_mem>>)
        %dma_wait3A_360 = arith.constant 0 : i32
        %dma_wait3A_361 = arith.constant 0 : i32
        %dma_wait3A_362 = tpu.memref_slice %arg9[%dma_wait3A_360, %dma_wait3A_361] : memref<125x128xf32, #tpu.memory_space<vmem>> -> memref<40x128xf32, #tpu.memory_space<vmem>>
        %dma_wait3A_363 = arith.constant 0 : i32
        %dma_wait3A_364 = tpu.memref_slice %arg19[%add3A_44, %dma_wait3A_363] : memref<10000x128xf32, #tpu.memory_space<vmem_shared>> -> memref<40x128xf32, #tpu.memory_space<vmem_shared>>
        %dma_wait3A_365 = arith.constant 0 : i32
        %dma_wait3A_366 = tpu.memref_slice %arg19[%add3A_44, %dma_wait3A_365] : memref<10000x128xf32, #tpu.memory_space<vmem_shared>> -> memref<40x128xf32, #tpu.memory_space<vmem_shared>>
        %dma_wait3A_367 = arith.constant 0 : i32
        %dma_wait3A_368 = arith.constant 0 : i32
        %dma_wait3A_369 = tpu.memref_slice %arg9[%dma_wait3A_367, %dma_wait3A_368] : memref<125x128xf32, #tpu.memory_space<vmem>> -> memref<40x128xf32, #tpu.memory_space<vmem>>
        tpu.wait_dma2 semaphore(%run_scoped3A : memref<!tpu.dma_semaphore, #tpu.memory_space<semaphore_mem>>) src(%dma_wait3A_369 : memref<40x128xf32, #tpu.memory_space<vmem>>) dst(%dma_wait3A_366 : memref<40x128xf32, #tpu.memory_space<vmem_shared>>)
        tpu.yield
      }) : () -> ()
    } else {
    }
    %mul3A_50 = arith.constant 640 : i32
    %mul3A_51 = arith.muli %arg1, %mul3A_50 : i32
    %add3A_52 = arith.constant 200 : i32
    %add3A_53 = arith.addi %mul3A_51, %add3A_52 : i32
    %lt3A_54 = arith.constant 10000 : i32
    %lt3A_55 = arith.cmpi slt, %add3A_53, %lt3A_54 : i32
    %convert_element_type3A_56 = arith.extui %lt3A_55 : i1 to i32
    %cond3A_57 = arith.constant 0 : i32
    %cond3A_58 = arith.cmpi ne, %convert_element_type3A_56, %cond3A_57 : i32
    scf.if %cond3A_58 {
      "tpu.region"() ({
        %run_scoped3A = tpu.sem_alloc : memref<!tpu.dma_semaphore, #tpu.memory_space<semaphore_mem>>
        %dma_start3A_350 = arith.constant 0 : i32
        %dma_start3A_351 = arith.constant 0 : i32
        %dma_start3A_352 = tpu.memref_slice %arg9[%dma_start3A_350, %dma_start3A_351] : memref<125x128xf32, #tpu.memory_space<vmem>> -> memref<40x128xf32, #tpu.memory_space<vmem>>
        %dma_start3A_353 = arith.constant 0 : i32
        %dma_start3A_354 = tpu.memref_slice %arg19[%add3A_53, %dma_start3A_353] : memref<10000x128xf32, #tpu.memory_space<vmem_shared>> -> memref<40x128xf32, #tpu.memory_space<vmem_shared>>
        %dma_start3A_355 = arith.constant 0 : i32
        %dma_start3A_356 = tpu.memref_slice %arg19[%add3A_53, %dma_start3A_355] : memref<10000x128xf32, #tpu.memory_space<vmem_shared>> -> memref<40x128xf32, #tpu.memory_space<vmem_shared>>
        %dma_start3A_357 = arith.constant 0 : i32
        %dma_start3A_358 = arith.constant 0 : i32
        %dma_start3A_359 = tpu.memref_slice %arg9[%dma_start3A_357, %dma_start3A_358] : memref<125x128xf32, #tpu.memory_space<vmem>> -> memref<40x128xf32, #tpu.memory_space<vmem>>
        tpu.enqueue_dma source(%dma_start3A_359 : memref<40x128xf32, #tpu.memory_space<vmem>>) target(%dma_start3A_356 : memref<40x128xf32, #tpu.memory_space<vmem_shared>>) target_semaphore(%run_scoped3A : memref<!tpu.dma_semaphore, #tpu.memory_space<semaphore_mem>>)
        %dma_wait3A_360 = arith.constant 0 : i32
        %dma_wait3A_361 = arith.constant 0 : i32
        %dma_wait3A_362 = tpu.memref_slice %arg9[%dma_wait3A_360, %dma_wait3A_361] : memref<125x128xf32, #tpu.memory_space<vmem>> -> memref<40x128xf32, #tpu.memory_space<vmem>>
        %dma_wait3A_363 = arith.constant 0 : i32
        %dma_wait3A_364 = tpu.memref_slice %arg19[%add3A_53, %dma_wait3A_363] : memref<10000x128xf32, #tpu.memory_space<vmem_shared>> -> memref<40x128xf32, #tpu.memory_space<vmem_shared>>
        %dma_wait3A_365 = arith.constant 0 : i32
        %dma_wait3A_366 = tpu.memref_slice %arg19[%add3A_53, %dma_wait3A_365] : memref<10000x128xf32, #tpu.memory_space<vmem_shared>> -> memref<40x128xf32, #tpu.memory_space<vmem_shared>>
        %dma_wait3A_367 = arith.constant 0 : i32
        %dma_wait3A_368 = arith.constant 0 : i32
        %dma_wait3A_369 = tpu.memref_slice %arg9[%dma_wait3A_367, %dma_wait3A_368] : memref<125x128xf32, #tpu.memory_space<vmem>> -> memref<40x128xf32, #tpu.memory_space<vmem>>
        tpu.wait_dma2 semaphore(%run_scoped3A : memref<!tpu.dma_semaphore, #tpu.memory_space<semaphore_mem>>) src(%dma_wait3A_369 : memref<40x128xf32, #tpu.memory_space<vmem>>) dst(%dma_wait3A_366 : memref<40x128xf32, #tpu.memory_space<vmem_shared>>)
        tpu.yield
      }) : () -> ()
    } else {
    }
    %mul3A_59 = arith.constant 640 : i32
    %mul3A_60 = arith.muli %arg1, %mul3A_59 : i32
    %add3A_61 = arith.constant 240 : i32
    %add3A_62 = arith.addi %mul3A_60, %add3A_61 : i32
    %lt3A_63 = arith.constant 10000 : i32
    %lt3A_64 = arith.cmpi slt, %add3A_62, %lt3A_63 : i32
    %convert_element_type3A_65 = arith.extui %lt3A_64 : i1 to i32
    %cond3A_66 = arith.constant 0 : i32
    %cond3A_67 = arith.cmpi ne, %convert_element_type3A_65, %cond3A_66 : i32
    scf.if %cond3A_67 {
      "tpu.region"() ({
        %run_scoped3A = tpu.sem_alloc : memref<!tpu.dma_semaphore, #tpu.memory_space<semaphore_mem>>
        %dma_start3A_350 = arith.constant 0 : i32
        %dma_start3A_351 = arith.constant 0 : i32
        %dma_start3A_352 = tpu.memref_slice %arg9[%dma_start3A_350, %dma_start3A_351] : memref<125x128xf32, #tpu.memory_space<vmem>> -> memref<40x128xf32, #tpu.memory_space<vmem>>
        %dma_start3A_353 = arith.constant 0 : i32
        %dma_start3A_354 = tpu.memref_slice %arg19[%add3A_62, %dma_start3A_353] : memref<10000x128xf32, #tpu.memory_space<vmem_shared>> -> memref<40x128xf32, #tpu.memory_space<vmem_shared>>
        %dma_start3A_355 = arith.constant 0 : i32
        %dma_start3A_356 = tpu.memref_slice %arg19[%add3A_62, %dma_start3A_355] : memref<10000x128xf32, #tpu.memory_space<vmem_shared>> -> memref<40x128xf32, #tpu.memory_space<vmem_shared>>
        %dma_start3A_357 = arith.constant 0 : i32
        %dma_start3A_358 = arith.constant 0 : i32
        %dma_start3A_359 = tpu.memref_slice %arg9[%dma_start3A_357, %dma_start3A_358] : memref<125x128xf32, #tpu.memory_space<vmem>> -> memref<40x128xf32, #tpu.memory_space<vmem>>
        tpu.enqueue_dma source(%dma_start3A_359 : memref<40x128xf32, #tpu.memory_space<vmem>>) target(%dma_start3A_356 : memref<40x128xf32, #tpu.memory_space<vmem_shared>>) target_semaphore(%run_scoped3A : memref<!tpu.dma_semaphore, #tpu.memory_space<semaphore_mem>>)
        %dma_wait3A_360 = arith.constant 0 : i32
        %dma_wait3A_361 = arith.constant 0 : i32
        %dma_wait3A_362 = tpu.memref_slice %arg9[%dma_wait3A_360, %dma_wait3A_361] : memref<125x128xf32, #tpu.memory_space<vmem>> -> memref<40x128xf32, #tpu.memory_space<vmem>>
        %dma_wait3A_363 = arith.constant 0 : i32
        %dma_wait3A_364 = tpu.memref_slice %arg19[%add3A_62, %dma_wait3A_363] : memref<10000x128xf32, #tpu.memory_space<vmem_shared>> -> memref<40x128xf32, #tpu.memory_space<vmem_shared>>
        %dma_wait3A_365 = arith.constant 0 : i32
        %dma_wait3A_366 = tpu.memref_slice %arg19[%add3A_62, %dma_wait3A_365] : memref<10000x128xf32, #tpu.memory_space<vmem_shared>> -> memref<40x128xf32, #tpu.memory_space<vmem_shared>>
        %dma_wait3A_367 = arith.constant 0 : i32
        %dma_wait3A_368 = arith.constant 0 : i32
        %dma_wait3A_369 = tpu.memref_slice %arg9[%dma_wait3A_367, %dma_wait3A_368] : memref<125x128xf32, #tpu.memory_space<vmem>> -> memref<40x128xf32, #tpu.memory_space<vmem>>
        tpu.wait_dma2 semaphore(%run_scoped3A : memref<!tpu.dma_semaphore, #tpu.memory_space<semaphore_mem>>) src(%dma_wait3A_369 : memref<40x128xf32, #tpu.memory_space<vmem>>) dst(%dma_wait3A_366 : memref<40x128xf32, #tpu.memory_space<vmem_shared>>)
        tpu.yield
      }) : () -> ()
    } else {
    }
    %mul3A_68 = arith.constant 640 : i32
    %mul3A_69 = arith.muli %arg1, %mul3A_68 : i32
    %add3A_70 = arith.constant 280 : i32
    %add3A_71 = arith.addi %mul3A_69, %add3A_70 : i32
    %lt3A_72 = arith.constant 10000 : i32
    %lt3A_73 = arith.cmpi slt, %add3A_71, %lt3A_72 : i32
    %convert_element_type3A_74 = arith.extui %lt3A_73 : i1 to i32
    %cond3A_75 = arith.constant 0 : i32
    %cond3A_76 = arith.cmpi ne, %convert_element_type3A_74, %cond3A_75 : i32
    scf.if %cond3A_76 {
      "tpu.region"() ({
        %run_scoped3A = tpu.sem_alloc : memref<!tpu.dma_semaphore, #tpu.memory_space<semaphore_mem>>
        %dma_start3A_350 = arith.constant 0 : i32
        %dma_start3A_351 = arith.constant 0 : i32
        %dma_start3A_352 = tpu.memref_slice %arg9[%dma_start3A_350, %dma_start3A_351] : memref<125x128xf32, #tpu.memory_space<vmem>> -> memref<40x128xf32, #tpu.memory_space<vmem>>
        %dma_start3A_353 = arith.constant 0 : i32
        %dma_start3A_354 = tpu.memref_slice %arg19[%add3A_71, %dma_start3A_353] : memref<10000x128xf32, #tpu.memory_space<vmem_shared>> -> memref<40x128xf32, #tpu.memory_space<vmem_shared>>
        %dma_start3A_355 = arith.constant 0 : i32
        %dma_start3A_356 = tpu.memref_slice %arg19[%add3A_71, %dma_start3A_355] : memref<10000x128xf32, #tpu.memory_space<vmem_shared>> -> memref<40x128xf32, #tpu.memory_space<vmem_shared>>
        %dma_start3A_357 = arith.constant 0 : i32
        %dma_start3A_358 = arith.constant 0 : i32
        %dma_start3A_359 = tpu.memref_slice %arg9[%dma_start3A_357, %dma_start3A_358] : memref<125x128xf32, #tpu.memory_space<vmem>> -> memref<40x128xf32, #tpu.memory_space<vmem>>
        tpu.enqueue_dma source(%dma_start3A_359 : memref<40x128xf32, #tpu.memory_space<vmem>>) target(%dma_start3A_356 : memref<40x128xf32, #tpu.memory_space<vmem_shared>>) target_semaphore(%run_scoped3A : memref<!tpu.dma_semaphore, #tpu.memory_space<semaphore_mem>>)
        %dma_wait3A_360 = arith.constant 0 : i32
        %dma_wait3A_361 = arith.constant 0 : i32
        %dma_wait3A_362 = tpu.memref_slice %arg9[%dma_wait3A_360, %dma_wait3A_361] : memref<125x128xf32, #tpu.memory_space<vmem>> -> memref<40x128xf32, #tpu.memory_space<vmem>>
        %dma_wait3A_363 = arith.constant 0 : i32
        %dma_wait3A_364 = tpu.memref_slice %arg19[%add3A_71, %dma_wait3A_363] : memref<10000x128xf32, #tpu.memory_space<vmem_shared>> -> memref<40x128xf32, #tpu.memory_space<vmem_shared>>
        %dma_wait3A_365 = arith.constant 0 : i32
        %dma_wait3A_366 = tpu.memref_slice %arg19[%add3A_71, %dma_wait3A_365] : memref<10000x128xf32, #tpu.memory_space<vmem_shared>> -> memref<40x128xf32, #tpu.memory_space<vmem_shared>>
        %dma_wait3A_367 = arith.constant 0 : i32
        %dma_wait3A_368 = arith.constant 0 : i32
        %dma_wait3A_369 = tpu.memref_slice %arg9[%dma_wait3A_367, %dma_wait3A_368] : memref<125x128xf32, #tpu.memory_space<vmem>> -> memref<40x128xf32, #tpu.memory_space<vmem>>
        tpu.wait_dma2 semaphore(%run_scoped3A : memref<!tpu.dma_semaphore, #tpu.memory_space<semaphore_mem>>) src(%dma_wait3A_369 : memref<40x128xf32, #tpu.memory_space<vmem>>) dst(%dma_wait3A_366 : memref<40x128xf32, #tpu.memory_space<vmem_shared>>)
        tpu.yield
      }) : () -> ()
    } else {
    }
    %mul3A_77 = arith.constant 640 : i32
    %mul3A_78 = arith.muli %arg1, %mul3A_77 : i32
    %add3A_79 = arith.constant 320 : i32
    %add3A_80 = arith.addi %mul3A_78, %add3A_79 : i32
    %lt3A_81 = arith.constant 10000 : i32
    %lt3A_82 = arith.cmpi slt, %add3A_80, %lt3A_81 : i32
    %convert_element_type3A_83 = arith.extui %lt3A_82 : i1 to i32
    %cond3A_84 = arith.constant 0 : i32
    %cond3A_85 = arith.cmpi ne, %convert_element_type3A_83, %cond3A_84 : i32
    scf.if %cond3A_85 {
      "tpu.region"() ({
        %run_scoped3A = tpu.sem_alloc : memref<!tpu.dma_semaphore, #tpu.memory_space<semaphore_mem>>
        %dma_start3A_350 = arith.constant 0 : i32
        %dma_start3A_351 = arith.constant 0 : i32
        %dma_start3A_352 = tpu.memref_slice %arg9[%dma_start3A_350, %dma_start3A_351] : memref<125x128xf32, #tpu.memory_space<vmem>> -> memref<40x128xf32, #tpu.memory_space<vmem>>
        %dma_start3A_353 = arith.constant 0 : i32
        %dma_start3A_354 = tpu.memref_slice %arg19[%add3A_80, %dma_start3A_353] : memref<10000x128xf32, #tpu.memory_space<vmem_shared>> -> memref<40x128xf32, #tpu.memory_space<vmem_shared>>
        %dma_start3A_355 = arith.constant 0 : i32
        %dma_start3A_356 = tpu.memref_slice %arg19[%add3A_80, %dma_start3A_355] : memref<10000x128xf32, #tpu.memory_space<vmem_shared>> -> memref<40x128xf32, #tpu.memory_space<vmem_shared>>
        %dma_start3A_357 = arith.constant 0 : i32
        %dma_start3A_358 = arith.constant 0 : i32
        %dma_start3A_359 = tpu.memref_slice %arg9[%dma_start3A_357, %dma_start3A_358] : memref<125x128xf32, #tpu.memory_space<vmem>> -> memref<40x128xf32, #tpu.memory_space<vmem>>
        tpu.enqueue_dma source(%dma_start3A_359 : memref<40x128xf32, #tpu.memory_space<vmem>>) target(%dma_start3A_356 : memref<40x128xf32, #tpu.memory_space<vmem_shared>>) target_semaphore(%run_scoped3A : memref<!tpu.dma_semaphore, #tpu.memory_space<semaphore_mem>>)
        %dma_wait3A_360 = arith.constant 0 : i32
        %dma_wait3A_361 = arith.constant 0 : i32
        %dma_wait3A_362 = tpu.memref_slice %arg9[%dma_wait3A_360, %dma_wait3A_361] : memref<125x128xf32, #tpu.memory_space<vmem>> -> memref<40x128xf32, #tpu.memory_space<vmem>>
        %dma_wait3A_363 = arith.constant 0 : i32
        %dma_wait3A_364 = tpu.memref_slice %arg19[%add3A_80, %dma_wait3A_363] : memref<10000x128xf32, #tpu.memory_space<vmem_shared>> -> memref<40x128xf32, #tpu.memory_space<vmem_shared>>
        %dma_wait3A_365 = arith.constant 0 : i32
        %dma_wait3A_366 = tpu.memref_slice %arg19[%add3A_80, %dma_wait3A_365] : memref<10000x128xf32, #tpu.memory_space<vmem_shared>> -> memref<40x128xf32, #tpu.memory_space<vmem_shared>>
        %dma_wait3A_367 = arith.constant 0 : i32
        %dma_wait3A_368 = arith.constant 0 : i32
        %dma_wait3A_369 = tpu.memref_slice %arg9[%dma_wait3A_367, %dma_wait3A_368] : memref<125x128xf32, #tpu.memory_space<vmem>> -> memref<40x128xf32, #tpu.memory_space<vmem>>
        tpu.wait_dma2 semaphore(%run_scoped3A : memref<!tpu.dma_semaphore, #tpu.memory_space<semaphore_mem>>) src(%dma_wait3A_369 : memref<40x128xf32, #tpu.memory_space<vmem>>) dst(%dma_wait3A_366 : memref<40x128xf32, #tpu.memory_space<vmem_shared>>)
        tpu.yield
      }) : () -> ()
    } else {
    }
    %mul3A_86 = arith.constant 640 : i32
    %mul3A_87 = arith.muli %arg1, %mul3A_86 : i32
    %add3A_88 = arith.constant 360 : i32
    %add3A_89 = arith.addi %mul3A_87, %add3A_88 : i32
    %lt3A_90 = arith.constant 10000 : i32
    %lt3A_91 = arith.cmpi slt, %add3A_89, %lt3A_90 : i32
    %convert_element_type3A_92 = arith.extui %lt3A_91 : i1 to i32
    %cond3A_93 = arith.constant 0 : i32
    %cond3A_94 = arith.cmpi ne, %convert_element_type3A_92, %cond3A_93 : i32
    scf.if %cond3A_94 {
      "tpu.region"() ({
        %run_scoped3A = tpu.sem_alloc : memref<!tpu.dma_semaphore, #tpu.memory_space<semaphore_mem>>
        %dma_start3A_350 = arith.constant 0 : i32
        %dma_start3A_351 = arith.constant 0 : i32
        %dma_start3A_352 = tpu.memref_slice %arg9[%dma_start3A_350, %dma_start3A_351] : memref<125x128xf32, #tpu.memory_space<vmem>> -> memref<40x128xf32, #tpu.memory_space<vmem>>
        %dma_start3A_353 = arith.constant 0 : i32
        %dma_start3A_354 = tpu.memref_slice %arg19[%add3A_89, %dma_start3A_353] : memref<10000x128xf32, #tpu.memory_space<vmem_shared>> -> memref<40x128xf32, #tpu.memory_space<vmem_shared>>
        %dma_start3A_355 = arith.constant 0 : i32
        %dma_start3A_356 = tpu.memref_slice %arg19[%add3A_89, %dma_start3A_355] : memref<10000x128xf32, #tpu.memory_space<vmem_shared>> -> memref<40x128xf32, #tpu.memory_space<vmem_shared>>
        %dma_start3A_357 = arith.constant 0 : i32
        %dma_start3A_358 = arith.constant 0 : i32
        %dma_start3A_359 = tpu.memref_slice %arg9[%dma_start3A_357, %dma_start3A_358] : memref<125x128xf32, #tpu.memory_space<vmem>> -> memref<40x128xf32, #tpu.memory_space<vmem>>
        tpu.enqueue_dma source(%dma_start3A_359 : memref<40x128xf32, #tpu.memory_space<vmem>>) target(%dma_start3A_356 : memref<40x128xf32, #tpu.memory_space<vmem_shared>>) target_semaphore(%run_scoped3A : memref<!tpu.dma_semaphore, #tpu.memory_space<semaphore_mem>>)
        %dma_wait3A_360 = arith.constant 0 : i32
        %dma_wait3A_361 = arith.constant 0 : i32
        %dma_wait3A_362 = tpu.memref_slice %arg9[%dma_wait3A_360, %dma_wait3A_361] : memref<125x128xf32, #tpu.memory_space<vmem>> -> memref<40x128xf32, #tpu.memory_space<vmem>>
        %dma_wait3A_363 = arith.constant 0 : i32
        %dma_wait3A_364 = tpu.memref_slice %arg19[%add3A_89, %dma_wait3A_363] : memref<10000x128xf32, #tpu.memory_space<vmem_shared>> -> memref<40x128xf32, #tpu.memory_space<vmem_shared>>
        %dma_wait3A_365 = arith.constant 0 : i32
        %dma_wait3A_366 = tpu.memref_slice %arg19[%add3A_89, %dma_wait3A_365] : memref<10000x128xf32, #tpu.memory_space<vmem_shared>> -> memref<40x128xf32, #tpu.memory_space<vmem_shared>>
        %dma_wait3A_367 = arith.constant 0 : i32
        %dma_wait3A_368 = arith.constant 0 : i32
        %dma_wait3A_369 = tpu.memref_slice %arg9[%dma_wait3A_367, %dma_wait3A_368] : memref<125x128xf32, #tpu.memory_space<vmem>> -> memref<40x128xf32, #tpu.memory_space<vmem>>
        tpu.wait_dma2 semaphore(%run_scoped3A : memref<!tpu.dma_semaphore, #tpu.memory_space<semaphore_mem>>) src(%dma_wait3A_369 : memref<40x128xf32, #tpu.memory_space<vmem>>) dst(%dma_wait3A_366 : memref<40x128xf32, #tpu.memory_space<vmem_shared>>)
        tpu.yield
      }) : () -> ()
    } else {
    }
    %mul3A_95 = arith.constant 640 : i32
    %mul3A_96 = arith.muli %arg1, %mul3A_95 : i32
    %add3A_97 = arith.constant 400 : i32
    %add3A_98 = arith.addi %mul3A_96, %add3A_97 : i32
    %lt3A_99 = arith.constant 10000 : i32
    %lt3A_100 = arith.cmpi slt, %add3A_98, %lt3A_99 : i32
    %convert_element_type3A_101 = arith.extui %lt3A_100 : i1 to i32
    %cond3A_102 = arith.constant 0 : i32
    %cond3A_103 = arith.cmpi ne, %convert_element_type3A_101, %cond3A_102 : i32
    scf.if %cond3A_103 {
      "tpu.region"() ({
        %run_scoped3A = tpu.sem_alloc : memref<!tpu.dma_semaphore, #tpu.memory_space<semaphore_mem>>
        %dma_start3A_350 = arith.constant 0 : i32
        %dma_start3A_351 = arith.constant 0 : i32
        %dma_start3A_352 = tpu.memref_slice %arg9[%dma_start3A_350, %dma_start3A_351] : memref<125x128xf32, #tpu.memory_space<vmem>> -> memref<40x128xf32, #tpu.memory_space<vmem>>
        %dma_start3A_353 = arith.constant 0 : i32
        %dma_start3A_354 = tpu.memref_slice %arg19[%add3A_98, %dma_start3A_353] : memref<10000x128xf32, #tpu.memory_space<vmem_shared>> -> memref<40x128xf32, #tpu.memory_space<vmem_shared>>
        %dma_start3A_355 = arith.constant 0 : i32
        %dma_start3A_356 = tpu.memref_slice %arg19[%add3A_98, %dma_start3A_355] : memref<10000x128xf32, #tpu.memory_space<vmem_shared>> -> memref<40x128xf32, #tpu.memory_space<vmem_shared>>
        %dma_start3A_357 = arith.constant 0 : i32
        %dma_start3A_358 = arith.constant 0 : i32
        %dma_start3A_359 = tpu.memref_slice %arg9[%dma_start3A_357, %dma_start3A_358] : memref<125x128xf32, #tpu.memory_space<vmem>> -> memref<40x128xf32, #tpu.memory_space<vmem>>
        tpu.enqueue_dma source(%dma_start3A_359 : memref<40x128xf32, #tpu.memory_space<vmem>>) target(%dma_start3A_356 : memref<40x128xf32, #tpu.memory_space<vmem_shared>>) target_semaphore(%run_scoped3A : memref<!tpu.dma_semaphore, #tpu.memory_space<semaphore_mem>>)
        %dma_wait3A_360 = arith.constant 0 : i32
        %dma_wait3A_361 = arith.constant 0 : i32
        %dma_wait3A_362 = tpu.memref_slice %arg9[%dma_wait3A_360, %dma_wait3A_361] : memref<125x128xf32, #tpu.memory_space<vmem>> -> memref<40x128xf32, #tpu.memory_space<vmem>>
        %dma_wait3A_363 = arith.constant 0 : i32
        %dma_wait3A_364 = tpu.memref_slice %arg19[%add3A_98, %dma_wait3A_363] : memref<10000x128xf32, #tpu.memory_space<vmem_shared>> -> memref<40x128xf32, #tpu.memory_space<vmem_shared>>
        %dma_wait3A_365 = arith.constant 0 : i32
        %dma_wait3A_366 = tpu.memref_slice %arg19[%add3A_98, %dma_wait3A_365] : memref<10000x128xf32, #tpu.memory_space<vmem_shared>> -> memref<40x128xf32, #tpu.memory_space<vmem_shared>>
        %dma_wait3A_367 = arith.constant 0 : i32
        %dma_wait3A_368 = arith.constant 0 : i32
        %dma_wait3A_369 = tpu.memref_slice %arg9[%dma_wait3A_367, %dma_wait3A_368] : memref<125x128xf32, #tpu.memory_space<vmem>> -> memref<40x128xf32, #tpu.memory_space<vmem>>
        tpu.wait_dma2 semaphore(%run_scoped3A : memref<!tpu.dma_semaphore, #tpu.memory_space<semaphore_mem>>) src(%dma_wait3A_369 : memref<40x128xf32, #tpu.memory_space<vmem>>) dst(%dma_wait3A_366 : memref<40x128xf32, #tpu.memory_space<vmem_shared>>)
        tpu.yield
      }) : () -> ()
    } else {
    }
    %mul3A_104 = arith.constant 640 : i32
    %mul3A_105 = arith.muli %arg1, %mul3A_104 : i32
    %add3A_106 = arith.constant 440 : i32
    %add3A_107 = arith.addi %mul3A_105, %add3A_106 : i32
    %lt3A_108 = arith.constant 10000 : i32
    %lt3A_109 = arith.cmpi slt, %add3A_107, %lt3A_108 : i32
    %convert_element_type3A_110 = arith.extui %lt3A_109 : i1 to i32
    %cond3A_111 = arith.constant 0 : i32
    %cond3A_112 = arith.cmpi ne, %convert_element_type3A_110, %cond3A_111 : i32
    scf.if %cond3A_112 {
      "tpu.region"() ({
        %run_scoped3A = tpu.sem_alloc : memref<!tpu.dma_semaphore, #tpu.memory_space<semaphore_mem>>
        %dma_start3A_350 = arith.constant 0 : i32
        %dma_start3A_351 = arith.constant 0 : i32
        %dma_start3A_352 = tpu.memref_slice %arg9[%dma_start3A_350, %dma_start3A_351] : memref<125x128xf32, #tpu.memory_space<vmem>> -> memref<40x128xf32, #tpu.memory_space<vmem>>
        %dma_start3A_353 = arith.constant 0 : i32
        %dma_start3A_354 = tpu.memref_slice %arg19[%add3A_107, %dma_start3A_353] : memref<10000x128xf32, #tpu.memory_space<vmem_shared>> -> memref<40x128xf32, #tpu.memory_space<vmem_shared>>
        %dma_start3A_355 = arith.constant 0 : i32
        %dma_start3A_356 = tpu.memref_slice %arg19[%add3A_107, %dma_start3A_355] : memref<10000x128xf32, #tpu.memory_space<vmem_shared>> -> memref<40x128xf32, #tpu.memory_space<vmem_shared>>
        %dma_start3A_357 = arith.constant 0 : i32
        %dma_start3A_358 = arith.constant 0 : i32
        %dma_start3A_359 = tpu.memref_slice %arg9[%dma_start3A_357, %dma_start3A_358] : memref<125x128xf32, #tpu.memory_space<vmem>> -> memref<40x128xf32, #tpu.memory_space<vmem>>
        tpu.enqueue_dma source(%dma_start3A_359 : memref<40x128xf32, #tpu.memory_space<vmem>>) target(%dma_start3A_356 : memref<40x128xf32, #tpu.memory_space<vmem_shared>>) target_semaphore(%run_scoped3A : memref<!tpu.dma_semaphore, #tpu.memory_space<semaphore_mem>>)
        %dma_wait3A_360 = arith.constant 0 : i32
        %dma_wait3A_361 = arith.constant 0 : i32
        %dma_wait3A_362 = tpu.memref_slice %arg9[%dma_wait3A_360, %dma_wait3A_361] : memref<125x128xf32, #tpu.memory_space<vmem>> -> memref<40x128xf32, #tpu.memory_space<vmem>>
        %dma_wait3A_363 = arith.constant 0 : i32
        %dma_wait3A_364 = tpu.memref_slice %arg19[%add3A_107, %dma_wait3A_363] : memref<10000x128xf32, #tpu.memory_space<vmem_shared>> -> memref<40x128xf32, #tpu.memory_space<vmem_shared>>
        %dma_wait3A_365 = arith.constant 0 : i32
        %dma_wait3A_366 = tpu.memref_slice %arg19[%add3A_107, %dma_wait3A_365] : memref<10000x128xf32, #tpu.memory_space<vmem_shared>> -> memref<40x128xf32, #tpu.memory_space<vmem_shared>>
        %dma_wait3A_367 = arith.constant 0 : i32
        %dma_wait3A_368 = arith.constant 0 : i32
        %dma_wait3A_369 = tpu.memref_slice %arg9[%dma_wait3A_367, %dma_wait3A_368] : memref<125x128xf32, #tpu.memory_space<vmem>> -> memref<40x128xf32, #tpu.memory_space<vmem>>
        tpu.wait_dma2 semaphore(%run_scoped3A : memref<!tpu.dma_semaphore, #tpu.memory_space<semaphore_mem>>) src(%dma_wait3A_369 : memref<40x128xf32, #tpu.memory_space<vmem>>) dst(%dma_wait3A_366 : memref<40x128xf32, #tpu.memory_space<vmem_shared>>)
        tpu.yield
      }) : () -> ()
    } else {
    }
    %mul3A_113 = arith.constant 640 : i32
    %mul3A_114 = arith.muli %arg1, %mul3A_113 : i32
    %add3A_115 = arith.constant 480 : i32
    %add3A_116 = arith.addi %mul3A_114, %add3A_115 : i32
    %lt3A_117 = arith.constant 10000 : i32
    %lt3A_118 = arith.cmpi slt, %add3A_116, %lt3A_117 : i32
    %convert_element_type3A_119 = arith.extui %lt3A_118 : i1 to i32
    %cond3A_120 = arith.constant 0 : i32
    %cond3A_121 = arith.cmpi ne, %convert_element_type3A_119, %cond3A_120 : i32
    scf.if %cond3A_121 {
      "tpu.region"() ({
        %run_scoped3A = tpu.sem_alloc : memref<!tpu.dma_semaphore, #tpu.memory_space<semaphore_mem>>
        %dma_start3A_350 = arith.constant 0 : i32
        %dma_start3A_351 = arith.constant 0 : i32
        %dma_start3A_352 = tpu.memref_slice %arg9[%dma_start3A_350, %dma_start3A_351] : memref<125x128xf32, #tpu.memory_space<vmem>> -> memref<40x128xf32, #tpu.memory_space<vmem>>
        %dma_start3A_353 = arith.constant 0 : i32
        %dma_start3A_354 = tpu.memref_slice %arg19[%add3A_116, %dma_start3A_353] : memref<10000x128xf32, #tpu.memory_space<vmem_shared>> -> memref<40x128xf32, #tpu.memory_space<vmem_shared>>
        %dma_start3A_355 = arith.constant 0 : i32
        %dma_start3A_356 = tpu.memref_slice %arg19[%add3A_116, %dma_start3A_355] : memref<10000x128xf32, #tpu.memory_space<vmem_shared>> -> memref<40x128xf32, #tpu.memory_space<vmem_shared>>
        %dma_start3A_357 = arith.constant 0 : i32
        %dma_start3A_358 = arith.constant 0 : i32
        %dma_start3A_359 = tpu.memref_slice %arg9[%dma_start3A_357, %dma_start3A_358] : memref<125x128xf32, #tpu.memory_space<vmem>> -> memref<40x128xf32, #tpu.memory_space<vmem>>
        tpu.enqueue_dma source(%dma_start3A_359 : memref<40x128xf32, #tpu.memory_space<vmem>>) target(%dma_start3A_356 : memref<40x128xf32, #tpu.memory_space<vmem_shared>>) target_semaphore(%run_scoped3A : memref<!tpu.dma_semaphore, #tpu.memory_space<semaphore_mem>>)
        %dma_wait3A_360 = arith.constant 0 : i32
        %dma_wait3A_361 = arith.constant 0 : i32
        %dma_wait3A_362 = tpu.memref_slice %arg9[%dma_wait3A_360, %dma_wait3A_361] : memref<125x128xf32, #tpu.memory_space<vmem>> -> memref<40x128xf32, #tpu.memory_space<vmem>>
        %dma_wait3A_363 = arith.constant 0 : i32
        %dma_wait3A_364 = tpu.memref_slice %arg19[%add3A_116, %dma_wait3A_363] : memref<10000x128xf32, #tpu.memory_space<vmem_shared>> -> memref<40x128xf32, #tpu.memory_space<vmem_shared>>
        %dma_wait3A_365 = arith.constant 0 : i32
        %dma_wait3A_366 = tpu.memref_slice %arg19[%add3A_116, %dma_wait3A_365] : memref<10000x128xf32, #tpu.memory_space<vmem_shared>> -> memref<40x128xf32, #tpu.memory_space<vmem_shared>>
        %dma_wait3A_367 = arith.constant 0 : i32
        %dma_wait3A_368 = arith.constant 0 : i32
        %dma_wait3A_369 = tpu.memref_slice %arg9[%dma_wait3A_367, %dma_wait3A_368] : memref<125x128xf32, #tpu.memory_space<vmem>> -> memref<40x128xf32, #tpu.memory_space<vmem>>
        tpu.wait_dma2 semaphore(%run_scoped3A : memref<!tpu.dma_semaphore, #tpu.memory_space<semaphore_mem>>) src(%dma_wait3A_369 : memref<40x128xf32, #tpu.memory_space<vmem>>) dst(%dma_wait3A_366 : memref<40x128xf32, #tpu.memory_space<vmem_shared>>)
        tpu.yield
      }) : () -> ()
    } else {
    }
    %mul3A_122 = arith.constant 640 : i32
    %mul3A_123 = arith.muli %arg1, %mul3A_122 : i32
    %add3A_124 = arith.constant 520 : i32
    %add3A_125 = arith.addi %mul3A_123, %add3A_124 : i32
    %lt3A_126 = arith.constant 10000 : i32
    %lt3A_127 = arith.cmpi slt, %add3A_125, %lt3A_126 : i32
    %convert_element_type3A_128 = arith.extui %lt3A_127 : i1 to i32
    %cond3A_129 = arith.constant 0 : i32
    %cond3A_130 = arith.cmpi ne, %convert_element_type3A_128, %cond3A_129 : i32
    scf.if %cond3A_130 {
      "tpu.region"() ({
        %run_scoped3A = tpu.sem_alloc : memref<!tpu.dma_semaphore, #tpu.memory_space<semaphore_mem>>
        %dma_start3A_350 = arith.constant 0 : i32
        %dma_start3A_351 = arith.constant 0 : i32
        %dma_start3A_352 = tpu.memref_slice %arg9[%dma_start3A_350, %dma_start3A_351] : memref<125x128xf32, #tpu.memory_space<vmem>> -> memref<40x128xf32, #tpu.memory_space<vmem>>
        %dma_start3A_353 = arith.constant 0 : i32
        %dma_start3A_354 = tpu.memref_slice %arg19[%add3A_125, %dma_start3A_353] : memref<10000x128xf32, #tpu.memory_space<vmem_shared>> -> memref<40x128xf32, #tpu.memory_space<vmem_shared>>
        %dma_start3A_355 = arith.constant 0 : i32
        %dma_start3A_356 = tpu.memref_slice %arg19[%add3A_125, %dma_start3A_355] : memref<10000x128xf32, #tpu.memory_space<vmem_shared>> -> memref<40x128xf32, #tpu.memory_space<vmem_shared>>
        %dma_start3A_357 = arith.constant 0 : i32
        %dma_start3A_358 = arith.constant 0 : i32
        %dma_start3A_359 = tpu.memref_slice %arg9[%dma_start3A_357, %dma_start3A_358] : memref<125x128xf32, #tpu.memory_space<vmem>> -> memref<40x128xf32, #tpu.memory_space<vmem>>
        tpu.enqueue_dma source(%dma_start3A_359 : memref<40x128xf32, #tpu.memory_space<vmem>>) target(%dma_start3A_356 : memref<40x128xf32, #tpu.memory_space<vmem_shared>>) target_semaphore(%run_scoped3A : memref<!tpu.dma_semaphore, #tpu.memory_space<semaphore_mem>>)
        %dma_wait3A_360 = arith.constant 0 : i32
        %dma_wait3A_361 = arith.constant 0 : i32
        %dma_wait3A_362 = tpu.memref_slice %arg9[%dma_wait3A_360, %dma_wait3A_361] : memref<125x128xf32, #tpu.memory_space<vmem>> -> memref<40x128xf32, #tpu.memory_space<vmem>>
        %dma_wait3A_363 = arith.constant 0 : i32
        %dma_wait3A_364 = tpu.memref_slice %arg19[%add3A_125, %dma_wait3A_363] : memref<10000x128xf32, #tpu.memory_space<vmem_shared>> -> memref<40x128xf32, #tpu.memory_space<vmem_shared>>
        %dma_wait3A_365 = arith.constant 0 : i32
        %dma_wait3A_366 = tpu.memref_slice %arg19[%add3A_125, %dma_wait3A_365] : memref<10000x128xf32, #tpu.memory_space<vmem_shared>> -> memref<40x128xf32, #tpu.memory_space<vmem_shared>>
        %dma_wait3A_367 = arith.constant 0 : i32
        %dma_wait3A_368 = arith.constant 0 : i32
        %dma_wait3A_369 = tpu.memref_slice %arg9[%dma_wait3A_367, %dma_wait3A_368] : memref<125x128xf32, #tpu.memory_space<vmem>> -> memref<40x128xf32, #tpu.memory_space<vmem>>
        tpu.wait_dma2 semaphore(%run_scoped3A : memref<!tpu.dma_semaphore, #tpu.memory_space<semaphore_mem>>) src(%dma_wait3A_369 : memref<40x128xf32, #tpu.memory_space<vmem>>) dst(%dma_wait3A_366 : memref<40x128xf32, #tpu.memory_space<vmem_shared>>)
        tpu.yield
      }) : () -> ()
    } else {
    }
    %mul3A_131 = arith.constant 640 : i32
    %mul3A_132 = arith.muli %arg1, %mul3A_131 : i32
    %add3A_133 = arith.constant 560 : i32
    %add3A_134 = arith.addi %mul3A_132, %add3A_133 : i32
    %lt3A_135 = arith.constant 10000 : i32
    %lt3A_136 = arith.cmpi slt, %add3A_134, %lt3A_135 : i32
    %convert_element_type3A_137 = arith.extui %lt3A_136 : i1 to i32
    %cond3A_138 = arith.constant 0 : i32
    %cond3A_139 = arith.cmpi ne, %convert_element_type3A_137, %cond3A_138 : i32
    scf.if %cond3A_139 {
      "tpu.region"() ({
        %run_scoped3A = tpu.sem_alloc : memref<!tpu.dma_semaphore, #tpu.memory_space<semaphore_mem>>
        %dma_start3A_350 = arith.constant 0 : i32
        %dma_start3A_351 = arith.constant 0 : i32
        %dma_start3A_352 = tpu.memref_slice %arg9[%dma_start3A_350, %dma_start3A_351] : memref<125x128xf32, #tpu.memory_space<vmem>> -> memref<40x128xf32, #tpu.memory_space<vmem>>
        %dma_start3A_353 = arith.constant 0 : i32
        %dma_start3A_354 = tpu.memref_slice %arg19[%add3A_134, %dma_start3A_353] : memref<10000x128xf32, #tpu.memory_space<vmem_shared>> -> memref<40x128xf32, #tpu.memory_space<vmem_shared>>
        %dma_start3A_355 = arith.constant 0 : i32
        %dma_start3A_356 = tpu.memref_slice %arg19[%add3A_134, %dma_start3A_355] : memref<10000x128xf32, #tpu.memory_space<vmem_shared>> -> memref<40x128xf32, #tpu.memory_space<vmem_shared>>
        %dma_start3A_357 = arith.constant 0 : i32
        %dma_start3A_358 = arith.constant 0 : i32
        %dma_start3A_359 = tpu.memref_slice %arg9[%dma_start3A_357, %dma_start3A_358] : memref<125x128xf32, #tpu.memory_space<vmem>> -> memref<40x128xf32, #tpu.memory_space<vmem>>
        tpu.enqueue_dma source(%dma_start3A_359 : memref<40x128xf32, #tpu.memory_space<vmem>>) target(%dma_start3A_356 : memref<40x128xf32, #tpu.memory_space<vmem_shared>>) target_semaphore(%run_scoped3A : memref<!tpu.dma_semaphore, #tpu.memory_space<semaphore_mem>>)
        %dma_wait3A_360 = arith.constant 0 : i32
        %dma_wait3A_361 = arith.constant 0 : i32
        %dma_wait3A_362 = tpu.memref_slice %arg9[%dma_wait3A_360, %dma_wait3A_361] : memref<125x128xf32, #tpu.memory_space<vmem>> -> memref<40x128xf32, #tpu.memory_space<vmem>>
        %dma_wait3A_363 = arith.constant 0 : i32
        %dma_wait3A_364 = tpu.memref_slice %arg19[%add3A_134, %dma_wait3A_363] : memref<10000x128xf32, #tpu.memory_space<vmem_shared>> -> memref<40x128xf32, #tpu.memory_space<vmem_shared>>
        %dma_wait3A_365 = arith.constant 0 : i32
        %dma_wait3A_366 = tpu.memref_slice %arg19[%add3A_134, %dma_wait3A_365] : memref<10000x128xf32, #tpu.memory_space<vmem_shared>> -> memref<40x128xf32, #tpu.memory_space<vmem_shared>>
        %dma_wait3A_367 = arith.constant 0 : i32
        %dma_wait3A_368 = arith.constant 0 : i32
        %dma_wait3A_369 = tpu.memref_slice %arg9[%dma_wait3A_367, %dma_wait3A_368] : memref<125x128xf32, #tpu.memory_space<vmem>> -> memref<40x128xf32, #tpu.memory_space<vmem>>
        tpu.wait_dma2 semaphore(%run_scoped3A : memref<!tpu.dma_semaphore, #tpu.memory_space<semaphore_mem>>) src(%dma_wait3A_369 : memref<40x128xf32, #tpu.memory_space<vmem>>) dst(%dma_wait3A_366 : memref<40x128xf32, #tpu.memory_space<vmem_shared>>)
        tpu.yield
      }) : () -> ()
    } else {
    }
    %mul3A_140 = arith.constant 640 : i32
    %mul3A_141 = arith.muli %arg1, %mul3A_140 : i32
    %add3A_142 = arith.constant 600 : i32
    %add3A_143 = arith.addi %mul3A_141, %add3A_142 : i32
    %lt3A_144 = arith.constant 10000 : i32
    %lt3A_145 = arith.cmpi slt, %add3A_143, %lt3A_144 : i32
    %convert_element_type3A_146 = arith.extui %lt3A_145 : i1 to i32
    %cond3A_147 = arith.constant 0 : i32
    %cond3A_148 = arith.cmpi ne, %convert_element_type3A_146, %cond3A_147 : i32
    scf.if %cond3A_148 {
      "tpu.region"() ({
        %run_scoped3A = tpu.sem_alloc : memref<!tpu.dma_semaphore, #tpu.memory_space<semaphore_mem>>
        %dma_start3A_350 = arith.constant 0 : i32
        %dma_start3A_351 = arith.constant 0 : i32
        %dma_start3A_352 = tpu.memref_slice %arg9[%dma_start3A_350, %dma_start3A_351] : memref<125x128xf32, #tpu.memory_space<vmem>> -> memref<40x128xf32, #tpu.memory_space<vmem>>
        %dma_start3A_353 = arith.constant 0 : i32
        %dma_start3A_354 = tpu.memref_slice %arg19[%add3A_143, %dma_start3A_353] : memref<10000x128xf32, #tpu.memory_space<vmem_shared>> -> memref<40x128xf32, #tpu.memory_space<vmem_shared>>
        %dma_start3A_355 = arith.constant 0 : i32
        %dma_start3A_356 = tpu.memref_slice %arg19[%add3A_143, %dma_start3A_355] : memref<10000x128xf32, #tpu.memory_space<vmem_shared>> -> memref<40x128xf32, #tpu.memory_space<vmem_shared>>
        %dma_start3A_357 = arith.constant 0 : i32
        %dma_start3A_358 = arith.constant 0 : i32
        %dma_start3A_359 = tpu.memref_slice %arg9[%dma_start3A_357, %dma_start3A_358] : memref<125x128xf32, #tpu.memory_space<vmem>> -> memref<40x128xf32, #tpu.memory_space<vmem>>
        tpu.enqueue_dma source(%dma_start3A_359 : memref<40x128xf32, #tpu.memory_space<vmem>>) target(%dma_start3A_356 : memref<40x128xf32, #tpu.memory_space<vmem_shared>>) target_semaphore(%run_scoped3A : memref<!tpu.dma_semaphore, #tpu.memory_space<semaphore_mem>>)
        %dma_wait3A_360 = arith.constant 0 : i32
        %dma_wait3A_361 = arith.constant 0 : i32
        %dma_wait3A_362 = tpu.memref_slice %arg9[%dma_wait3A_360, %dma_wait3A_361] : memref<125x128xf32, #tpu.memory_space<vmem>> -> memref<40x128xf32, #tpu.memory_space<vmem>>
        %dma_wait3A_363 = arith.constant 0 : i32
        %dma_wait3A_364 = tpu.memref_slice %arg19[%add3A_143, %dma_wait3A_363] : memref<10000x128xf32, #tpu.memory_space<vmem_shared>> -> memref<40x128xf32, #tpu.memory_space<vmem_shared>>
        %dma_wait3A_365 = arith.constant 0 : i32
        %dma_wait3A_366 = tpu.memref_slice %arg19[%add3A_143, %dma_wait3A_365] : memref<10000x128xf32, #tpu.memory_space<vmem_shared>> -> memref<40x128xf32, #tpu.memory_space<vmem_shared>>
        %dma_wait3A_367 = arith.constant 0 : i32
        %dma_wait3A_368 = arith.constant 0 : i32
        %dma_wait3A_369 = tpu.memref_slice %arg9[%dma_wait3A_367, %dma_wait3A_368] : memref<125x128xf32, #tpu.memory_space<vmem>> -> memref<40x128xf32, #tpu.memory_space<vmem>>
        tpu.wait_dma2 semaphore(%run_scoped3A : memref<!tpu.dma_semaphore, #tpu.memory_space<semaphore_mem>>) src(%dma_wait3A_369 : memref<40x128xf32, #tpu.memory_space<vmem>>) dst(%dma_wait3A_366 : memref<40x128xf32, #tpu.memory_space<vmem_shared>>)
        tpu.yield
      }) : () -> ()
    } else {
    }
    %add3A_149 = arith.constant 0 : i32
    %add3A_150 = arith.addi %mul3A_2, %add3A_149 : i32
    %dma_start3A = arith.constant 0 : i32
    %dma_start3A_151 = arith.constant 0 : i32
    %dma_start3A_152 = tpu.memref_slice %arg3[%add3A_150, %dma_start3A, %dma_start3A_151] : memref<2560x2x125xi32, #tpu.memory_space<hbm>> -> memref<1x2x125xi32, #tpu.memory_space<hbm>>
    %dma_start3A_153 = tpu.memref_squeeze %dma_start3A_152 : memref<1x2x125xi32, #tpu.memory_space<hbm>> -> memref<2x125xi32, #tpu.memory_space<hbm>>
    %dma_start3A_154 = arith.constant 0 : i32
    %dma_start3A_155 = arith.constant 0 : i32
    %dma_start3A_156 = tpu.memref_slice %arg3[%add3A_150, %dma_start3A_154, %dma_start3A_155] : memref<2560x2x125xi32, #tpu.memory_space<hbm>> -> memref<1x2x125xi32, #tpu.memory_space<hbm>>
    %dma_start3A_157 = tpu.memref_squeeze %dma_start3A_156 : memref<1x2x125xi32, #tpu.memory_space<hbm>> -> memref<2x125xi32, #tpu.memory_space<hbm>>
    tpu.enqueue_dma source(%dma_start3A_157 : memref<2x125xi32, #tpu.memory_space<hbm>>) target(%arg5 : memref<2x125xi32, #tpu.memory_space<vmem>>) target_semaphore(%arg11 : memref<!tpu.dma_semaphore, #tpu.memory_space<semaphore_mem>>)
    %add3A_158 = arith.constant 1 : i32
    %add3A_159 = arith.addi %mul3A_2, %add3A_158 : i32
    %dma_start3A_160 = arith.constant 0 : i32
    %dma_start3A_161 = arith.constant 0 : i32
    %dma_start3A_162 = tpu.memref_slice %arg3[%add3A_159, %dma_start3A_160, %dma_start3A_161] : memref<2560x2x125xi32, #tpu.memory_space<hbm>> -> memref<1x2x125xi32, #tpu.memory_space<hbm>>
    %dma_start3A_163 = tpu.memref_squeeze %dma_start3A_162 : memref<1x2x125xi32, #tpu.memory_space<hbm>> -> memref<2x125xi32, #tpu.memory_space<hbm>>
    %dma_start3A_164 = arith.constant 0 : i32
    %dma_start3A_165 = arith.constant 0 : i32
    %dma_start3A_166 = tpu.memref_slice %arg3[%add3A_159, %dma_start3A_164, %dma_start3A_165] : memref<2560x2x125xi32, #tpu.memory_space<hbm>> -> memref<1x2x125xi32, #tpu.memory_space<hbm>>
    %dma_start3A_167 = tpu.memref_squeeze %dma_start3A_166 : memref<1x2x125xi32, #tpu.memory_space<hbm>> -> memref<2x125xi32, #tpu.memory_space<hbm>>
    tpu.enqueue_dma source(%dma_start3A_167 : memref<2x125xi32, #tpu.memory_space<hbm>>) target(%arg6 : memref<2x125xi32, #tpu.memory_space<vmem>>) target_semaphore(%arg12 : memref<!tpu.dma_semaphore, #tpu.memory_space<semaphore_mem>>)
    %add3A_168 = arith.constant 2 : i32
    %add3A_169 = arith.addi %mul3A_2, %add3A_168 : i32
    %dma_start3A_170 = arith.constant 0 : i32
    %dma_start3A_171 = arith.constant 0 : i32
    %dma_start3A_172 = tpu.memref_slice %arg3[%add3A_169, %dma_start3A_170, %dma_start3A_171] : memref<2560x2x125xi32, #tpu.memory_space<hbm>> -> memref<1x2x125xi32, #tpu.memory_space<hbm>>
    %dma_start3A_173 = tpu.memref_squeeze %dma_start3A_172 : memref<1x2x125xi32, #tpu.memory_space<hbm>> -> memref<2x125xi32, #tpu.memory_space<hbm>>
    %dma_start3A_174 = arith.constant 0 : i32
    %dma_start3A_175 = arith.constant 0 : i32
    %dma_start3A_176 = tpu.memref_slice %arg3[%add3A_169, %dma_start3A_174, %dma_start3A_175] : memref<2560x2x125xi32, #tpu.memory_space<hbm>> -> memref<1x2x125xi32, #tpu.memory_space<hbm>>
    %dma_start3A_177 = tpu.memref_squeeze %dma_start3A_176 : memref<1x2x125xi32, #tpu.memory_space<hbm>> -> memref<2x125xi32, #tpu.memory_space<hbm>>
    tpu.enqueue_dma source(%dma_start3A_177 : memref<2x125xi32, #tpu.memory_space<hbm>>) target(%arg7 : memref<2x125xi32, #tpu.memory_space<vmem>>) target_semaphore(%arg13 : memref<!tpu.dma_semaphore, #tpu.memory_space<semaphore_mem>>)
    %dma_wait3A = arith.constant 0 : i32
    %dma_wait3A_178 = arith.constant 0 : i32
    %dma_wait3A_179 = tpu.memref_slice %arg3[%mul3A_2, %dma_wait3A, %dma_wait3A_178] : memref<2560x2x125xi32, #tpu.memory_space<hbm>> -> memref<1x2x125xi32, #tpu.memory_space<hbm>>
    %dma_wait3A_180 = tpu.memref_squeeze %dma_wait3A_179 : memref<1x2x125xi32, #tpu.memory_space<hbm>> -> memref<2x125xi32, #tpu.memory_space<hbm>>
    %dma_wait3A_181 = arith.constant 0 : i32
    %dma_wait3A_182 = arith.constant 0 : i32
    %dma_wait3A_183 = tpu.memref_slice %arg3[%mul3A_2, %dma_wait3A_181, %dma_wait3A_182] : memref<2560x2x125xi32, #tpu.memory_space<hbm>> -> memref<1x2x125xi32, #tpu.memory_space<hbm>>
    %dma_wait3A_184 = tpu.memref_squeeze %dma_wait3A_183 : memref<1x2x125xi32, #tpu.memory_space<hbm>> -> memref<2x125xi32, #tpu.memory_space<hbm>>
    tpu.wait_dma2 semaphore(%arg11 : memref<!tpu.dma_semaphore, #tpu.memory_space<semaphore_mem>>) src(%dma_wait3A_184 : memref<2x125xi32, #tpu.memory_space<hbm>>) dst(%arg5 : memref<2x125xi32, #tpu.memory_space<vmem>>)
    %dma_start3A_185 = arith.constant 0 : i32
    %dma_start3A_186 = arith.constant 0 : i32
    %dma_start3A_187 = tpu.memref_slice %arg5[%dma_start3A_185, %dma_start3A_186] : memref<2x125xi32, #tpu.memory_space<vmem>> -> memref<1x125xi32, #tpu.memory_space<vmem>>
    %dma_start3A_188 = tpu.memref_squeeze %dma_start3A_187 : memref<1x125xi32, #tpu.memory_space<vmem>> -> memref<125xi32, #tpu.memory_space<vmem>>
    %dma_start3A_189 = arith.constant 0 : i32
    %dma_start3A_190 = arith.constant 0 : i32
    %dma_start3A_191 = tpu.memref_slice %arg2[%dma_start3A_189, %dma_start3A_190] : memref<10000x128xf32, #tpu.memory_space<hbm>> -> memref<10000x128xf32, #tpu.memory_space<hbm>>
    tpu.enqueue_indirect_dma source(%dma_start3A_191 : memref<10000x128xf32, #tpu.memory_space<hbm>>) target(%arg9 : memref<125x128xf32, #tpu.memory_space<vmem>>) offsets(%dma_start3A_188 : memref<125xi32, #tpu.memory_space<vmem>>) semaphore(%arg15 : memref<!tpu.dma_semaphore, #tpu.memory_space<semaphore_mem>>)
    %barrier3A = arith.constant 0 : index
    tpu.barrier barrier_id(%barrier3A)
    %scan3A_192 = arith.constant 0 : i32
    %scan3A_193 = arith.constant 0 : i32
    %scan3A_194 = arith.constant 20 : i32
    %scan3A_195 = arith.addi %scan3A_193, %scan3A_194 : i32
    %scan3A_196 = arith.constant 1 : i32
    scf.for %scan3A_350 = %scan3A_193 to %scan3A_195 step %scan3A_196  : i32 {
      %mul3A_351 = arith.constant 4 : i32
      %mul3A_352 = arith.muli %mul3A_351, %scan3A_350 : i32
      %add3A_353 = arith.addi %mul3A_2, %mul3A_352 : i32
      %add3A_354 = arith.constant 0 : i32
      %add3A_355 = arith.addi %add3A_353, %add3A_354 : i32
      %gt3A = arith.constant 0 : i32
      %gt3A_356 = arith.cmpi sgt, %scan3A_350, %gt3A : i32
      %convert_element_type3A_357 = arith.extui %gt3A_356 : i1 to i32
      %cond3A_358 = arith.constant 0 : i32
      %cond3A_359 = arith.cmpi ne, %convert_element_type3A_357, %cond3A_358 : i32
      scf.if %cond3A_359 {
        %dma_wait3A_521 = arith.constant 1 : i32
        %dma_wait3A_522 = arith.constant 0 : i32
        %dma_wait3A_523 = tpu.memref_slice %arg8[%dma_wait3A_521, %dma_wait3A_522] : memref<2x125xi32, #tpu.memory_space<vmem>> -> memref<1x125xi32, #tpu.memory_space<vmem>>
        %dma_wait3A_524 = tpu.memref_squeeze %dma_wait3A_523 : memref<1x125xi32, #tpu.memory_space<vmem>> -> memref<125xi32, #tpu.memory_space<vmem>>
        %dma_wait3A_525 = arith.constant 0 : i32
        %dma_wait3A_526 = arith.constant 0 : i32
        %dma_wait3A_527 = tpu.memref_slice %arg19[%dma_wait3A_525, %dma_wait3A_526] : memref<10000x128xf32, #tpu.memory_space<vmem_shared>> -> memref<10000x128xf32, #tpu.memory_space<vmem_shared>>
        tpu.wait_indirect_dma semaphore(%arg18 : memref<!tpu.dma_semaphore, #tpu.memory_space<semaphore_mem>>) src(%arg10 : memref<125x128xf32, #tpu.memory_space<vmem>>) dst(%dma_wait3A_527 : memref<10000x128xf32, #tpu.memory_space<vmem_shared>>)
      } else {
      }
      %add3A_360 = arith.constant 3 : i32
      %add3A_361 = arith.addi %add3A_355, %add3A_360 : i32
      %add3A_362 = arith.constant 80 : i32
      %add3A_363 = arith.addi %mul3A_2, %add3A_362 : i32
      %sub3A = arith.constant 1 : i32
      %sub3A_364 = arith.subi %add3A_363, %sub3A : i32
      %le3A = arith.cmpi sle, %add3A_361, %sub3A_364 : i32
      %convert_element_type3A_365 = arith.extui %le3A : i1 to i32
      %cond3A_366 = arith.constant 0 : i32
      %cond3A_367 = arith.cmpi ne, %convert_element_type3A_365, %cond3A_366 : i32
      scf.if %cond3A_367 {
        %add3A_521 = arith.constant 3 : i32
        %add3A_522 = arith.addi %add3A_355, %add3A_521 : i32
        %dma_start3A_523 = arith.constant 0 : i32
        %dma_start3A_524 = arith.constant 0 : i32
        %dma_start3A_525 = tpu.memref_slice %arg3[%add3A_522, %dma_start3A_523, %dma_start3A_524] : memref<2560x2x125xi32, #tpu.memory_space<hbm>> -> memref<1x2x125xi32, #tpu.memory_space<hbm>>
        %dma_start3A_526 = tpu.memref_squeeze %dma_start3A_525 : memref<1x2x125xi32, #tpu.memory_space<hbm>> -> memref<2x125xi32, #tpu.memory_space<hbm>>
        %dma_start3A_527 = arith.constant 0 : i32
        %dma_start3A_528 = arith.constant 0 : i32
        %dma_start3A_529 = tpu.memref_slice %arg3[%add3A_522, %dma_start3A_527, %dma_start3A_528] : memref<2560x2x125xi32, #tpu.memory_space<hbm>> -> memref<1x2x125xi32, #tpu.memory_space<hbm>>
        %dma_start3A_530 = tpu.memref_squeeze %dma_start3A_529 : memref<1x2x125xi32, #tpu.memory_space<hbm>> -> memref<2x125xi32, #tpu.memory_space<hbm>>
        tpu.enqueue_dma source(%dma_start3A_530 : memref<2x125xi32, #tpu.memory_space<hbm>>) target(%arg8 : memref<2x125xi32, #tpu.memory_space<vmem>>) target_semaphore(%arg14 : memref<!tpu.dma_semaphore, #tpu.memory_space<semaphore_mem>>)
      } else {
      }
      %add3A_368 = arith.constant 1 : i32
      %add3A_369 = arith.addi %add3A_355, %add3A_368 : i32
      %add3A_370 = arith.constant 80 : i32
      %add3A_371 = arith.addi %mul3A_2, %add3A_370 : i32
      %sub3A_372 = arith.constant 1 : i32
      %sub3A_373 = arith.subi %add3A_371, %sub3A_372 : i32
      %le3A_374 = arith.cmpi sle, %add3A_369, %sub3A_373 : i32
      %convert_element_type3A_375 = arith.extui %le3A_374 : i1 to i32
      %cond3A_376 = arith.constant 0 : i32
      %cond3A_377 = arith.cmpi ne, %convert_element_type3A_375, %cond3A_376 : i32
      scf.if %cond3A_377 {
        %add3A_521 = arith.constant 1 : i32
        %add3A_522 = arith.addi %add3A_355, %add3A_521 : i32
        %dma_wait3A_523 = arith.constant 0 : i32
        %dma_wait3A_524 = arith.constant 0 : i32
        %dma_wait3A_525 = tpu.memref_slice %arg3[%add3A_522, %dma_wait3A_523, %dma_wait3A_524] : memref<2560x2x125xi32, #tpu.memory_space<hbm>> -> memref<1x2x125xi32, #tpu.memory_space<hbm>>
        %dma_wait3A_526 = tpu.memref_squeeze %dma_wait3A_525 : memref<1x2x125xi32, #tpu.memory_space<hbm>> -> memref<2x125xi32, #tpu.memory_space<hbm>>
        %dma_wait3A_527 = arith.constant 0 : i32
        %dma_wait3A_528 = arith.constant 0 : i32
        %dma_wait3A_529 = tpu.memref_slice %arg3[%add3A_522, %dma_wait3A_527, %dma_wait3A_528] : memref<2560x2x125xi32, #tpu.memory_space<hbm>> -> memref<1x2x125xi32, #tpu.memory_space<hbm>>
        %dma_wait3A_530 = tpu.memref_squeeze %dma_wait3A_529 : memref<1x2x125xi32, #tpu.memory_space<hbm>> -> memref<2x125xi32, #tpu.memory_space<hbm>>
        tpu.wait_dma2 semaphore(%arg12 : memref<!tpu.dma_semaphore, #tpu.memory_space<semaphore_mem>>) src(%dma_wait3A_530 : memref<2x125xi32, #tpu.memory_space<hbm>>) dst(%arg6 : memref<2x125xi32, #tpu.memory_space<vmem>>)
        %dma_start3A_531 = arith.constant 0 : i32
        %dma_start3A_532 = arith.constant 0 : i32
        %dma_start3A_533 = tpu.memref_slice %arg6[%dma_start3A_531, %dma_start3A_532] : memref<2x125xi32, #tpu.memory_space<vmem>> -> memref<1x125xi32, #tpu.memory_space<vmem>>
        %dma_start3A_534 = tpu.memref_squeeze %dma_start3A_533 : memref<1x125xi32, #tpu.memory_space<vmem>> -> memref<125xi32, #tpu.memory_space<vmem>>
        %dma_start3A_535 = arith.constant 0 : i32
        %dma_start3A_536 = arith.constant 0 : i32
        %dma_start3A_537 = tpu.memref_slice %arg2[%dma_start3A_535, %dma_start3A_536] : memref<10000x128xf32, #tpu.memory_space<hbm>> -> memref<10000x128xf32, #tpu.memory_space<hbm>>
        tpu.enqueue_indirect_dma source(%dma_start3A_537 : memref<10000x128xf32, #tpu.memory_space<hbm>>) target(%arg10 : memref<125x128xf32, #tpu.memory_space<vmem>>) offsets(%dma_start3A_534 : memref<125xi32, #tpu.memory_space<vmem>>) semaphore(%arg16 : memref<!tpu.dma_semaphore, #tpu.memory_space<semaphore_mem>>)
      } else {
      }
      %dma_wait3A_378 = arith.constant 0 : i32
      %dma_wait3A_379 = arith.constant 0 : i32
      %dma_wait3A_380 = tpu.memref_slice %arg5[%dma_wait3A_378, %dma_wait3A_379] : memref<2x125xi32, #tpu.memory_space<vmem>> -> memref<1x125xi32, #tpu.memory_space<vmem>>
      %dma_wait3A_381 = tpu.memref_squeeze %dma_wait3A_380 : memref<1x125xi32, #tpu.memory_space<vmem>> -> memref<125xi32, #tpu.memory_space<vmem>>
      %dma_wait3A_382 = arith.constant 0 : i32
      %dma_wait3A_383 = arith.constant 0 : i32
      %dma_wait3A_384 = tpu.memref_slice %arg2[%dma_wait3A_382, %dma_wait3A_383] : memref<10000x128xf32, #tpu.memory_space<hbm>> -> memref<10000x128xf32, #tpu.memory_space<hbm>>
      tpu.wait_indirect_dma semaphore(%arg15 : memref<!tpu.dma_semaphore, #tpu.memory_space<semaphore_mem>>) src(%dma_wait3A_384 : memref<10000x128xf32, #tpu.memory_space<hbm>>) dst(%arg9 : memref<125x128xf32, #tpu.memory_space<vmem>>)
      %dma_start3A_385 = arith.constant 1 : i32
      %dma_start3A_386 = arith.constant 0 : i32
      %dma_start3A_387 = tpu.memref_slice %arg5[%dma_start3A_385, %dma_start3A_386] : memref<2x125xi32, #tpu.memory_space<vmem>> -> memref<1x125xi32, #tpu.memory_space<vmem>>
      %dma_start3A_388 = tpu.memref_squeeze %dma_start3A_387 : memref<1x125xi32, #tpu.memory_space<vmem>> -> memref<125xi32, #tpu.memory_space<vmem>>
      %dma_start3A_389 = arith.constant 0 : i32
      %dma_start3A_390 = arith.constant 0 : i32
      %dma_start3A_391 = tpu.memref_slice %arg19[%dma_start3A_389, %dma_start3A_390] : memref<10000x128xf32, #tpu.memory_space<vmem_shared>> -> memref<10000x128xf32, #tpu.memory_space<vmem_shared>>
      tpu.enqueue_indirect_dma source(%arg9 : memref<125x128xf32, #tpu.memory_space<vmem>>) target(%dma_start3A_391 : memref<10000x128xf32, #tpu.memory_space<vmem_shared>>) offsets(%dma_start3A_388 : memref<125xi32, #tpu.memory_space<vmem>>) semaphore(%arg17 : memref<!tpu.dma_semaphore, #tpu.memory_space<semaphore_mem>>) {add = true}
      %add3A_392 = arith.constant 1 : i32
      %add3A_393 = arith.addi %add3A_353, %add3A_392 : i32
      %dma_wait3A_394 = arith.constant 1 : i32
      %dma_wait3A_395 = arith.constant 0 : i32
      %dma_wait3A_396 = tpu.memref_slice %arg5[%dma_wait3A_394, %dma_wait3A_395] : memref<2x125xi32, #tpu.memory_space<vmem>> -> memref<1x125xi32, #tpu.memory_space<vmem>>
      %dma_wait3A_397 = tpu.memref_squeeze %dma_wait3A_396 : memref<1x125xi32, #tpu.memory_space<vmem>> -> memref<125xi32, #tpu.memory_space<vmem>>
      %dma_wait3A_398 = arith.constant 0 : i32
      %dma_wait3A_399 = arith.constant 0 : i32
      %dma_wait3A_400 = tpu.memref_slice %arg19[%dma_wait3A_398, %dma_wait3A_399] : memref<10000x128xf32, #tpu.memory_space<vmem_shared>> -> memref<10000x128xf32, #tpu.memory_space<vmem_shared>>
      tpu.wait_indirect_dma semaphore(%arg17 : memref<!tpu.dma_semaphore, #tpu.memory_space<semaphore_mem>>) src(%arg9 : memref<125x128xf32, #tpu.memory_space<vmem>>) dst(%dma_wait3A_400 : memref<10000x128xf32, #tpu.memory_space<vmem_shared>>)
      %add3A_401 = arith.constant 3 : i32
      %add3A_402 = arith.addi %add3A_393, %add3A_401 : i32
      %add3A_403 = arith.constant 80 : i32
      %add3A_404 = arith.addi %mul3A_2, %add3A_403 : i32
      %sub3A_405 = arith.constant 1 : i32
      %sub3A_406 = arith.subi %add3A_404, %sub3A_405 : i32
      %le3A_407 = arith.cmpi sle, %add3A_402, %sub3A_406 : i32
      %convert_element_type3A_408 = arith.extui %le3A_407 : i1 to i32
      %cond3A_409 = arith.constant 0 : i32
      %cond3A_410 = arith.cmpi ne, %convert_element_type3A_408, %cond3A_409 : i32
      scf.if %cond3A_410 {
        %add3A_521 = arith.constant 3 : i32
        %add3A_522 = arith.addi %add3A_393, %add3A_521 : i32
        %dma_start3A_523 = arith.constant 0 : i32
        %dma_start3A_524 = arith.constant 0 : i32
        %dma_start3A_525 = tpu.memref_slice %arg3[%add3A_522, %dma_start3A_523, %dma_start3A_524] : memref<2560x2x125xi32, #tpu.memory_space<hbm>> -> memref<1x2x125xi32, #tpu.memory_space<hbm>>
        %dma_start3A_526 = tpu.memref_squeeze %dma_start3A_525 : memref<1x2x125xi32, #tpu.memory_space<hbm>> -> memref<2x125xi32, #tpu.memory_space<hbm>>
        %dma_start3A_527 = arith.constant 0 : i32
        %dma_start3A_528 = arith.constant 0 : i32
        %dma_start3A_529 = tpu.memref_slice %arg3[%add3A_522, %dma_start3A_527, %dma_start3A_528] : memref<2560x2x125xi32, #tpu.memory_space<hbm>> -> memref<1x2x125xi32, #tpu.memory_space<hbm>>
        %dma_start3A_530 = tpu.memref_squeeze %dma_start3A_529 : memref<1x2x125xi32, #tpu.memory_space<hbm>> -> memref<2x125xi32, #tpu.memory_space<hbm>>
        tpu.enqueue_dma source(%dma_start3A_530 : memref<2x125xi32, #tpu.memory_space<hbm>>) target(%arg5 : memref<2x125xi32, #tpu.memory_space<vmem>>) target_semaphore(%arg11 : memref<!tpu.dma_semaphore, #tpu.memory_space<semaphore_mem>>)
      } else {
      }
      %add3A_411 = arith.constant 1 : i32
      %add3A_412 = arith.addi %add3A_393, %add3A_411 : i32
      %add3A_413 = arith.constant 80 : i32
      %add3A_414 = arith.addi %mul3A_2, %add3A_413 : i32
      %sub3A_415 = arith.constant 1 : i32
      %sub3A_416 = arith.subi %add3A_414, %sub3A_415 : i32
      %le3A_417 = arith.cmpi sle, %add3A_412, %sub3A_416 : i32
      %convert_element_type3A_418 = arith.extui %le3A_417 : i1 to i32
      %cond3A_419 = arith.constant 0 : i32
      %cond3A_420 = arith.cmpi ne, %convert_element_type3A_418, %cond3A_419 : i32
      scf.if %cond3A_420 {
        %add3A_521 = arith.constant 1 : i32
        %add3A_522 = arith.addi %add3A_393, %add3A_521 : i32
        %dma_wait3A_523 = arith.constant 0 : i32
        %dma_wait3A_524 = arith.constant 0 : i32
        %dma_wait3A_525 = tpu.memref_slice %arg3[%add3A_522, %dma_wait3A_523, %dma_wait3A_524] : memref<2560x2x125xi32, #tpu.memory_space<hbm>> -> memref<1x2x125xi32, #tpu.memory_space<hbm>>
        %dma_wait3A_526 = tpu.memref_squeeze %dma_wait3A_525 : memref<1x2x125xi32, #tpu.memory_space<hbm>> -> memref<2x125xi32, #tpu.memory_space<hbm>>
        %dma_wait3A_527 = arith.constant 0 : i32
        %dma_wait3A_528 = arith.constant 0 : i32
        %dma_wait3A_529 = tpu.memref_slice %arg3[%add3A_522, %dma_wait3A_527, %dma_wait3A_528] : memref<2560x2x125xi32, #tpu.memory_space<hbm>> -> memref<1x2x125xi32, #tpu.memory_space<hbm>>
        %dma_wait3A_530 = tpu.memref_squeeze %dma_wait3A_529 : memref<1x2x125xi32, #tpu.memory_space<hbm>> -> memref<2x125xi32, #tpu.memory_space<hbm>>
        tpu.wait_dma2 semaphore(%arg13 : memref<!tpu.dma_semaphore, #tpu.memory_space<semaphore_mem>>) src(%dma_wait3A_530 : memref<2x125xi32, #tpu.memory_space<hbm>>) dst(%arg7 : memref<2x125xi32, #tpu.memory_space<vmem>>)
        %dma_start3A_531 = arith.constant 0 : i32
        %dma_start3A_532 = arith.constant 0 : i32
        %dma_start3A_533 = tpu.memref_slice %arg7[%dma_start3A_531, %dma_start3A_532] : memref<2x125xi32, #tpu.memory_space<vmem>> -> memref<1x125xi32, #tpu.memory_space<vmem>>
        %dma_start3A_534 = tpu.memref_squeeze %dma_start3A_533 : memref<1x125xi32, #tpu.memory_space<vmem>> -> memref<125xi32, #tpu.memory_space<vmem>>
        %dma_start3A_535 = arith.constant 0 : i32
        %dma_start3A_536 = arith.constant 0 : i32
        %dma_start3A_537 = tpu.memref_slice %arg2[%dma_start3A_535, %dma_start3A_536] : memref<10000x128xf32, #tpu.memory_space<hbm>> -> memref<10000x128xf32, #tpu.memory_space<hbm>>
        tpu.enqueue_indirect_dma source(%dma_start3A_537 : memref<10000x128xf32, #tpu.memory_space<hbm>>) target(%arg9 : memref<125x128xf32, #tpu.memory_space<vmem>>) offsets(%dma_start3A_534 : memref<125xi32, #tpu.memory_space<vmem>>) semaphore(%arg15 : memref<!tpu.dma_semaphore, #tpu.memory_space<semaphore_mem>>)
      } else {
      }
      %dma_wait3A_421 = arith.constant 0 : i32
      %dma_wait3A_422 = arith.constant 0 : i32
      %dma_wait3A_423 = tpu.memref_slice %arg6[%dma_wait3A_421, %dma_wait3A_422] : memref<2x125xi32, #tpu.memory_space<vmem>> -> memref<1x125xi32, #tpu.memory_space<vmem>>
      %dma_wait3A_424 = tpu.memref_squeeze %dma_wait3A_423 : memref<1x125xi32, #tpu.memory_space<vmem>> -> memref<125xi32, #tpu.memory_space<vmem>>
      %dma_wait3A_425 = arith.constant 0 : i32
      %dma_wait3A_426 = arith.constant 0 : i32
      %dma_wait3A_427 = tpu.memref_slice %arg2[%dma_wait3A_425, %dma_wait3A_426] : memref<10000x128xf32, #tpu.memory_space<hbm>> -> memref<10000x128xf32, #tpu.memory_space<hbm>>
      tpu.wait_indirect_dma semaphore(%arg16 : memref<!tpu.dma_semaphore, #tpu.memory_space<semaphore_mem>>) src(%dma_wait3A_427 : memref<10000x128xf32, #tpu.memory_space<hbm>>) dst(%arg10 : memref<125x128xf32, #tpu.memory_space<vmem>>)
      %dma_start3A_428 = arith.constant 1 : i32
      %dma_start3A_429 = arith.constant 0 : i32
      %dma_start3A_430 = tpu.memref_slice %arg6[%dma_start3A_428, %dma_start3A_429] : memref<2x125xi32, #tpu.memory_space<vmem>> -> memref<1x125xi32, #tpu.memory_space<vmem>>
      %dma_start3A_431 = tpu.memref_squeeze %dma_start3A_430 : memref<1x125xi32, #tpu.memory_space<vmem>> -> memref<125xi32, #tpu.memory_space<vmem>>
      %dma_start3A_432 = arith.constant 0 : i32
      %dma_start3A_433 = arith.constant 0 : i32
      %dma_start3A_434 = tpu.memref_slice %arg19[%dma_start3A_432, %dma_start3A_433] : memref<10000x128xf32, #tpu.memory_space<vmem_shared>> -> memref<10000x128xf32, #tpu.memory_space<vmem_shared>>
      tpu.enqueue_indirect_dma source(%arg10 : memref<125x128xf32, #tpu.memory_space<vmem>>) target(%dma_start3A_434 : memref<10000x128xf32, #tpu.memory_space<vmem_shared>>) offsets(%dma_start3A_431 : memref<125xi32, #tpu.memory_space<vmem>>) semaphore(%arg18 : memref<!tpu.dma_semaphore, #tpu.memory_space<semaphore_mem>>) {add = true}
      %add3A_435 = arith.constant 2 : i32
      %add3A_436 = arith.addi %add3A_353, %add3A_435 : i32
      %dma_wait3A_437 = arith.constant 1 : i32
      %dma_wait3A_438 = arith.constant 0 : i32
      %dma_wait3A_439 = tpu.memref_slice %arg6[%dma_wait3A_437, %dma_wait3A_438] : memref<2x125xi32, #tpu.memory_space<vmem>> -> memref<1x125xi32, #tpu.memory_space<vmem>>
      %dma_wait3A_440 = tpu.memref_squeeze %dma_wait3A_439 : memref<1x125xi32, #tpu.memory_space<vmem>> -> memref<125xi32, #tpu.memory_space<vmem>>
      %dma_wait3A_441 = arith.constant 0 : i32
      %dma_wait3A_442 = arith.constant 0 : i32
      %dma_wait3A_443 = tpu.memref_slice %arg19[%dma_wait3A_441, %dma_wait3A_442] : memref<10000x128xf32, #tpu.memory_space<vmem_shared>> -> memref<10000x128xf32, #tpu.memory_space<vmem_shared>>
      tpu.wait_indirect_dma semaphore(%arg18 : memref<!tpu.dma_semaphore, #tpu.memory_space<semaphore_mem>>) src(%arg10 : memref<125x128xf32, #tpu.memory_space<vmem>>) dst(%dma_wait3A_443 : memref<10000x128xf32, #tpu.memory_space<vmem_shared>>)
      %add3A_444 = arith.constant 3 : i32
      %add3A_445 = arith.addi %add3A_436, %add3A_444 : i32
      %add3A_446 = arith.constant 80 : i32
      %add3A_447 = arith.addi %mul3A_2, %add3A_446 : i32
      %sub3A_448 = arith.constant 1 : i32
      %sub3A_449 = arith.subi %add3A_447, %sub3A_448 : i32
      %le3A_450 = arith.cmpi sle, %add3A_445, %sub3A_449 : i32
      %convert_element_type3A_451 = arith.extui %le3A_450 : i1 to i32
      %cond3A_452 = arith.constant 0 : i32
      %cond3A_453 = arith.cmpi ne, %convert_element_type3A_451, %cond3A_452 : i32
      scf.if %cond3A_453 {
        %add3A_521 = arith.constant 3 : i32
        %add3A_522 = arith.addi %add3A_436, %add3A_521 : i32
        %dma_start3A_523 = arith.constant 0 : i32
        %dma_start3A_524 = arith.constant 0 : i32
        %dma_start3A_525 = tpu.memref_slice %arg3[%add3A_522, %dma_start3A_523, %dma_start3A_524] : memref<2560x2x125xi32, #tpu.memory_space<hbm>> -> memref<1x2x125xi32, #tpu.memory_space<hbm>>
        %dma_start3A_526 = tpu.memref_squeeze %dma_start3A_525 : memref<1x2x125xi32, #tpu.memory_space<hbm>> -> memref<2x125xi32, #tpu.memory_space<hbm>>
        %dma_start3A_527 = arith.constant 0 : i32
        %dma_start3A_528 = arith.constant 0 : i32
        %dma_start3A_529 = tpu.memref_slice %arg3[%add3A_522, %dma_start3A_527, %dma_start3A_528] : memref<2560x2x125xi32, #tpu.memory_space<hbm>> -> memref<1x2x125xi32, #tpu.memory_space<hbm>>
        %dma_start3A_530 = tpu.memref_squeeze %dma_start3A_529 : memref<1x2x125xi32, #tpu.memory_space<hbm>> -> memref<2x125xi32, #tpu.memory_space<hbm>>
        tpu.enqueue_dma source(%dma_start3A_530 : memref<2x125xi32, #tpu.memory_space<hbm>>) target(%arg6 : memref<2x125xi32, #tpu.memory_space<vmem>>) target_semaphore(%arg12 : memref<!tpu.dma_semaphore, #tpu.memory_space<semaphore_mem>>)
      } else {
      }
      %add3A_454 = arith.constant 1 : i32
      %add3A_455 = arith.addi %add3A_436, %add3A_454 : i32
      %add3A_456 = arith.constant 80 : i32
      %add3A_457 = arith.addi %mul3A_2, %add3A_456 : i32
      %sub3A_458 = arith.constant 1 : i32
      %sub3A_459 = arith.subi %add3A_457, %sub3A_458 : i32
      %le3A_460 = arith.cmpi sle, %add3A_455, %sub3A_459 : i32
      %convert_element_type3A_461 = arith.extui %le3A_460 : i1 to i32
      %cond3A_462 = arith.constant 0 : i32
      %cond3A_463 = arith.cmpi ne, %convert_element_type3A_461, %cond3A_462 : i32
      scf.if %cond3A_463 {
        %add3A_521 = arith.constant 1 : i32
        %add3A_522 = arith.addi %add3A_436, %add3A_521 : i32
        %dma_wait3A_523 = arith.constant 0 : i32
        %dma_wait3A_524 = arith.constant 0 : i32
        %dma_wait3A_525 = tpu.memref_slice %arg3[%add3A_522, %dma_wait3A_523, %dma_wait3A_524] : memref<2560x2x125xi32, #tpu.memory_space<hbm>> -> memref<1x2x125xi32, #tpu.memory_space<hbm>>
        %dma_wait3A_526 = tpu.memref_squeeze %dma_wait3A_525 : memref<1x2x125xi32, #tpu.memory_space<hbm>> -> memref<2x125xi32, #tpu.memory_space<hbm>>
        %dma_wait3A_527 = arith.constant 0 : i32
        %dma_wait3A_528 = arith.constant 0 : i32
        %dma_wait3A_529 = tpu.memref_slice %arg3[%add3A_522, %dma_wait3A_527, %dma_wait3A_528] : memref<2560x2x125xi32, #tpu.memory_space<hbm>> -> memref<1x2x125xi32, #tpu.memory_space<hbm>>
        %dma_wait3A_530 = tpu.memref_squeeze %dma_wait3A_529 : memref<1x2x125xi32, #tpu.memory_space<hbm>> -> memref<2x125xi32, #tpu.memory_space<hbm>>
        tpu.wait_dma2 semaphore(%arg14 : memref<!tpu.dma_semaphore, #tpu.memory_space<semaphore_mem>>) src(%dma_wait3A_530 : memref<2x125xi32, #tpu.memory_space<hbm>>) dst(%arg8 : memref<2x125xi32, #tpu.memory_space<vmem>>)
        %dma_start3A_531 = arith.constant 0 : i32
        %dma_start3A_532 = arith.constant 0 : i32
        %dma_start3A_533 = tpu.memref_slice %arg8[%dma_start3A_531, %dma_start3A_532] : memref<2x125xi32, #tpu.memory_space<vmem>> -> memref<1x125xi32, #tpu.memory_space<vmem>>
        %dma_start3A_534 = tpu.memref_squeeze %dma_start3A_533 : memref<1x125xi32, #tpu.memory_space<vmem>> -> memref<125xi32, #tpu.memory_space<vmem>>
        %dma_start3A_535 = arith.constant 0 : i32
        %dma_start3A_536 = arith.constant 0 : i32
        %dma_start3A_537 = tpu.memref_slice %arg2[%dma_start3A_535, %dma_start3A_536] : memref<10000x128xf32, #tpu.memory_space<hbm>> -> memref<10000x128xf32, #tpu.memory_space<hbm>>
        tpu.enqueue_indirect_dma source(%dma_start3A_537 : memref<10000x128xf32, #tpu.memory_space<hbm>>) target(%arg10 : memref<125x128xf32, #tpu.memory_space<vmem>>) offsets(%dma_start3A_534 : memref<125xi32, #tpu.memory_space<vmem>>) semaphore(%arg16 : memref<!tpu.dma_semaphore, #tpu.memory_space<semaphore_mem>>)
      } else {
      }
      %dma_wait3A_464 = arith.constant 0 : i32
      %dma_wait3A_465 = arith.constant 0 : i32
      %dma_wait3A_466 = tpu.memref_slice %arg7[%dma_wait3A_464, %dma_wait3A_465] : memref<2x125xi32, #tpu.memory_space<vmem>> -> memref<1x125xi32, #tpu.memory_space<vmem>>
      %dma_wait3A_467 = tpu.memref_squeeze %dma_wait3A_466 : memref<1x125xi32, #tpu.memory_space<vmem>> -> memref<125xi32, #tpu.memory_space<vmem>>
      %dma_wait3A_468 = arith.constant 0 : i32
      %dma_wait3A_469 = arith.constant 0 : i32
      %dma_wait3A_470 = tpu.memref_slice %arg2[%dma_wait3A_468, %dma_wait3A_469] : memref<10000x128xf32, #tpu.memory_space<hbm>> -> memref<10000x128xf32, #tpu.memory_space<hbm>>
      tpu.wait_indirect_dma semaphore(%arg15 : memref<!tpu.dma_semaphore, #tpu.memory_space<semaphore_mem>>) src(%dma_wait3A_470 : memref<10000x128xf32, #tpu.memory_space<hbm>>) dst(%arg9 : memref<125x128xf32, #tpu.memory_space<vmem>>)
      %dma_start3A_471 = arith.constant 1 : i32
      %dma_start3A_472 = arith.constant 0 : i32
      %dma_start3A_473 = tpu.memref_slice %arg7[%dma_start3A_471, %dma_start3A_472] : memref<2x125xi32, #tpu.memory_space<vmem>> -> memref<1x125xi32, #tpu.memory_space<vmem>>
      %dma_start3A_474 = tpu.memref_squeeze %dma_start3A_473 : memref<1x125xi32, #tpu.memory_space<vmem>> -> memref<125xi32, #tpu.memory_space<vmem>>
      %dma_start3A_475 = arith.constant 0 : i32
      %dma_start3A_476 = arith.constant 0 : i32
      %dma_start3A_477 = tpu.memref_slice %arg19[%dma_start3A_475, %dma_start3A_476] : memref<10000x128xf32, #tpu.memory_space<vmem_shared>> -> memref<10000x128xf32, #tpu.memory_space<vmem_shared>>
      tpu.enqueue_indirect_dma source(%arg9 : memref<125x128xf32, #tpu.memory_space<vmem>>) target(%dma_start3A_477 : memref<10000x128xf32, #tpu.memory_space<vmem_shared>>) offsets(%dma_start3A_474 : memref<125xi32, #tpu.memory_space<vmem>>) semaphore(%arg17 : memref<!tpu.dma_semaphore, #tpu.memory_space<semaphore_mem>>) {add = true}
      %add3A_478 = arith.constant 3 : i32
      %add3A_479 = arith.addi %add3A_353, %add3A_478 : i32
      %dma_wait3A_480 = arith.constant 1 : i32
      %dma_wait3A_481 = arith.constant 0 : i32
      %dma_wait3A_482 = tpu.memref_slice %arg7[%dma_wait3A_480, %dma_wait3A_481] : memref<2x125xi32, #tpu.memory_space<vmem>> -> memref<1x125xi32, #tpu.memory_space<vmem>>
      %dma_wait3A_483 = tpu.memref_squeeze %dma_wait3A_482 : memref<1x125xi32, #tpu.memory_space<vmem>> -> memref<125xi32, #tpu.memory_space<vmem>>
      %dma_wait3A_484 = arith.constant 0 : i32
      %dma_wait3A_485 = arith.constant 0 : i32
      %dma_wait3A_486 = tpu.memref_slice %arg19[%dma_wait3A_484, %dma_wait3A_485] : memref<10000x128xf32, #tpu.memory_space<vmem_shared>> -> memref<10000x128xf32, #tpu.memory_space<vmem_shared>>
      tpu.wait_indirect_dma semaphore(%arg17 : memref<!tpu.dma_semaphore, #tpu.memory_space<semaphore_mem>>) src(%arg9 : memref<125x128xf32, #tpu.memory_space<vmem>>) dst(%dma_wait3A_486 : memref<10000x128xf32, #tpu.memory_space<vmem_shared>>)
      %add3A_487 = arith.constant 3 : i32
      %add3A_488 = arith.addi %add3A_479, %add3A_487 : i32
      %add3A_489 = arith.constant 80 : i32
      %add3A_490 = arith.addi %mul3A_2, %add3A_489 : i32
      %sub3A_491 = arith.constant 1 : i32
      %sub3A_492 = arith.subi %add3A_490, %sub3A_491 : i32
      %le3A_493 = arith.cmpi sle, %add3A_488, %sub3A_492 : i32
      %convert_element_type3A_494 = arith.extui %le3A_493 : i1 to i32
      %cond3A_495 = arith.constant 0 : i32
      %cond3A_496 = arith.cmpi ne, %convert_element_type3A_494, %cond3A_495 : i32
      scf.if %cond3A_496 {
        %add3A_521 = arith.constant 3 : i32
        %add3A_522 = arith.addi %add3A_479, %add3A_521 : i32
        %dma_start3A_523 = arith.constant 0 : i32
        %dma_start3A_524 = arith.constant 0 : i32
        %dma_start3A_525 = tpu.memref_slice %arg3[%add3A_522, %dma_start3A_523, %dma_start3A_524] : memref<2560x2x125xi32, #tpu.memory_space<hbm>> -> memref<1x2x125xi32, #tpu.memory_space<hbm>>
        %dma_start3A_526 = tpu.memref_squeeze %dma_start3A_525 : memref<1x2x125xi32, #tpu.memory_space<hbm>> -> memref<2x125xi32, #tpu.memory_space<hbm>>
        %dma_start3A_527 = arith.constant 0 : i32
        %dma_start3A_528 = arith.constant 0 : i32
        %dma_start3A_529 = tpu.memref_slice %arg3[%add3A_522, %dma_start3A_527, %dma_start3A_528] : memref<2560x2x125xi32, #tpu.memory_space<hbm>> -> memref<1x2x125xi32, #tpu.memory_space<hbm>>
        %dma_start3A_530 = tpu.memref_squeeze %dma_start3A_529 : memref<1x2x125xi32, #tpu.memory_space<hbm>> -> memref<2x125xi32, #tpu.memory_space<hbm>>
        tpu.enqueue_dma source(%dma_start3A_530 : memref<2x125xi32, #tpu.memory_space<hbm>>) target(%arg7 : memref<2x125xi32, #tpu.memory_space<vmem>>) target_semaphore(%arg13 : memref<!tpu.dma_semaphore, #tpu.memory_space<semaphore_mem>>)
      } else {
      }
      %add3A_497 = arith.constant 1 : i32
      %add3A_498 = arith.addi %add3A_479, %add3A_497 : i32
      %add3A_499 = arith.constant 80 : i32
      %add3A_500 = arith.addi %mul3A_2, %add3A_499 : i32
      %sub3A_501 = arith.constant 1 : i32
      %sub3A_502 = arith.subi %add3A_500, %sub3A_501 : i32
      %le3A_503 = arith.cmpi sle, %add3A_498, %sub3A_502 : i32
      %convert_element_type3A_504 = arith.extui %le3A_503 : i1 to i32
      %cond3A_505 = arith.constant 0 : i32
      %cond3A_506 = arith.cmpi ne, %convert_element_type3A_504, %cond3A_505 : i32
      scf.if %cond3A_506 {
        %add3A_521 = arith.constant 1 : i32
        %add3A_522 = arith.addi %add3A_479, %add3A_521 : i32
        %dma_wait3A_523 = arith.constant 0 : i32
        %dma_wait3A_524 = arith.constant 0 : i32
        %dma_wait3A_525 = tpu.memref_slice %arg3[%add3A_522, %dma_wait3A_523, %dma_wait3A_524] : memref<2560x2x125xi32, #tpu.memory_space<hbm>> -> memref<1x2x125xi32, #tpu.memory_space<hbm>>
        %dma_wait3A_526 = tpu.memref_squeeze %dma_wait3A_525 : memref<1x2x125xi32, #tpu.memory_space<hbm>> -> memref<2x125xi32, #tpu.memory_space<hbm>>
        %dma_wait3A_527 = arith.constant 0 : i32
        %dma_wait3A_528 = arith.constant 0 : i32
        %dma_wait3A_529 = tpu.memref_slice %arg3[%add3A_522, %dma_wait3A_527, %dma_wait3A_528] : memref<2560x2x125xi32, #tpu.memory_space<hbm>> -> memref<1x2x125xi32, #tpu.memory_space<hbm>>
        %dma_wait3A_530 = tpu.memref_squeeze %dma_wait3A_529 : memref<1x2x125xi32, #tpu.memory_space<hbm>> -> memref<2x125xi32, #tpu.memory_space<hbm>>
        tpu.wait_dma2 semaphore(%arg11 : memref<!tpu.dma_semaphore, #tpu.memory_space<semaphore_mem>>) src(%dma_wait3A_530 : memref<2x125xi32, #tpu.memory_space<hbm>>) dst(%arg5 : memref<2x125xi32, #tpu.memory_space<vmem>>)
        %dma_start3A_531 = arith.constant 0 : i32
        %dma_start3A_532 = arith.constant 0 : i32
        %dma_start3A_533 = tpu.memref_slice %arg5[%dma_start3A_531, %dma_start3A_532] : memref<2x125xi32, #tpu.memory_space<vmem>> -> memref<1x125xi32, #tpu.memory_space<vmem>>
        %dma_start3A_534 = tpu.memref_squeeze %dma_start3A_533 : memref<1x125xi32, #tpu.memory_space<vmem>> -> memref<125xi32, #tpu.memory_space<vmem>>
        %dma_start3A_535 = arith.constant 0 : i32
        %dma_start3A_536 = arith.constant 0 : i32
        %dma_start3A_537 = tpu.memref_slice %arg2[%dma_start3A_535, %dma_start3A_536] : memref<10000x128xf32, #tpu.memory_space<hbm>> -> memref<10000x128xf32, #tpu.memory_space<hbm>>
        tpu.enqueue_indirect_dma source(%dma_start3A_537 : memref<10000x128xf32, #tpu.memory_space<hbm>>) target(%arg9 : memref<125x128xf32, #tpu.memory_space<vmem>>) offsets(%dma_start3A_534 : memref<125xi32, #tpu.memory_space<vmem>>) semaphore(%arg15 : memref<!tpu.dma_semaphore, #tpu.memory_space<semaphore_mem>>)
      } else {
      }
      %dma_wait3A_507 = arith.constant 0 : i32
      %dma_wait3A_508 = arith.constant 0 : i32
      %dma_wait3A_509 = tpu.memref_slice %arg8[%dma_wait3A_507, %dma_wait3A_508] : memref<2x125xi32, #tpu.memory_space<vmem>> -> memref<1x125xi32, #tpu.memory_space<vmem>>
      %dma_wait3A_510 = tpu.memref_squeeze %dma_wait3A_509 : memref<1x125xi32, #tpu.memory_space<vmem>> -> memref<125xi32, #tpu.memory_space<vmem>>
      %dma_wait3A_511 = arith.constant 0 : i32
      %dma_wait3A_512 = arith.constant 0 : i32
      %dma_wait3A_513 = tpu.memref_slice %arg2[%dma_wait3A_511, %dma_wait3A_512] : memref<10000x128xf32, #tpu.memory_space<hbm>> -> memref<10000x128xf32, #tpu.memory_space<hbm>>
      tpu.wait_indirect_dma semaphore(%arg16 : memref<!tpu.dma_semaphore, #tpu.memory_space<semaphore_mem>>) src(%dma_wait3A_513 : memref<10000x128xf32, #tpu.memory_space<hbm>>) dst(%arg10 : memref<125x128xf32, #tpu.memory_space<vmem>>)
      %dma_start3A_514 = arith.constant 1 : i32
      %dma_start3A_515 = arith.constant 0 : i32
      %dma_start3A_516 = tpu.memref_slice %arg8[%dma_start3A_514, %dma_start3A_515] : memref<2x125xi32, #tpu.memory_space<vmem>> -> memref<1x125xi32, #tpu.memory_space<vmem>>
      %dma_start3A_517 = tpu.memref_squeeze %dma_start3A_516 : memref<1x125xi32, #tpu.memory_space<vmem>> -> memref<125xi32, #tpu.memory_space<vmem>>
      %dma_start3A_518 = arith.constant 0 : i32
      %dma_start3A_519 = arith.constant 0 : i32
      %dma_start3A_520 = tpu.memref_slice %arg19[%dma_start3A_518, %dma_start3A_519] : memref<10000x128xf32, #tpu.memory_space<vmem_shared>> -> memref<10000x128xf32, #tpu.memory_space<vmem_shared>>
      tpu.enqueue_indirect_dma source(%arg10 : memref<125x128xf32, #tpu.memory_space<vmem>>) target(%dma_start3A_520 : memref<10000x128xf32, #tpu.memory_space<vmem_shared>>) offsets(%dma_start3A_517 : memref<125xi32, #tpu.memory_space<vmem>>) semaphore(%arg18 : memref<!tpu.dma_semaphore, #tpu.memory_space<semaphore_mem>>) {add = true}
    }
    %scan3A_197 = arith.constant 20 : i32
    %dma_wait3A_198 = arith.constant 1 : i32
    %dma_wait3A_199 = arith.constant 0 : i32
    %dma_wait3A_200 = tpu.memref_slice %arg8[%dma_wait3A_198, %dma_wait3A_199] : memref<2x125xi32, #tpu.memory_space<vmem>> -> memref<1x125xi32, #tpu.memory_space<vmem>>
    %dma_wait3A_201 = tpu.memref_squeeze %dma_wait3A_200 : memref<1x125xi32, #tpu.memory_space<vmem>> -> memref<125xi32, #tpu.memory_space<vmem>>
    %dma_wait3A_202 = arith.constant 0 : i32
    %dma_wait3A_203 = arith.constant 0 : i32
    %dma_wait3A_204 = tpu.memref_slice %arg19[%dma_wait3A_202, %dma_wait3A_203] : memref<10000x128xf32, #tpu.memory_space<vmem_shared>> -> memref<10000x128xf32, #tpu.memory_space<vmem_shared>>
    tpu.wait_indirect_dma semaphore(%arg18 : memref<!tpu.dma_semaphore, #tpu.memory_space<semaphore_mem>>) src(%arg10 : memref<125x128xf32, #tpu.memory_space<vmem>>) dst(%dma_wait3A_204 : memref<10000x128xf32, #tpu.memory_space<vmem_shared>>)
    %barrier3A_205 = arith.constant 0 : index
    tpu.barrier barrier_id(%barrier3A_205)
    %mul3A_206 = arith.constant 640 : i32
    %mul3A_207 = arith.muli %arg1, %mul3A_206 : i32
    %add3A_208 = arith.constant 0 : i32
    %add3A_209 = arith.addi %mul3A_207, %add3A_208 : i32
    %lt3A_210 = arith.constant 10000 : i32
    %lt3A_211 = arith.cmpi slt, %add3A_209, %lt3A_210 : i32
    %convert_element_type3A_212 = arith.extui %lt3A_211 : i1 to i32
    %cond3A_213 = arith.constant 0 : i32
    %cond3A_214 = arith.cmpi ne, %convert_element_type3A_212, %cond3A_213 : i32
    scf.if %cond3A_214 {
      "tpu.region"() ({
        %run_scoped3A = tpu.sem_alloc : memref<!tpu.dma_semaphore, #tpu.memory_space<semaphore_mem>>
        %dma_start3A_350 = arith.constant 0 : i32
        %dma_start3A_351 = tpu.memref_slice %arg4[%arg0, %add3A_209, %dma_start3A_350] : memref<2x10000x128xf32, #tpu.memory_space<hbm>> -> memref<1x40x128xf32, #tpu.memory_space<hbm>>
        %dma_start3A_352 = tpu.memref_squeeze %dma_start3A_351 : memref<1x40x128xf32, #tpu.memory_space<hbm>> -> memref<40x128xf32, #tpu.memory_space<hbm>>
        %dma_start3A_353 = arith.constant 0 : i32
        %dma_start3A_354 = tpu.memref_slice %arg19[%add3A_209, %dma_start3A_353] : memref<10000x128xf32, #tpu.memory_space<vmem_shared>> -> memref<40x128xf32, #tpu.memory_space<vmem_shared>>
        tpu.enqueue_dma source(%dma_start3A_354 : memref<40x128xf32, #tpu.memory_space<vmem_shared>>) target(%dma_start3A_352 : memref<40x128xf32, #tpu.memory_space<hbm>>) target_semaphore(%run_scoped3A : memref<!tpu.dma_semaphore, #tpu.memory_space<semaphore_mem>>)
        %dma_wait3A_355 = arith.constant 0 : i32
        %dma_wait3A_356 = tpu.memref_slice %arg4[%arg0, %add3A_209, %dma_wait3A_355] : memref<2x10000x128xf32, #tpu.memory_space<hbm>> -> memref<1x40x128xf32, #tpu.memory_space<hbm>>
        %dma_wait3A_357 = tpu.memref_squeeze %dma_wait3A_356 : memref<1x40x128xf32, #tpu.memory_space<hbm>> -> memref<40x128xf32, #tpu.memory_space<hbm>>
        %dma_wait3A_358 = arith.constant 0 : i32
        %dma_wait3A_359 = tpu.memref_slice %arg19[%add3A_209, %dma_wait3A_358] : memref<10000x128xf32, #tpu.memory_space<vmem_shared>> -> memref<40x128xf32, #tpu.memory_space<vmem_shared>>
        tpu.wait_dma2 semaphore(%run_scoped3A : memref<!tpu.dma_semaphore, #tpu.memory_space<semaphore_mem>>) src(%dma_wait3A_359 : memref<40x128xf32, #tpu.memory_space<vmem_shared>>) dst(%dma_wait3A_357 : memref<40x128xf32, #tpu.memory_space<hbm>>)
        tpu.yield
      }) : () -> ()
    } else {
    }
    %mul3A_215 = arith.constant 640 : i32
    %mul3A_216 = arith.muli %arg1, %mul3A_215 : i32
    %add3A_217 = arith.constant 40 : i32
    %add3A_218 = arith.addi %mul3A_216, %add3A_217 : i32
    %lt3A_219 = arith.constant 10000 : i32
    %lt3A_220 = arith.cmpi slt, %add3A_218, %lt3A_219 : i32
    %convert_element_type3A_221 = arith.extui %lt3A_220 : i1 to i32
    %cond3A_222 = arith.constant 0 : i32
    %cond3A_223 = arith.cmpi ne, %convert_element_type3A_221, %cond3A_222 : i32
    scf.if %cond3A_223 {
      "tpu.region"() ({
        %run_scoped3A = tpu.sem_alloc : memref<!tpu.dma_semaphore, #tpu.memory_space<semaphore_mem>>
        %dma_start3A_350 = arith.constant 0 : i32
        %dma_start3A_351 = tpu.memref_slice %arg4[%arg0, %add3A_218, %dma_start3A_350] : memref<2x10000x128xf32, #tpu.memory_space<hbm>> -> memref<1x40x128xf32, #tpu.memory_space<hbm>>
        %dma_start3A_352 = tpu.memref_squeeze %dma_start3A_351 : memref<1x40x128xf32, #tpu.memory_space<hbm>> -> memref<40x128xf32, #tpu.memory_space<hbm>>
        %dma_start3A_353 = arith.constant 0 : i32
        %dma_start3A_354 = tpu.memref_slice %arg19[%add3A_218, %dma_start3A_353] : memref<10000x128xf32, #tpu.memory_space<vmem_shared>> -> memref<40x128xf32, #tpu.memory_space<vmem_shared>>
        tpu.enqueue_dma source(%dma_start3A_354 : memref<40x128xf32, #tpu.memory_space<vmem_shared>>) target(%dma_start3A_352 : memref<40x128xf32, #tpu.memory_space<hbm>>) target_semaphore(%run_scoped3A : memref<!tpu.dma_semaphore, #tpu.memory_space<semaphore_mem>>)
        %dma_wait3A_355 = arith.constant 0 : i32
        %dma_wait3A_356 = tpu.memref_slice %arg4[%arg0, %add3A_218, %dma_wait3A_355] : memref<2x10000x128xf32, #tpu.memory_space<hbm>> -> memref<1x40x128xf32, #tpu.memory_space<hbm>>
        %dma_wait3A_357 = tpu.memref_squeeze %dma_wait3A_356 : memref<1x40x128xf32, #tpu.memory_space<hbm>> -> memref<40x128xf32, #tpu.memory_space<hbm>>
        %dma_wait3A_358 = arith.constant 0 : i32
        %dma_wait3A_359 = tpu.memref_slice %arg19[%add3A_218, %dma_wait3A_358] : memref<10000x128xf32, #tpu.memory_space<vmem_shared>> -> memref<40x128xf32, #tpu.memory_space<vmem_shared>>
        tpu.wait_dma2 semaphore(%run_scoped3A : memref<!tpu.dma_semaphore, #tpu.memory_space<semaphore_mem>>) src(%dma_wait3A_359 : memref<40x128xf32, #tpu.memory_space<vmem_shared>>) dst(%dma_wait3A_357 : memref<40x128xf32, #tpu.memory_space<hbm>>)
        tpu.yield
      }) : () -> ()
    } else {
    }
    %mul3A_224 = arith.constant 640 : i32
    %mul3A_225 = arith.muli %arg1, %mul3A_224 : i32
    %add3A_226 = arith.constant 80 : i32
    %add3A_227 = arith.addi %mul3A_225, %add3A_226 : i32
    %lt3A_228 = arith.constant 10000 : i32
    %lt3A_229 = arith.cmpi slt, %add3A_227, %lt3A_228 : i32
    %convert_element_type3A_230 = arith.extui %lt3A_229 : i1 to i32
    %cond3A_231 = arith.constant 0 : i32
    %cond3A_232 = arith.cmpi ne, %convert_element_type3A_230, %cond3A_231 : i32
    scf.if %cond3A_232 {
      "tpu.region"() ({
        %run_scoped3A = tpu.sem_alloc : memref<!tpu.dma_semaphore, #tpu.memory_space<semaphore_mem>>
        %dma_start3A_350 = arith.constant 0 : i32
        %dma_start3A_351 = tpu.memref_slice %arg4[%arg0, %add3A_227, %dma_start3A_350] : memref<2x10000x128xf32, #tpu.memory_space<hbm>> -> memref<1x40x128xf32, #tpu.memory_space<hbm>>
        %dma_start3A_352 = tpu.memref_squeeze %dma_start3A_351 : memref<1x40x128xf32, #tpu.memory_space<hbm>> -> memref<40x128xf32, #tpu.memory_space<hbm>>
        %dma_start3A_353 = arith.constant 0 : i32
        %dma_start3A_354 = tpu.memref_slice %arg19[%add3A_227, %dma_start3A_353] : memref<10000x128xf32, #tpu.memory_space<vmem_shared>> -> memref<40x128xf32, #tpu.memory_space<vmem_shared>>
        tpu.enqueue_dma source(%dma_start3A_354 : memref<40x128xf32, #tpu.memory_space<vmem_shared>>) target(%dma_start3A_352 : memref<40x128xf32, #tpu.memory_space<hbm>>) target_semaphore(%run_scoped3A : memref<!tpu.dma_semaphore, #tpu.memory_space<semaphore_mem>>)
        %dma_wait3A_355 = arith.constant 0 : i32
        %dma_wait3A_356 = tpu.memref_slice %arg4[%arg0, %add3A_227, %dma_wait3A_355] : memref<2x10000x128xf32, #tpu.memory_space<hbm>> -> memref<1x40x128xf32, #tpu.memory_space<hbm>>
        %dma_wait3A_357 = tpu.memref_squeeze %dma_wait3A_356 : memref<1x40x128xf32, #tpu.memory_space<hbm>> -> memref<40x128xf32, #tpu.memory_space<hbm>>
        %dma_wait3A_358 = arith.constant 0 : i32
        %dma_wait3A_359 = tpu.memref_slice %arg19[%add3A_227, %dma_wait3A_358] : memref<10000x128xf32, #tpu.memory_space<vmem_shared>> -> memref<40x128xf32, #tpu.memory_space<vmem_shared>>
        tpu.wait_dma2 semaphore(%run_scoped3A : memref<!tpu.dma_semaphore, #tpu.memory_space<semaphore_mem>>) src(%dma_wait3A_359 : memref<40x128xf32, #tpu.memory_space<vmem_shared>>) dst(%dma_wait3A_357 : memref<40x128xf32, #tpu.memory_space<hbm>>)
        tpu.yield
      }) : () -> ()
    } else {
    }
    %mul3A_233 = arith.constant 640 : i32
    %mul3A_234 = arith.muli %arg1, %mul3A_233 : i32
    %add3A_235 = arith.constant 120 : i32
    %add3A_236 = arith.addi %mul3A_234, %add3A_235 : i32
    %lt3A_237 = arith.constant 10000 : i32
    %lt3A_238 = arith.cmpi slt, %add3A_236, %lt3A_237 : i32
    %convert_element_type3A_239 = arith.extui %lt3A_238 : i1 to i32
    %cond3A_240 = arith.constant 0 : i32
    %cond3A_241 = arith.cmpi ne, %convert_element_type3A_239, %cond3A_240 : i32
    scf.if %cond3A_241 {
      "tpu.region"() ({
        %run_scoped3A = tpu.sem_alloc : memref<!tpu.dma_semaphore, #tpu.memory_space<semaphore_mem>>
        %dma_start3A_350 = arith.constant 0 : i32
        %dma_start3A_351 = tpu.memref_slice %arg4[%arg0, %add3A_236, %dma_start3A_350] : memref<2x10000x128xf32, #tpu.memory_space<hbm>> -> memref<1x40x128xf32, #tpu.memory_space<hbm>>
        %dma_start3A_352 = tpu.memref_squeeze %dma_start3A_351 : memref<1x40x128xf32, #tpu.memory_space<hbm>> -> memref<40x128xf32, #tpu.memory_space<hbm>>
        %dma_start3A_353 = arith.constant 0 : i32
        %dma_start3A_354 = tpu.memref_slice %arg19[%add3A_236, %dma_start3A_353] : memref<10000x128xf32, #tpu.memory_space<vmem_shared>> -> memref<40x128xf32, #tpu.memory_space<vmem_shared>>
        tpu.enqueue_dma source(%dma_start3A_354 : memref<40x128xf32, #tpu.memory_space<vmem_shared>>) target(%dma_start3A_352 : memref<40x128xf32, #tpu.memory_space<hbm>>) target_semaphore(%run_scoped3A : memref<!tpu.dma_semaphore, #tpu.memory_space<semaphore_mem>>)
        %dma_wait3A_355 = arith.constant 0 : i32
        %dma_wait3A_356 = tpu.memref_slice %arg4[%arg0, %add3A_236, %dma_wait3A_355] : memref<2x10000x128xf32, #tpu.memory_space<hbm>> -> memref<1x40x128xf32, #tpu.memory_space<hbm>>
        %dma_wait3A_357 = tpu.memref_squeeze %dma_wait3A_356 : memref<1x40x128xf32, #tpu.memory_space<hbm>> -> memref<40x128xf32, #tpu.memory_space<hbm>>
        %dma_wait3A_358 = arith.constant 0 : i32
        %dma_wait3A_359 = tpu.memref_slice %arg19[%add3A_236, %dma_wait3A_358] : memref<10000x128xf32, #tpu.memory_space<vmem_shared>> -> memref<40x128xf32, #tpu.memory_space<vmem_shared>>
        tpu.wait_dma2 semaphore(%run_scoped3A : memref<!tpu.dma_semaphore, #tpu.memory_space<semaphore_mem>>) src(%dma_wait3A_359 : memref<40x128xf32, #tpu.memory_space<vmem_shared>>) dst(%dma_wait3A_357 : memref<40x128xf32, #tpu.memory_space<hbm>>)
        tpu.yield
      }) : () -> ()
    } else {
    }
    %mul3A_242 = arith.constant 640 : i32
    %mul3A_243 = arith.muli %arg1, %mul3A_242 : i32
    %add3A_244 = arith.constant 160 : i32
    %add3A_245 = arith.addi %mul3A_243, %add3A_244 : i32
    %lt3A_246 = arith.constant 10000 : i32
    %lt3A_247 = arith.cmpi slt, %add3A_245, %lt3A_246 : i32
    %convert_element_type3A_248 = arith.extui %lt3A_247 : i1 to i32
    %cond3A_249 = arith.constant 0 : i32
    %cond3A_250 = arith.cmpi ne, %convert_element_type3A_248, %cond3A_249 : i32
    scf.if %cond3A_250 {
      "tpu.region"() ({
        %run_scoped3A = tpu.sem_alloc : memref<!tpu.dma_semaphore, #tpu.memory_space<semaphore_mem>>
        %dma_start3A_350 = arith.constant 0 : i32
        %dma_start3A_351 = tpu.memref_slice %arg4[%arg0, %add3A_245, %dma_start3A_350] : memref<2x10000x128xf32, #tpu.memory_space<hbm>> -> memref<1x40x128xf32, #tpu.memory_space<hbm>>
        %dma_start3A_352 = tpu.memref_squeeze %dma_start3A_351 : memref<1x40x128xf32, #tpu.memory_space<hbm>> -> memref<40x128xf32, #tpu.memory_space<hbm>>
        %dma_start3A_353 = arith.constant 0 : i32
        %dma_start3A_354 = tpu.memref_slice %arg19[%add3A_245, %dma_start3A_353] : memref<10000x128xf32, #tpu.memory_space<vmem_shared>> -> memref<40x128xf32, #tpu.memory_space<vmem_shared>>
        tpu.enqueue_dma source(%dma_start3A_354 : memref<40x128xf32, #tpu.memory_space<vmem_shared>>) target(%dma_start3A_352 : memref<40x128xf32, #tpu.memory_space<hbm>>) target_semaphore(%run_scoped3A : memref<!tpu.dma_semaphore, #tpu.memory_space<semaphore_mem>>)
        %dma_wait3A_355 = arith.constant 0 : i32
        %dma_wait3A_356 = tpu.memref_slice %arg4[%arg0, %add3A_245, %dma_wait3A_355] : memref<2x10000x128xf32, #tpu.memory_space<hbm>> -> memref<1x40x128xf32, #tpu.memory_space<hbm>>
        %dma_wait3A_357 = tpu.memref_squeeze %dma_wait3A_356 : memref<1x40x128xf32, #tpu.memory_space<hbm>> -> memref<40x128xf32, #tpu.memory_space<hbm>>
        %dma_wait3A_358 = arith.constant 0 : i32
        %dma_wait3A_359 = tpu.memref_slice %arg19[%add3A_245, %dma_wait3A_358] : memref<10000x128xf32, #tpu.memory_space<vmem_shared>> -> memref<40x128xf32, #tpu.memory_space<vmem_shared>>
        tpu.wait_dma2 semaphore(%run_scoped3A : memref<!tpu.dma_semaphore, #tpu.memory_space<semaphore_mem>>) src(%dma_wait3A_359 : memref<40x128xf32, #tpu.memory_space<vmem_shared>>) dst(%dma_wait3A_357 : memref<40x128xf32, #tpu.memory_space<hbm>>)
        tpu.yield
      }) : () -> ()
    } else {
    }
    %mul3A_251 = arith.constant 640 : i32
    %mul3A_252 = arith.muli %arg1, %mul3A_251 : i32
    %add3A_253 = arith.constant 200 : i32
    %add3A_254 = arith.addi %mul3A_252, %add3A_253 : i32
    %lt3A_255 = arith.constant 10000 : i32
    %lt3A_256 = arith.cmpi slt, %add3A_254, %lt3A_255 : i32
    %convert_element_type3A_257 = arith.extui %lt3A_256 : i1 to i32
    %cond3A_258 = arith.constant 0 : i32
    %cond3A_259 = arith.cmpi ne, %convert_element_type3A_257, %cond3A_258 : i32
    scf.if %cond3A_259 {
      "tpu.region"() ({
        %run_scoped3A = tpu.sem_alloc : memref<!tpu.dma_semaphore, #tpu.memory_space<semaphore_mem>>
        %dma_start3A_350 = arith.constant 0 : i32
        %dma_start3A_351 = tpu.memref_slice %arg4[%arg0, %add3A_254, %dma_start3A_350] : memref<2x10000x128xf32, #tpu.memory_space<hbm>> -> memref<1x40x128xf32, #tpu.memory_space<hbm>>
        %dma_start3A_352 = tpu.memref_squeeze %dma_start3A_351 : memref<1x40x128xf32, #tpu.memory_space<hbm>> -> memref<40x128xf32, #tpu.memory_space<hbm>>
        %dma_start3A_353 = arith.constant 0 : i32
        %dma_start3A_354 = tpu.memref_slice %arg19[%add3A_254, %dma_start3A_353] : memref<10000x128xf32, #tpu.memory_space<vmem_shared>> -> memref<40x128xf32, #tpu.memory_space<vmem_shared>>
        tpu.enqueue_dma source(%dma_start3A_354 : memref<40x128xf32, #tpu.memory_space<vmem_shared>>) target(%dma_start3A_352 : memref<40x128xf32, #tpu.memory_space<hbm>>) target_semaphore(%run_scoped3A : memref<!tpu.dma_semaphore, #tpu.memory_space<semaphore_mem>>)
        %dma_wait3A_355 = arith.constant 0 : i32
        %dma_wait3A_356 = tpu.memref_slice %arg4[%arg0, %add3A_254, %dma_wait3A_355] : memref<2x10000x128xf32, #tpu.memory_space<hbm>> -> memref<1x40x128xf32, #tpu.memory_space<hbm>>
        %dma_wait3A_357 = tpu.memref_squeeze %dma_wait3A_356 : memref<1x40x128xf32, #tpu.memory_space<hbm>> -> memref<40x128xf32, #tpu.memory_space<hbm>>
        %dma_wait3A_358 = arith.constant 0 : i32
        %dma_wait3A_359 = tpu.memref_slice %arg19[%add3A_254, %dma_wait3A_358] : memref<10000x128xf32, #tpu.memory_space<vmem_shared>> -> memref<40x128xf32, #tpu.memory_space<vmem_shared>>
        tpu.wait_dma2 semaphore(%run_scoped3A : memref<!tpu.dma_semaphore, #tpu.memory_space<semaphore_mem>>) src(%dma_wait3A_359 : memref<40x128xf32, #tpu.memory_space<vmem_shared>>) dst(%dma_wait3A_357 : memref<40x128xf32, #tpu.memory_space<hbm>>)
        tpu.yield
      }) : () -> ()
    } else {
    }
    %mul3A_260 = arith.constant 640 : i32
    %mul3A_261 = arith.muli %arg1, %mul3A_260 : i32
    %add3A_262 = arith.constant 240 : i32
    %add3A_263 = arith.addi %mul3A_261, %add3A_262 : i32
    %lt3A_264 = arith.constant 10000 : i32
    %lt3A_265 = arith.cmpi slt, %add3A_263, %lt3A_264 : i32
    %convert_element_type3A_266 = arith.extui %lt3A_265 : i1 to i32
    %cond3A_267 = arith.constant 0 : i32
    %cond3A_268 = arith.cmpi ne, %convert_element_type3A_266, %cond3A_267 : i32
    scf.if %cond3A_268 {
      "tpu.region"() ({
        %run_scoped3A = tpu.sem_alloc : memref<!tpu.dma_semaphore, #tpu.memory_space<semaphore_mem>>
        %dma_start3A_350 = arith.constant 0 : i32
        %dma_start3A_351 = tpu.memref_slice %arg4[%arg0, %add3A_263, %dma_start3A_350] : memref<2x10000x128xf32, #tpu.memory_space<hbm>> -> memref<1x40x128xf32, #tpu.memory_space<hbm>>
        %dma_start3A_352 = tpu.memref_squeeze %dma_start3A_351 : memref<1x40x128xf32, #tpu.memory_space<hbm>> -> memref<40x128xf32, #tpu.memory_space<hbm>>
        %dma_start3A_353 = arith.constant 0 : i32
        %dma_start3A_354 = tpu.memref_slice %arg19[%add3A_263, %dma_start3A_353] : memref<10000x128xf32, #tpu.memory_space<vmem_shared>> -> memref<40x128xf32, #tpu.memory_space<vmem_shared>>
        tpu.enqueue_dma source(%dma_start3A_354 : memref<40x128xf32, #tpu.memory_space<vmem_shared>>) target(%dma_start3A_352 : memref<40x128xf32, #tpu.memory_space<hbm>>) target_semaphore(%run_scoped3A : memref<!tpu.dma_semaphore, #tpu.memory_space<semaphore_mem>>)
        %dma_wait3A_355 = arith.constant 0 : i32
        %dma_wait3A_356 = tpu.memref_slice %arg4[%arg0, %add3A_263, %dma_wait3A_355] : memref<2x10000x128xf32, #tpu.memory_space<hbm>> -> memref<1x40x128xf32, #tpu.memory_space<hbm>>
        %dma_wait3A_357 = tpu.memref_squeeze %dma_wait3A_356 : memref<1x40x128xf32, #tpu.memory_space<hbm>> -> memref<40x128xf32, #tpu.memory_space<hbm>>
        %dma_wait3A_358 = arith.constant 0 : i32
        %dma_wait3A_359 = tpu.memref_slice %arg19[%add3A_263, %dma_wait3A_358] : memref<10000x128xf32, #tpu.memory_space<vmem_shared>> -> memref<40x128xf32, #tpu.memory_space<vmem_shared>>
        tpu.wait_dma2 semaphore(%run_scoped3A : memref<!tpu.dma_semaphore, #tpu.memory_space<semaphore_mem>>) src(%dma_wait3A_359 : memref<40x128xf32, #tpu.memory_space<vmem_shared>>) dst(%dma_wait3A_357 : memref<40x128xf32, #tpu.memory_space<hbm>>)
        tpu.yield
      }) : () -> ()
    } else {
    }
    %mul3A_269 = arith.constant 640 : i32
    %mul3A_270 = arith.muli %arg1, %mul3A_269 : i32
    %add3A_271 = arith.constant 280 : i32
    %add3A_272 = arith.addi %mul3A_270, %add3A_271 : i32
    %lt3A_273 = arith.constant 10000 : i32
    %lt3A_274 = arith.cmpi slt, %add3A_272, %lt3A_273 : i32
    %convert_element_type3A_275 = arith.extui %lt3A_274 : i1 to i32
    %cond3A_276 = arith.constant 0 : i32
    %cond3A_277 = arith.cmpi ne, %convert_element_type3A_275, %cond3A_276 : i32
    scf.if %cond3A_277 {
      "tpu.region"() ({
        %run_scoped3A = tpu.sem_alloc : memref<!tpu.dma_semaphore, #tpu.memory_space<semaphore_mem>>
        %dma_start3A_350 = arith.constant 0 : i32
        %dma_start3A_351 = tpu.memref_slice %arg4[%arg0, %add3A_272, %dma_start3A_350] : memref<2x10000x128xf32, #tpu.memory_space<hbm>> -> memref<1x40x128xf32, #tpu.memory_space<hbm>>
        %dma_start3A_352 = tpu.memref_squeeze %dma_start3A_351 : memref<1x40x128xf32, #tpu.memory_space<hbm>> -> memref<40x128xf32, #tpu.memory_space<hbm>>
        %dma_start3A_353 = arith.constant 0 : i32
        %dma_start3A_354 = tpu.memref_slice %arg19[%add3A_272, %dma_start3A_353] : memref<10000x128xf32, #tpu.memory_space<vmem_shared>> -> memref<40x128xf32, #tpu.memory_space<vmem_shared>>
        tpu.enqueue_dma source(%dma_start3A_354 : memref<40x128xf32, #tpu.memory_space<vmem_shared>>) target(%dma_start3A_352 : memref<40x128xf32, #tpu.memory_space<hbm>>) target_semaphore(%run_scoped3A : memref<!tpu.dma_semaphore, #tpu.memory_space<semaphore_mem>>)
        %dma_wait3A_355 = arith.constant 0 : i32
        %dma_wait3A_356 = tpu.memref_slice %arg4[%arg0, %add3A_272, %dma_wait3A_355] : memref<2x10000x128xf32, #tpu.memory_space<hbm>> -> memref<1x40x128xf32, #tpu.memory_space<hbm>>
        %dma_wait3A_357 = tpu.memref_squeeze %dma_wait3A_356 : memref<1x40x128xf32, #tpu.memory_space<hbm>> -> memref<40x128xf32, #tpu.memory_space<hbm>>
        %dma_wait3A_358 = arith.constant 0 : i32
        %dma_wait3A_359 = tpu.memref_slice %arg19[%add3A_272, %dma_wait3A_358] : memref<10000x128xf32, #tpu.memory_space<vmem_shared>> -> memref<40x128xf32, #tpu.memory_space<vmem_shared>>
        tpu.wait_dma2 semaphore(%run_scoped3A : memref<!tpu.dma_semaphore, #tpu.memory_space<semaphore_mem>>) src(%dma_wait3A_359 : memref<40x128xf32, #tpu.memory_space<vmem_shared>>) dst(%dma_wait3A_357 : memref<40x128xf32, #tpu.memory_space<hbm>>)
        tpu.yield
      }) : () -> ()
    } else {
    }
    %mul3A_278 = arith.constant 640 : i32
    %mul3A_279 = arith.muli %arg1, %mul3A_278 : i32
    %add3A_280 = arith.constant 320 : i32
    %add3A_281 = arith.addi %mul3A_279, %add3A_280 : i32
    %lt3A_282 = arith.constant 10000 : i32
    %lt3A_283 = arith.cmpi slt, %add3A_281, %lt3A_282 : i32
    %convert_element_type3A_284 = arith.extui %lt3A_283 : i1 to i32
    %cond3A_285 = arith.constant 0 : i32
    %cond3A_286 = arith.cmpi ne, %convert_element_type3A_284, %cond3A_285 : i32
    scf.if %cond3A_286 {
      "tpu.region"() ({
        %run_scoped3A = tpu.sem_alloc : memref<!tpu.dma_semaphore, #tpu.memory_space<semaphore_mem>>
        %dma_start3A_350 = arith.constant 0 : i32
        %dma_start3A_351 = tpu.memref_slice %arg4[%arg0, %add3A_281, %dma_start3A_350] : memref<2x10000x128xf32, #tpu.memory_space<hbm>> -> memref<1x40x128xf32, #tpu.memory_space<hbm>>
        %dma_start3A_352 = tpu.memref_squeeze %dma_start3A_351 : memref<1x40x128xf32, #tpu.memory_space<hbm>> -> memref<40x128xf32, #tpu.memory_space<hbm>>
        %dma_start3A_353 = arith.constant 0 : i32
        %dma_start3A_354 = tpu.memref_slice %arg19[%add3A_281, %dma_start3A_353] : memref<10000x128xf32, #tpu.memory_space<vmem_shared>> -> memref<40x128xf32, #tpu.memory_space<vmem_shared>>
        tpu.enqueue_dma source(%dma_start3A_354 : memref<40x128xf32, #tpu.memory_space<vmem_shared>>) target(%dma_start3A_352 : memref<40x128xf32, #tpu.memory_space<hbm>>) target_semaphore(%run_scoped3A : memref<!tpu.dma_semaphore, #tpu.memory_space<semaphore_mem>>)
        %dma_wait3A_355 = arith.constant 0 : i32
        %dma_wait3A_356 = tpu.memref_slice %arg4[%arg0, %add3A_281, %dma_wait3A_355] : memref<2x10000x128xf32, #tpu.memory_space<hbm>> -> memref<1x40x128xf32, #tpu.memory_space<hbm>>
        %dma_wait3A_357 = tpu.memref_squeeze %dma_wait3A_356 : memref<1x40x128xf32, #tpu.memory_space<hbm>> -> memref<40x128xf32, #tpu.memory_space<hbm>>
        %dma_wait3A_358 = arith.constant 0 : i32
        %dma_wait3A_359 = tpu.memref_slice %arg19[%add3A_281, %dma_wait3A_358] : memref<10000x128xf32, #tpu.memory_space<vmem_shared>> -> memref<40x128xf32, #tpu.memory_space<vmem_shared>>
        tpu.wait_dma2 semaphore(%run_scoped3A : memref<!tpu.dma_semaphore, #tpu.memory_space<semaphore_mem>>) src(%dma_wait3A_359 : memref<40x128xf32, #tpu.memory_space<vmem_shared>>) dst(%dma_wait3A_357 : memref<40x128xf32, #tpu.memory_space<hbm>>)
        tpu.yield
      }) : () -> ()
    } else {
    }
    %mul3A_287 = arith.constant 640 : i32
    %mul3A_288 = arith.muli %arg1, %mul3A_287 : i32
    %add3A_289 = arith.constant 360 : i32
    %add3A_290 = arith.addi %mul3A_288, %add3A_289 : i32
    %lt3A_291 = arith.constant 10000 : i32
    %lt3A_292 = arith.cmpi slt, %add3A_290, %lt3A_291 : i32
    %convert_element_type3A_293 = arith.extui %lt3A_292 : i1 to i32
    %cond3A_294 = arith.constant 0 : i32
    %cond3A_295 = arith.cmpi ne, %convert_element_type3A_293, %cond3A_294 : i32
    scf.if %cond3A_295 {
      "tpu.region"() ({
        %run_scoped3A = tpu.sem_alloc : memref<!tpu.dma_semaphore, #tpu.memory_space<semaphore_mem>>
        %dma_start3A_350 = arith.constant 0 : i32
        %dma_start3A_351 = tpu.memref_slice %arg4[%arg0, %add3A_290, %dma_start3A_350] : memref<2x10000x128xf32, #tpu.memory_space<hbm>> -> memref<1x40x128xf32, #tpu.memory_space<hbm>>
        %dma_start3A_352 = tpu.memref_squeeze %dma_start3A_351 : memref<1x40x128xf32, #tpu.memory_space<hbm>> -> memref<40x128xf32, #tpu.memory_space<hbm>>
        %dma_start3A_353 = arith.constant 0 : i32
        %dma_start3A_354 = tpu.memref_slice %arg19[%add3A_290, %dma_start3A_353] : memref<10000x128xf32, #tpu.memory_space<vmem_shared>> -> memref<40x128xf32, #tpu.memory_space<vmem_shared>>
        tpu.enqueue_dma source(%dma_start3A_354 : memref<40x128xf32, #tpu.memory_space<vmem_shared>>) target(%dma_start3A_352 : memref<40x128xf32, #tpu.memory_space<hbm>>) target_semaphore(%run_scoped3A : memref<!tpu.dma_semaphore, #tpu.memory_space<semaphore_mem>>)
        %dma_wait3A_355 = arith.constant 0 : i32
        %dma_wait3A_356 = tpu.memref_slice %arg4[%arg0, %add3A_290, %dma_wait3A_355] : memref<2x10000x128xf32, #tpu.memory_space<hbm>> -> memref<1x40x128xf32, #tpu.memory_space<hbm>>
        %dma_wait3A_357 = tpu.memref_squeeze %dma_wait3A_356 : memref<1x40x128xf32, #tpu.memory_space<hbm>> -> memref<40x128xf32, #tpu.memory_space<hbm>>
        %dma_wait3A_358 = arith.constant 0 : i32
        %dma_wait3A_359 = tpu.memref_slice %arg19[%add3A_290, %dma_wait3A_358] : memref<10000x128xf32, #tpu.memory_space<vmem_shared>> -> memref<40x128xf32, #tpu.memory_space<vmem_shared>>
        tpu.wait_dma2 semaphore(%run_scoped3A : memref<!tpu.dma_semaphore, #tpu.memory_space<semaphore_mem>>) src(%dma_wait3A_359 : memref<40x128xf32, #tpu.memory_space<vmem_shared>>) dst(%dma_wait3A_357 : memref<40x128xf32, #tpu.memory_space<hbm>>)
        tpu.yield
      }) : () -> ()
    } else {
    }
    %mul3A_296 = arith.constant 640 : i32
    %mul3A_297 = arith.muli %arg1, %mul3A_296 : i32
    %add3A_298 = arith.constant 400 : i32
    %add3A_299 = arith.addi %mul3A_297, %add3A_298 : i32
    %lt3A_300 = arith.constant 10000 : i32
    %lt3A_301 = arith.cmpi slt, %add3A_299, %lt3A_300 : i32
    %convert_element_type3A_302 = arith.extui %lt3A_301 : i1 to i32
    %cond3A_303 = arith.constant 0 : i32
    %cond3A_304 = arith.cmpi ne, %convert_element_type3A_302, %cond3A_303 : i32
    scf.if %cond3A_304 {
      "tpu.region"() ({
        %run_scoped3A = tpu.sem_alloc : memref<!tpu.dma_semaphore, #tpu.memory_space<semaphore_mem>>
        %dma_start3A_350 = arith.constant 0 : i32
        %dma_start3A_351 = tpu.memref_slice %arg4[%arg0, %add3A_299, %dma_start3A_350] : memref<2x10000x128xf32, #tpu.memory_space<hbm>> -> memref<1x40x128xf32, #tpu.memory_space<hbm>>
        %dma_start3A_352 = tpu.memref_squeeze %dma_start3A_351 : memref<1x40x128xf32, #tpu.memory_space<hbm>> -> memref<40x128xf32, #tpu.memory_space<hbm>>
        %dma_start3A_353 = arith.constant 0 : i32
        %dma_start3A_354 = tpu.memref_slice %arg19[%add3A_299, %dma_start3A_353] : memref<10000x128xf32, #tpu.memory_space<vmem_shared>> -> memref<40x128xf32, #tpu.memory_space<vmem_shared>>
        tpu.enqueue_dma source(%dma_start3A_354 : memref<40x128xf32, #tpu.memory_space<vmem_shared>>) target(%dma_start3A_352 : memref<40x128xf32, #tpu.memory_space<hbm>>) target_semaphore(%run_scoped3A : memref<!tpu.dma_semaphore, #tpu.memory_space<semaphore_mem>>)
        %dma_wait3A_355 = arith.constant 0 : i32
        %dma_wait3A_356 = tpu.memref_slice %arg4[%arg0, %add3A_299, %dma_wait3A_355] : memref<2x10000x128xf32, #tpu.memory_space<hbm>> -> memref<1x40x128xf32, #tpu.memory_space<hbm>>
        %dma_wait3A_357 = tpu.memref_squeeze %dma_wait3A_356 : memref<1x40x128xf32, #tpu.memory_space<hbm>> -> memref<40x128xf32, #tpu.memory_space<hbm>>
        %dma_wait3A_358 = arith.constant 0 : i32
        %dma_wait3A_359 = tpu.memref_slice %arg19[%add3A_299, %dma_wait3A_358] : memref<10000x128xf32, #tpu.memory_space<vmem_shared>> -> memref<40x128xf32, #tpu.memory_space<vmem_shared>>
        tpu.wait_dma2 semaphore(%run_scoped3A : memref<!tpu.dma_semaphore, #tpu.memory_space<semaphore_mem>>) src(%dma_wait3A_359 : memref<40x128xf32, #tpu.memory_space<vmem_shared>>) dst(%dma_wait3A_357 : memref<40x128xf32, #tpu.memory_space<hbm>>)
        tpu.yield
      }) : () -> ()
    } else {
    }
    %mul3A_305 = arith.constant 640 : i32
    %mul3A_306 = arith.muli %arg1, %mul3A_305 : i32
    %add3A_307 = arith.constant 440 : i32
    %add3A_308 = arith.addi %mul3A_306, %add3A_307 : i32
    %lt3A_309 = arith.constant 10000 : i32
    %lt3A_310 = arith.cmpi slt, %add3A_308, %lt3A_309 : i32
    %convert_element_type3A_311 = arith.extui %lt3A_310 : i1 to i32
    %cond3A_312 = arith.constant 0 : i32
    %cond3A_313 = arith.cmpi ne, %convert_element_type3A_311, %cond3A_312 : i32
    scf.if %cond3A_313 {
      "tpu.region"() ({
        %run_scoped3A = tpu.sem_alloc : memref<!tpu.dma_semaphore, #tpu.memory_space<semaphore_mem>>
        %dma_start3A_350 = arith.constant 0 : i32
        %dma_start3A_351 = tpu.memref_slice %arg4[%arg0, %add3A_308, %dma_start3A_350] : memref<2x10000x128xf32, #tpu.memory_space<hbm>> -> memref<1x40x128xf32, #tpu.memory_space<hbm>>
        %dma_start3A_352 = tpu.memref_squeeze %dma_start3A_351 : memref<1x40x128xf32, #tpu.memory_space<hbm>> -> memref<40x128xf32, #tpu.memory_space<hbm>>
        %dma_start3A_353 = arith.constant 0 : i32
        %dma_start3A_354 = tpu.memref_slice %arg19[%add3A_308, %dma_start3A_353] : memref<10000x128xf32, #tpu.memory_space<vmem_shared>> -> memref<40x128xf32, #tpu.memory_space<vmem_shared>>
        tpu.enqueue_dma source(%dma_start3A_354 : memref<40x128xf32, #tpu.memory_space<vmem_shared>>) target(%dma_start3A_352 : memref<40x128xf32, #tpu.memory_space<hbm>>) target_semaphore(%run_scoped3A : memref<!tpu.dma_semaphore, #tpu.memory_space<semaphore_mem>>)
        %dma_wait3A_355 = arith.constant 0 : i32
        %dma_wait3A_356 = tpu.memref_slice %arg4[%arg0, %add3A_308, %dma_wait3A_355] : memref<2x10000x128xf32, #tpu.memory_space<hbm>> -> memref<1x40x128xf32, #tpu.memory_space<hbm>>
        %dma_wait3A_357 = tpu.memref_squeeze %dma_wait3A_356 : memref<1x40x128xf32, #tpu.memory_space<hbm>> -> memref<40x128xf32, #tpu.memory_space<hbm>>
        %dma_wait3A_358 = arith.constant 0 : i32
        %dma_wait3A_359 = tpu.memref_slice %arg19[%add3A_308, %dma_wait3A_358] : memref<10000x128xf32, #tpu.memory_space<vmem_shared>> -> memref<40x128xf32, #tpu.memory_space<vmem_shared>>
        tpu.wait_dma2 semaphore(%run_scoped3A : memref<!tpu.dma_semaphore, #tpu.memory_space<semaphore_mem>>) src(%dma_wait3A_359 : memref<40x128xf32, #tpu.memory_space<vmem_shared>>) dst(%dma_wait3A_357 : memref<40x128xf32, #tpu.memory_space<hbm>>)
        tpu.yield
      }) : () -> ()
    } else {
    }
    %mul3A_314 = arith.constant 640 : i32
    %mul3A_315 = arith.muli %arg1, %mul3A_314 : i32
    %add3A_316 = arith.constant 480 : i32
    %add3A_317 = arith.addi %mul3A_315, %add3A_316 : i32
    %lt3A_318 = arith.constant 10000 : i32
    %lt3A_319 = arith.cmpi slt, %add3A_317, %lt3A_318 : i32
    %convert_element_type3A_320 = arith.extui %lt3A_319 : i1 to i32
    %cond3A_321 = arith.constant 0 : i32
    %cond3A_322 = arith.cmpi ne, %convert_element_type3A_320, %cond3A_321 : i32
    scf.if %cond3A_322 {
      "tpu.region"() ({
        %run_scoped3A = tpu.sem_alloc : memref<!tpu.dma_semaphore, #tpu.memory_space<semaphore_mem>>
        %dma_start3A_350 = arith.constant 0 : i32
        %dma_start3A_351 = tpu.memref_slice %arg4[%arg0, %add3A_317, %dma_start3A_350] : memref<2x10000x128xf32, #tpu.memory_space<hbm>> -> memref<1x40x128xf32, #tpu.memory_space<hbm>>
        %dma_start3A_352 = tpu.memref_squeeze %dma_start3A_351 : memref<1x40x128xf32, #tpu.memory_space<hbm>> -> memref<40x128xf32, #tpu.memory_space<hbm>>
        %dma_start3A_353 = arith.constant 0 : i32
        %dma_start3A_354 = tpu.memref_slice %arg19[%add3A_317, %dma_start3A_353] : memref<10000x128xf32, #tpu.memory_space<vmem_shared>> -> memref<40x128xf32, #tpu.memory_space<vmem_shared>>
        tpu.enqueue_dma source(%dma_start3A_354 : memref<40x128xf32, #tpu.memory_space<vmem_shared>>) target(%dma_start3A_352 : memref<40x128xf32, #tpu.memory_space<hbm>>) target_semaphore(%run_scoped3A : memref<!tpu.dma_semaphore, #tpu.memory_space<semaphore_mem>>)
        %dma_wait3A_355 = arith.constant 0 : i32
        %dma_wait3A_356 = tpu.memref_slice %arg4[%arg0, %add3A_317, %dma_wait3A_355] : memref<2x10000x128xf32, #tpu.memory_space<hbm>> -> memref<1x40x128xf32, #tpu.memory_space<hbm>>
        %dma_wait3A_357 = tpu.memref_squeeze %dma_wait3A_356 : memref<1x40x128xf32, #tpu.memory_space<hbm>> -> memref<40x128xf32, #tpu.memory_space<hbm>>
        %dma_wait3A_358 = arith.constant 0 : i32
        %dma_wait3A_359 = tpu.memref_slice %arg19[%add3A_317, %dma_wait3A_358] : memref<10000x128xf32, #tpu.memory_space<vmem_shared>> -> memref<40x128xf32, #tpu.memory_space<vmem_shared>>
        tpu.wait_dma2 semaphore(%run_scoped3A : memref<!tpu.dma_semaphore, #tpu.memory_space<semaphore_mem>>) src(%dma_wait3A_359 : memref<40x128xf32, #tpu.memory_space<vmem_shared>>) dst(%dma_wait3A_357 : memref<40x128xf32, #tpu.memory_space<hbm>>)
        tpu.yield
      }) : () -> ()
    } else {
    }
    %mul3A_323 = arith.constant 640 : i32
    %mul3A_324 = arith.muli %arg1, %mul3A_323 : i32
    %add3A_325 = arith.constant 520 : i32
    %add3A_326 = arith.addi %mul3A_324, %add3A_325 : i32
    %lt3A_327 = arith.constant 10000 : i32
    %lt3A_328 = arith.cmpi slt, %add3A_326, %lt3A_327 : i32
    %convert_element_type3A_329 = arith.extui %lt3A_328 : i1 to i32
    %cond3A_330 = arith.constant 0 : i32
    %cond3A_331 = arith.cmpi ne, %convert_element_type3A_329, %cond3A_330 : i32
    scf.if %cond3A_331 {
      "tpu.region"() ({
        %run_scoped3A = tpu.sem_alloc : memref<!tpu.dma_semaphore, #tpu.memory_space<semaphore_mem>>
        %dma_start3A_350 = arith.constant 0 : i32
        %dma_start3A_351 = tpu.memref_slice %arg4[%arg0, %add3A_326, %dma_start3A_350] : memref<2x10000x128xf32, #tpu.memory_space<hbm>> -> memref<1x40x128xf32, #tpu.memory_space<hbm>>
        %dma_start3A_352 = tpu.memref_squeeze %dma_start3A_351 : memref<1x40x128xf32, #tpu.memory_space<hbm>> -> memref<40x128xf32, #tpu.memory_space<hbm>>
        %dma_start3A_353 = arith.constant 0 : i32
        %dma_start3A_354 = tpu.memref_slice %arg19[%add3A_326, %dma_start3A_353] : memref<10000x128xf32, #tpu.memory_space<vmem_shared>> -> memref<40x128xf32, #tpu.memory_space<vmem_shared>>
        tpu.enqueue_dma source(%dma_start3A_354 : memref<40x128xf32, #tpu.memory_space<vmem_shared>>) target(%dma_start3A_352 : memref<40x128xf32, #tpu.memory_space<hbm>>) target_semaphore(%run_scoped3A : memref<!tpu.dma_semaphore, #tpu.memory_space<semaphore_mem>>)
        %dma_wait3A_355 = arith.constant 0 : i32
        %dma_wait3A_356 = tpu.memref_slice %arg4[%arg0, %add3A_326, %dma_wait3A_355] : memref<2x10000x128xf32, #tpu.memory_space<hbm>> -> memref<1x40x128xf32, #tpu.memory_space<hbm>>
        %dma_wait3A_357 = tpu.memref_squeeze %dma_wait3A_356 : memref<1x40x128xf32, #tpu.memory_space<hbm>> -> memref<40x128xf32, #tpu.memory_space<hbm>>
        %dma_wait3A_358 = arith.constant 0 : i32
        %dma_wait3A_359 = tpu.memref_slice %arg19[%add3A_326, %dma_wait3A_358] : memref<10000x128xf32, #tpu.memory_space<vmem_shared>> -> memref<40x128xf32, #tpu.memory_space<vmem_shared>>
        tpu.wait_dma2 semaphore(%run_scoped3A : memref<!tpu.dma_semaphore, #tpu.memory_space<semaphore_mem>>) src(%dma_wait3A_359 : memref<40x128xf32, #tpu.memory_space<vmem_shared>>) dst(%dma_wait3A_357 : memref<40x128xf32, #tpu.memory_space<hbm>>)
        tpu.yield
      }) : () -> ()
    } else {
    }
    %mul3A_332 = arith.constant 640 : i32
    %mul3A_333 = arith.muli %arg1, %mul3A_332 : i32
    %add3A_334 = arith.constant 560 : i32
    %add3A_335 = arith.addi %mul3A_333, %add3A_334 : i32
    %lt3A_336 = arith.constant 10000 : i32
    %lt3A_337 = arith.cmpi slt, %add3A_335, %lt3A_336 : i32
    %convert_element_type3A_338 = arith.extui %lt3A_337 : i1 to i32
    %cond3A_339 = arith.constant 0 : i32
    %cond3A_340 = arith.cmpi ne, %convert_element_type3A_338, %cond3A_339 : i32
    scf.if %cond3A_340 {
      "tpu.region"() ({
        %run_scoped3A = tpu.sem_alloc : memref<!tpu.dma_semaphore, #tpu.memory_space<semaphore_mem>>
        %dma_start3A_350 = arith.constant 0 : i32
        %dma_start3A_351 = tpu.memref_slice %arg4[%arg0, %add3A_335, %dma_start3A_350] : memref<2x10000x128xf32, #tpu.memory_space<hbm>> -> memref<1x40x128xf32, #tpu.memory_space<hbm>>
        %dma_start3A_352 = tpu.memref_squeeze %dma_start3A_351 : memref<1x40x128xf32, #tpu.memory_space<hbm>> -> memref<40x128xf32, #tpu.memory_space<hbm>>
        %dma_start3A_353 = arith.constant 0 : i32
        %dma_start3A_354 = tpu.memref_slice %arg19[%add3A_335, %dma_start3A_353] : memref<10000x128xf32, #tpu.memory_space<vmem_shared>> -> memref<40x128xf32, #tpu.memory_space<vmem_shared>>
        tpu.enqueue_dma source(%dma_start3A_354 : memref<40x128xf32, #tpu.memory_space<vmem_shared>>) target(%dma_start3A_352 : memref<40x128xf32, #tpu.memory_space<hbm>>) target_semaphore(%run_scoped3A : memref<!tpu.dma_semaphore, #tpu.memory_space<semaphore_mem>>)
        %dma_wait3A_355 = arith.constant 0 : i32
        %dma_wait3A_356 = tpu.memref_slice %arg4[%arg0, %add3A_335, %dma_wait3A_355] : memref<2x10000x128xf32, #tpu.memory_space<hbm>> -> memref<1x40x128xf32, #tpu.memory_space<hbm>>
        %dma_wait3A_357 = tpu.memref_squeeze %dma_wait3A_356 : memref<1x40x128xf32, #tpu.memory_space<hbm>> -> memref<40x128xf32, #tpu.memory_space<hbm>>
        %dma_wait3A_358 = arith.constant 0 : i32
        %dma_wait3A_359 = tpu.memref_slice %arg19[%add3A_335, %dma_wait3A_358] : memref<10000x128xf32, #tpu.memory_space<vmem_shared>> -> memref<40x128xf32, #tpu.memory_space<vmem_shared>>
        tpu.wait_dma2 semaphore(%run_scoped3A : memref<!tpu.dma_semaphore, #tpu.memory_space<semaphore_mem>>) src(%dma_wait3A_359 : memref<40x128xf32, #tpu.memory_space<vmem_shared>>) dst(%dma_wait3A_357 : memref<40x128xf32, #tpu.memory_space<hbm>>)
        tpu.yield
      }) : () -> ()
    } else {
    }
    %mul3A_341 = arith.constant 640 : i32
    %mul3A_342 = arith.muli %arg1, %mul3A_341 : i32
    %add3A_343 = arith.constant 600 : i32
    %add3A_344 = arith.addi %mul3A_342, %add3A_343 : i32
    %lt3A_345 = arith.constant 10000 : i32
    %lt3A_346 = arith.cmpi slt, %add3A_344, %lt3A_345 : i32
    %convert_element_type3A_347 = arith.extui %lt3A_346 : i1 to i32
    %cond3A_348 = arith.constant 0 : i32
    %cond3A_349 = arith.cmpi ne, %convert_element_type3A_347, %cond3A_348 : i32
    scf.if %cond3A_349 {
      "tpu.region"() ({
        %run_scoped3A = tpu.sem_alloc : memref<!tpu.dma_semaphore, #tpu.memory_space<semaphore_mem>>
        %dma_start3A_350 = arith.constant 0 : i32
        %dma_start3A_351 = tpu.memref_slice %arg4[%arg0, %add3A_344, %dma_start3A_350] : memref<2x10000x128xf32, #tpu.memory_space<hbm>> -> memref<1x40x128xf32, #tpu.memory_space<hbm>>
        %dma_start3A_352 = tpu.memref_squeeze %dma_start3A_351 : memref<1x40x128xf32, #tpu.memory_space<hbm>> -> memref<40x128xf32, #tpu.memory_space<hbm>>
        %dma_start3A_353 = arith.constant 0 : i32
        %dma_start3A_354 = tpu.memref_slice %arg19[%add3A_344, %dma_start3A_353] : memref<10000x128xf32, #tpu.memory_space<vmem_shared>> -> memref<40x128xf32, #tpu.memory_space<vmem_shared>>
        tpu.enqueue_dma source(%dma_start3A_354 : memref<40x128xf32, #tpu.memory_space<vmem_shared>>) target(%dma_start3A_352 : memref<40x128xf32, #tpu.memory_space<hbm>>) target_semaphore(%run_scoped3A : memref<!tpu.dma_semaphore, #tpu.memory_space<semaphore_mem>>)
        %dma_wait3A_355 = arith.constant 0 : i32
        %dma_wait3A_356 = tpu.memref_slice %arg4[%arg0, %add3A_344, %dma_wait3A_355] : memref<2x10000x128xf32, #tpu.memory_space<hbm>> -> memref<1x40x128xf32, #tpu.memory_space<hbm>>
        %dma_wait3A_357 = tpu.memref_squeeze %dma_wait3A_356 : memref<1x40x128xf32, #tpu.memory_space<hbm>> -> memref<40x128xf32, #tpu.memory_space<hbm>>
        %dma_wait3A_358 = arith.constant 0 : i32
        %dma_wait3A_359 = tpu.memref_slice %arg19[%add3A_344, %dma_wait3A_358] : memref<10000x128xf32, #tpu.memory_space<vmem_shared>> -> memref<40x128xf32, #tpu.memory_space<vmem_shared>>
        tpu.wait_dma2 semaphore(%run_scoped3A : memref<!tpu.dma_semaphore, #tpu.memory_space<semaphore_mem>>) src(%dma_wait3A_359 : memref<40x128xf32, #tpu.memory_space<vmem_shared>>) dst(%dma_wait3A_357 : memref<40x128xf32, #tpu.memory_space<hbm>>)
        tpu.yield
      }) : () -> ()
    } else {
    }
    return
  }
}

#map = affine_map<(d0, d1) -> (0)>
module attributes {stable_mosaic.version = 14 : i64} {
  func.func @_deg_kernel(%arg0: i32, %arg1: i32, %arg2: memref<320000xi32, #tpu.memory_space<hbm>>, %arg3: memref<320000xi32, #tpu.memory_space<hbm>>, %arg4: memref<320000xf32, #tpu.memory_space<hbm>>, %arg5: memref<320000xf32, #tpu.memory_space<hbm>>, %arg6: memref<10000xi32, #tpu.memory_space<vmem>>, %arg7: memref<10000xi32, #tpu.memory_space<vmem>>, %arg8: memref<10000xf32, #tpu.memory_space<vmem>>, %arg9: memref<10000xf32, #tpu.memory_space<vmem>>) attributes {dimension_semantics = [#tpu.dimension_semantics<core_parallel>, #tpu.dimension_semantics<subcore_parallel>], iteration_bounds = array<i64: 2, 16>, scalar_prefetch = 0 : i64, scratch_operands = 4 : i64, tpu.core_type = #tpu.core_type<sc_vector_subcore>, window_params = [{transform_indices = #map}, {transform_indices = #map}, {transform_indices = #map}, {transform_indices = #map}]} {
    %mul3A = arith.constant 2 : i32
    %mul3A_0 = arith.muli %arg1, %mul3A : i32
    %add3A = arith.addi %mul3A_0, %arg0 : i32
    %mul3A_1 = arith.constant 10000 : i32
    %mul3A_2 = arith.muli %add3A, %mul3A_1 : i32
    "tpu.region"() ({
      %run_scoped3A = tpu.sem_alloc : memref<!tpu.dma_semaphore, #tpu.memory_space<semaphore_mem>>
      %dma_start3A = tpu.memref_slice %arg2[%mul3A_2] : memref<320000xi32, #tpu.memory_space<hbm>> -> memref<10000xi32, #tpu.memory_space<hbm>>
      %dma_start3A_19 = tpu.memref_slice %arg2[%mul3A_2] : memref<320000xi32, #tpu.memory_space<hbm>> -> memref<10000xi32, #tpu.memory_space<hbm>>
      tpu.enqueue_dma source(%dma_start3A_19 : memref<10000xi32, #tpu.memory_space<hbm>>) target(%arg6 : memref<10000xi32, #tpu.memory_space<vmem>>) target_semaphore(%run_scoped3A : memref<!tpu.dma_semaphore, #tpu.memory_space<semaphore_mem>>)
      %dma_wait3A = tpu.memref_slice %arg2[%mul3A_2] : memref<320000xi32, #tpu.memory_space<hbm>> -> memref<10000xi32, #tpu.memory_space<hbm>>
      %dma_wait3A_20 = tpu.memref_slice %arg2[%mul3A_2] : memref<320000xi32, #tpu.memory_space<hbm>> -> memref<10000xi32, #tpu.memory_space<hbm>>
      tpu.wait_dma2 semaphore(%run_scoped3A : memref<!tpu.dma_semaphore, #tpu.memory_space<semaphore_mem>>) src(%dma_wait3A_20 : memref<10000xi32, #tpu.memory_space<hbm>>) dst(%arg6 : memref<10000xi32, #tpu.memory_space<vmem>>)
      tpu.yield
    }) : () -> ()
    "tpu.region"() ({
      %run_scoped3A = tpu.sem_alloc : memref<!tpu.dma_semaphore, #tpu.memory_space<semaphore_mem>>
      %dma_start3A = tpu.memref_slice %arg3[%mul3A_2] : memref<320000xi32, #tpu.memory_space<hbm>> -> memref<10000xi32, #tpu.memory_space<hbm>>
      %dma_start3A_19 = tpu.memref_slice %arg3[%mul3A_2] : memref<320000xi32, #tpu.memory_space<hbm>> -> memref<10000xi32, #tpu.memory_space<hbm>>
      tpu.enqueue_dma source(%dma_start3A_19 : memref<10000xi32, #tpu.memory_space<hbm>>) target(%arg7 : memref<10000xi32, #tpu.memory_space<vmem>>) target_semaphore(%run_scoped3A : memref<!tpu.dma_semaphore, #tpu.memory_space<semaphore_mem>>)
      %dma_wait3A = tpu.memref_slice %arg3[%mul3A_2] : memref<320000xi32, #tpu.memory_space<hbm>> -> memref<10000xi32, #tpu.memory_space<hbm>>
      %dma_wait3A_20 = tpu.memref_slice %arg3[%mul3A_2] : memref<320000xi32, #tpu.memory_space<hbm>> -> memref<10000xi32, #tpu.memory_space<hbm>>
      tpu.wait_dma2 semaphore(%run_scoped3A : memref<!tpu.dma_semaphore, #tpu.memory_space<semaphore_mem>>) src(%dma_wait3A_20 : memref<10000xi32, #tpu.memory_space<hbm>>) dst(%arg7 : memref<10000xi32, #tpu.memory_space<vmem>>)
      tpu.yield
    }) : () -> ()
    %scan3A = arith.constant 0 : i32
    %scan3A_3 = arith.constant 0 : i32
    %scan3A_4 = arith.constant 625 : i32
    %scan3A_5 = arith.addi %scan3A_3, %scan3A_4 : i32
    %scan3A_6 = arith.constant 1 : i32
    scf.for %scan3A_19 = %scan3A_3 to %scan3A_5 step %scan3A_6  : i32 {
      %broadcast_in_dim3A_20 = arith.constant 0.000000e+00 : f32
      %broadcast_in_dim3A_21 = vector.broadcast %broadcast_in_dim3A_20 : f32 to vector<16xf32>
      %mul3A_22 = arith.constant 16 : i32
      %mul3A_23 = arith.muli %scan3A_19, %mul3A_22 : i32
      %swap3A = arith.index_cast %mul3A_23 : i32 to index
      %swap3A_24 = tpu.vector_load %arg8[%swap3A] {strides = array<i32>} : memref<10000xf32, #tpu.memory_space<vmem>>, vector<16xf32>,
      tpu.vector_store %arg8[%swap3A], %broadcast_in_dim3A_21 {strides = array<i32>} : memref<10000xf32, #tpu.memory_space<vmem>>, vector<16xf32>,
      %mul3A_25 = arith.constant 16 : i32
      %mul3A_26 = arith.muli %scan3A_19, %mul3A_25 : i32
      %swap3A_27 = arith.index_cast %mul3A_26 : i32 to index
      %swap3A_28 = tpu.vector_load %arg9[%swap3A_27] {strides = array<i32>} : memref<10000xf32, #tpu.memory_space<vmem>>, vector<16xf32>,
      tpu.vector_store %arg9[%swap3A_27], %broadcast_in_dim3A_21 {strides = array<i32>} : memref<10000xf32, #tpu.memory_space<vmem>>, vector<16xf32>,
    }
    %scan3A_7 = arith.constant 625 : i32
    %broadcast_in_dim3A = arith.constant 1.000000e+00 : f32
    %broadcast_in_dim3A_8 = vector.broadcast %broadcast_in_dim3A : f32 to vector<16xf32>
    %scan3A_9 = arith.constant 0 : i32
    %scan3A_10 = arith.constant 0 : i32
    %scan3A_11 = arith.constant 625 : i32
    %scan3A_12 = arith.addi %scan3A_10, %scan3A_11 : i32
    %scan3A_13 = arith.constant 1 : i32
    scf.for %scan3A_19 = %scan3A_10 to %scan3A_12 step %scan3A_13  : i32 {
      %mul3A_20 = arith.constant 16 : i32
      %mul3A_21 = arith.muli %scan3A_19, %mul3A_20 : i32
      %get3A = arith.index_cast %mul3A_21 : i32 to index
      %get3A_22 = tpu.vector_load %arg6[%get3A] {strides = array<i32>} : memref<10000xi32, #tpu.memory_space<vmem>>, vector<16xi32>,
      %mul3A_23 = arith.constant 16 : i32
      %mul3A_24 = arith.muli %scan3A_19, %mul3A_23 : i32
      %get3A_25 = arith.index_cast %mul3A_24 : i32 to index
      %get3A_26 = tpu.vector_load %arg7[%get3A_25] {strides = array<i32>} : memref<10000xi32, #tpu.memory_space<vmem>>, vector<16xi32>,
      tpu.vector_store_idx %arg8[%get3A_22], %broadcast_in_dim3A_8 {add = true} : memref<10000xf32, #tpu.memory_space<vmem>>[vector<16xi32>], vector<16xf32>,
      tpu.vector_store_idx %arg9[%get3A_26], %broadcast_in_dim3A_8 {add = true} : memref<10000xf32, #tpu.memory_space<vmem>>[vector<16xi32>], vector<16xf32>,
    }
    %scan3A_14 = arith.constant 625 : i32
    %mul3A_15 = arith.constant 10000 : i32
    %mul3A_16 = arith.muli %add3A, %mul3A_15 : i32
    "tpu.region"() ({
      %run_scoped3A = tpu.sem_alloc : memref<!tpu.dma_semaphore, #tpu.memory_space<semaphore_mem>>
      %dma_start3A = tpu.memref_slice %arg4[%mul3A_16] : memref<320000xf32, #tpu.memory_space<hbm>> -> memref<10000xf32, #tpu.memory_space<hbm>>
      %dma_start3A_19 = tpu.memref_slice %arg4[%mul3A_16] : memref<320000xf32, #tpu.memory_space<hbm>> -> memref<10000xf32, #tpu.memory_space<hbm>>
      tpu.enqueue_dma source(%arg8 : memref<10000xf32, #tpu.memory_space<vmem>>) target(%dma_start3A_19 : memref<10000xf32, #tpu.memory_space<hbm>>) target_semaphore(%run_scoped3A : memref<!tpu.dma_semaphore, #tpu.memory_space<semaphore_mem>>)
      %dma_wait3A = tpu.memref_slice %arg4[%mul3A_16] : memref<320000xf32, #tpu.memory_space<hbm>> -> memref<10000xf32, #tpu.memory_space<hbm>>
      %dma_wait3A_20 = tpu.memref_slice %arg4[%mul3A_16] : memref<320000xf32, #tpu.memory_space<hbm>> -> memref<10000xf32, #tpu.memory_space<hbm>>
      tpu.wait_dma2 semaphore(%run_scoped3A : memref<!tpu.dma_semaphore, #tpu.memory_space<semaphore_mem>>) src(%arg8 : memref<10000xf32, #tpu.memory_space<vmem>>) dst(%dma_wait3A_20 : memref<10000xf32, #tpu.memory_space<hbm>>)
      tpu.yield
    }) : () -> ()
    %mul3A_17 = arith.constant 10000 : i32
    %mul3A_18 = arith.muli %add3A, %mul3A_17 : i32
    "tpu.region"() ({
      %run_scoped3A = tpu.sem_alloc : memref<!tpu.dma_semaphore, #tpu.memory_space<semaphore_mem>>
      %dma_start3A = tpu.memref_slice %arg5[%mul3A_18] : memref<320000xf32, #tpu.memory_space<hbm>> -> memref<10000xf32, #tpu.memory_space<hbm>>
      %dma_start3A_19 = tpu.memref_slice %arg5[%mul3A_18] : memref<320000xf32, #tpu.memory_space<hbm>> -> memref<10000xf32, #tpu.memory_space<hbm>>
      tpu.enqueue_dma source(%arg9 : memref<10000xf32, #tpu.memory_space<vmem>>) target(%dma_start3A_19 : memref<10000xf32, #tpu.memory_space<hbm>>) target_semaphore(%run_scoped3A : memref<!tpu.dma_semaphore, #tpu.memory_space<semaphore_mem>>)
      %dma_wait3A = tpu.memref_slice %arg5[%mul3A_18] : memref<320000xf32, #tpu.memory_space<hbm>> -> memref<10000xf32, #tpu.memory_space<hbm>>
      %dma_wait3A_20 = tpu.memref_slice %arg5[%mul3A_18] : memref<320000xf32, #tpu.memory_space<hbm>> -> memref<10000xf32, #tpu.memory_space<hbm>>
      tpu.wait_dma2 semaphore(%run_scoped3A : memref<!tpu.dma_semaphore, #tpu.memory_space<semaphore_mem>>) src(%arg9 : memref<10000xf32, #tpu.memory_space<vmem>>) dst(%dma_wait3A_20 : memref<10000xf32, #tpu.memory_space<hbm>>)
      tpu.yield
    }) : () -> ()
    return
  }
}

module attributes {stable_mosaic.version = 14 : i64} {
  func.func @_scale_mm_body(%arg0: memref<10000x128xf32, #tpu.memory_space<vmem>>, %arg1: memref<128x128xf32, #tpu.memory_space<vmem>>, %arg2: memref<32x10000xf32, #tpu.memory_space<vmem>>, %arg3: memref<10000x128xf32, #tpu.memory_space<vmem>>) attributes {dimension_semantics = [], scalar_prefetch = 0 : i64, scratch_operands = 0 : i64, tpu.core_type = #tpu.core_type<tc>} {
    %get3A = arith.constant 0 : index
    %get3A_0 = arith.constant 0 : index
    %get3A_1 = vector.load %arg2[%get3A, %get3A_0] : memref<32x10000xf32, #tpu.memory_space<vmem>>, vector<32x10000xf32>
    %reduce_sum3A = arith.constant dense<0.000000e+00> : vector<10000xf32>
    %reduce_sum3A_2 = vector.multi_reduction <add>, %get3A_1, %reduce_sum3A [0] : vector<32x10000xf32> to vector<10000xf32>
    %max3A = arith.constant 1.000000e+00 : f32
    %max3A_3 = vector.broadcast %max3A : f32 to vector<10000xf32>
    %max3A_4 = arith.maximumf %reduce_sum3A_2, %max3A_3 : vector<10000xf32>
    %rsqrt3A = math.rsqrt %max3A_4 : vector<10000xf32>
    %get3A_5 = arith.constant 0 : index
    %get3A_6 = arith.constant 0 : index
    %get3A_7 = vector.load %arg0[%get3A_5, %get3A_6] : memref<10000x128xf32, #tpu.memory_space<vmem>>, vector<10000x128xf32>
    %broadcast_in_dim3A = vector.shape_cast %rsqrt3A : vector<10000xf32> to vector<10000x1xf32>
    %mul3A = vector.broadcast %broadcast_in_dim3A : vector<10000x1xf32> to vector<10000x128xf32>
    %mul3A_8 = arith.mulf %get3A_7, %mul3A : vector<10000x128xf32>
    %get3A_9 = arith.constant 0 : index
    %get3A_10 = arith.constant 0 : index
    %get3A_11 = vector.load %arg1[%get3A_9, %get3A_10] : memref<128x128xf32, #tpu.memory_space<vmem>>, vector<128x128xf32>
    %dot_general3A = arith.constant dense<0.000000e+00> : vector<10000x128xf32>
    %dot_general3A_12 = tpu.matmul %mul3A_8, %get3A_11, %dot_general3A {dimension_numbers = #tpu.dot_dimension_numbers<[1], [0], [0], [1], [0, 0, 1, 1], [], []>, precision = #tpu.contract_precision<fp32>, transpose_lhs_hint = false} : vector<10000x128xf32>, vector<128x128xf32>, vector<10000x128xf32> -> vector<10000x128xf32>
    %swap3A = arith.constant 0 : index
    %swap3A_13 = arith.constant 0 : index
    %swap3A_14 = vector.load %arg3[%swap3A, %swap3A_13] : memref<10000x128xf32, #tpu.memory_space<vmem>>, vector<10000x128xf32>
    tpu.vector_store %arg3[%swap3A, %swap3A_13], %dot_general3A_12 {strides = array<i32>} : memref<10000x128xf32, #tpu.memory_space<vmem>>, vector<10000x128xf32>,
    return
  }
}

module attributes {stable_mosaic.version = 14 : i64} {
  func.func @_mlp_body(%arg0: memref<2x10000x128xf32, #tpu.memory_space<vmem>>, %arg1: memref<32x10000xf32, #tpu.memory_space<vmem>>, %arg2: memref<1x128xf32, #tpu.memory_space<vmem>>, %arg3: memref<128x128xf32, #tpu.memory_space<vmem>>, %arg4: memref<1x128xf32, #tpu.memory_space<vmem>>, %arg5: memref<128x128xf32, #tpu.memory_space<vmem>>, %arg6: memref<1x128xf32, #tpu.memory_space<vmem>>, %arg7: memref<10000x128xf32, #tpu.memory_space<vmem>>) attributes {dimension_semantics = [], scalar_prefetch = 0 : i64, scratch_operands = 0 : i64, tpu.core_type = #tpu.core_type<tc>} {
    %get3A = arith.constant 0 : index
    %get3A_0 = arith.constant 0 : index
    %get3A_1 = arith.constant 0 : index
    %get3A_2 = vector.load %arg0[%get3A, %get3A_0, %get3A_1] : memref<2x10000x128xf32, #tpu.memory_space<vmem>>, vector<1x10000x128xf32>
    %get3A_3 = vector.shape_cast %get3A_2 : vector<1x10000x128xf32> to vector<10000x128xf32>
    %get3A_4 = arith.constant 1 : index
    %get3A_5 = arith.constant 0 : index
    %get3A_6 = arith.constant 0 : index
    %get3A_7 = vector.load %arg0[%get3A_4, %get3A_5, %get3A_6] : memref<2x10000x128xf32, #tpu.memory_space<vmem>>, vector<1x10000x128xf32>
    %get3A_8 = vector.shape_cast %get3A_7 : vector<1x10000x128xf32> to vector<10000x128xf32>
    %add3A = arith.addf %get3A_3, %get3A_8 : vector<10000x128xf32>
    %get3A_9 = arith.constant 0 : index
    %get3A_10 = arith.constant 0 : index
    %get3A_11 = vector.load %arg1[%get3A_9, %get3A_10] : memref<32x10000xf32, #tpu.memory_space<vmem>>, vector<32x10000xf32>
    %reduce_sum3A = arith.constant dense<0.000000e+00> : vector<10000xf32>
    %reduce_sum3A_12 = vector.multi_reduction <add>, %get3A_11, %reduce_sum3A [0] : vector<32x10000xf32> to vector<10000xf32>
    %max3A = arith.constant 1.000000e+00 : f32
    %max3A_13 = vector.broadcast %max3A : f32 to vector<10000xf32>
    %max3A_14 = arith.maximumf %reduce_sum3A_12, %max3A_13 : vector<10000xf32>
    %rsqrt3A = math.rsqrt %max3A_14 : vector<10000xf32>
    %broadcast_in_dim3A = vector.shape_cast %rsqrt3A : vector<10000xf32> to vector<10000x1xf32>
    %mul3A = vector.broadcast %broadcast_in_dim3A : vector<10000x1xf32> to vector<10000x128xf32>
    %mul3A_15 = arith.mulf %add3A, %mul3A : vector<10000x128xf32>
    %get3A_16 = arith.constant 0 : index
    %get3A_17 = arith.constant 0 : index
    %get3A_18 = vector.load %arg2[%get3A_16, %get3A_17] : memref<1x128xf32, #tpu.memory_space<vmem>>, vector<1x128xf32>
    %add3A_19 = vector.broadcast %get3A_18 : vector<1x128xf32> to vector<10000x128xf32>
    %add3A_20 = arith.addf %mul3A_15, %add3A_19 : vector<10000x128xf32>
    %max3A_21 = arith.constant 0.000000e+00 : f32
    %max3A_22 = vector.broadcast %max3A_21 : f32 to vector<10000x128xf32>
    %max3A_23 = arith.maximumf %add3A_20, %max3A_22 : vector<10000x128xf32>
    %get3A_24 = arith.constant 0 : index
    %get3A_25 = arith.constant 0 : index
    %get3A_26 = vector.load %arg3[%get3A_24, %get3A_25] : memref<128x128xf32, #tpu.memory_space<vmem>>, vector<128x128xf32>
    %dot_general3A = arith.constant dense<0.000000e+00> : vector<10000x128xf32>
    %dot_general3A_27 = tpu.matmul %max3A_23, %get3A_26, %dot_general3A {dimension_numbers = #tpu.dot_dimension_numbers<[1], [0], [0], [1], [0, 0, 1, 1], [], []>, precision = #tpu.contract_precision<fp32>, transpose_lhs_hint = false} : vector<10000x128xf32>, vector<128x128xf32>, vector<10000x128xf32> -> vector<10000x128xf32>
    %get3A_28 = arith.constant 0 : index
    %get3A_29 = arith.constant 0 : index
    %get3A_30 = vector.load %arg4[%get3A_28, %get3A_29] : memref<1x128xf32, #tpu.memory_space<vmem>>, vector<1x128xf32>
    %add3A_31 = vector.broadcast %get3A_30 : vector<1x128xf32> to vector<10000x128xf32>
    %add3A_32 = arith.addf %dot_general3A_27, %add3A_31 : vector<10000x128xf32>
    %max3A_33 = arith.constant 0.000000e+00 : f32
    %max3A_34 = vector.broadcast %max3A_33 : f32 to vector<10000x128xf32>
    %max3A_35 = arith.maximumf %add3A_32, %max3A_34 : vector<10000x128xf32>
    %get3A_36 = arith.constant 0 : index
    %get3A_37 = arith.constant 0 : index
    %get3A_38 = vector.load %arg5[%get3A_36, %get3A_37] : memref<128x128xf32, #tpu.memory_space<vmem>>, vector<128x128xf32>
    %dot_general3A_39 = arith.constant dense<0.000000e+00> : vector<10000x128xf32>
    %dot_general3A_40 = tpu.matmul %max3A_35, %get3A_38, %dot_general3A_39 {dimension_numbers = #tpu.dot_dimension_numbers<[1], [0], [0], [1], [0, 0, 1, 1], [], []>, precision = #tpu.contract_precision<fp32>, transpose_lhs_hint = false} : vector<10000x128xf32>, vector<128x128xf32>, vector<10000x128xf32> -> vector<10000x128xf32>
    %get3A_41 = arith.constant 0 : index
    %get3A_42 = arith.constant 0 : index
    %get3A_43 = vector.load %arg6[%get3A_41, %get3A_42] : memref<1x128xf32, #tpu.memory_space<vmem>>, vector<1x128xf32>
    %add3A_44 = vector.broadcast %get3A_43 : vector<1x128xf32> to vector<10000x128xf32>
    %add3A_45 = arith.addf %dot_general3A_40, %add3A_44 : vector<10000x128xf32>
    %swap3A = arith.constant 0 : index
    %swap3A_46 = arith.constant 0 : index
    %swap3A_47 = vector.load %arg7[%swap3A, %swap3A_46] : memref<10000x128xf32, #tpu.memory_space<vmem>>, vector<10000x128xf32>
    tpu.vector_store %arg7[%swap3A, %swap3A_46], %add3A_45 {strides = array<i32>} : memref<10000x128xf32, #tpu.memory_space<vmem>>, vector<10000x128xf32>,
    return
  }
}

</mosaic_0001>

<sc_bundles>
// kernel: kernel.6.cloned.1.call-start
scs
__scs_entry_jumppad:
0x0: {  	(pc) =	sbr.rel $0x88, $3  }
0x1: {  	(tag) =	ssettag $0x0;
	lr =	simm.s32 $0x1  }
0x2: {  	[smem:$0x3F99] =	sst lr;
	_ =	strace $0xD0000000  }
0x3: {  	_ = 	snop  }
0x4: {  	_ = 	snop  }
0x5: {  	_ = 	snop  }
0x6: {  	_ = 	snop  }
0x7: {  	_ = 	snop  }
__scs_overlays_trampoline_lowered:
0x8: {  	[smem:$0x3FA8] =	sst s0  }
0x9: {  	[smem:$0x3FA9] =	sst s1  }
0xa: {  	[smem:$0x3FAA] =	sst s2  }
0xb: {  	[smem:$0x3FAB] =	sst s3  }
0xc: {  	[smem:$0x3FAC] =	sst s4  }
0xd: {  	[smem:$0x3FAD] =	sst s5  }
0xe: {  	[smem:$0x3FAE] =	sst s6  }
0xf: {  	[smem:$0x3FAF] =	sst s7  }
0x10: {  	[smem:$0x3FB0] =	sst s8  }
0x11: {  	[smem:$0x3FB1] =	sst s9;
	s0 =	simm.s32 @!p0 $0x0  }
0x12: {  	s1 =	sld [smem:$0x3F97];
	s0 =	simm.s32 @p0 $0x1  }
0x13: {  	[smem:$0x3FB2] =	sst s0;
	s0 =	simm.s32 @!p1 $0x0  }
0x14: {  	s2 =	sld [smem:$0x3F96];
	s0 =	simm.s32 @p1 $0x1  }
0x15: {  	[smem:$0x3FB3] =	sst s0;
	s0 =	simm.s32 @!p2 $0x0  }
0x16: {  	s3 =	sld [smem:$0x3FDB];
	s0 =	simm.s32 @p2 $0x1  }
0x17: {  	s4 =	simm.s32 $0x1BF5;
	[smem:$0x3FB5] =	sst s0  }
0x18: {  	s0 =	sld [smem:$0x3F98];
	_ =	swait.ge [sflag:s4], $0x0  }
0x19: {  	s7 =	sld [smem:$0x3F99]  }
0x1a: {  	s8 =	sadd.s32 $0xFFFFE003, lr  }
0x1b: {  	s9 =	sadd.s32 $0xFFFFFEF7, lr;
	s5 =	simm.s32 $0xFFFFFFFF;
	p2 =	slt.u32 s8, $0xFFFFF086  }
0x1c: {  	p1 =	slt.u32 s9, $0xF7A;
	s5 =	simm.s32 @!p2 $0x0  }
0x1d: {  	s5 =	simm.s32 @p1 $0x1;
	p0 =	seq.s32 s7, s2  }
0x1e: {  	s7 =	smul.u32 @!p0 $0xF7A, s2;
	p2 =	seq.s32 @!p0 s5, $0x0  }
0x1f: {  	s9 =	smul.u32 $0xF7A, s1;
	s8 =	simm.s32 @!p0 $0x1BF5;
	p2 =	por !p2, p0  }
0x20: {  	[sflag:s8] =	ssyncset.s32 @!p0 $0xFFFFF086;
	s6 =	sadd.s32 @!p0 s3, s7;
	s7 =	simm.s32 @!p0 $0x108  }
0x21: {  	s3 =	sadd.s32 s3, s9;
	s6 =	sadd.s32 @!p0 $0x88, s6;
	s7 =	simm.s32 @p2 $0x1082  }
0x22: {  	[simem:s7], [sflag:s8] =	dma.local @!p0 [hbm:s6], $0xF7A  }
0x23: {  	s9 =	sor.u32 $0xD0000000, s2;
	s6 =	simm.s32 $0x108;
	_ =	swait.ge @!p0 [sflag:s8], $0x0  }
0x24: {  	s3 =	sadd.s32 $0x88, s3;
	s6 =	simm.s32 @!p1 $0x1082;
	[sflag:s4] =	ssyncset.s32 $0xFFFFF086  }
0x25: {  	[simem:s6], [sflag:s4] =	dma.local [hbm:s3], $0xF7A  }
0x26: {  	[smem:$0x3F99] =	sst s1;
	(tag) =	ssettag s2;
	_ =	strace s9  }
0x27: {  	s1 =	sld [smem:$0x3FA9]  }
0x28: {  	s2 =	sld [smem:$0x3FAA]  }
0x29: {  	s4 =	sld [smem:$0x3FAC]  }
0x2a: {  	p0 =	seq.s32 s5, $0x0;
	s5 =	sld [smem:$0x3FAD]  }
0x2b: {  	s6 =	sld [smem:$0x3FAE]  }
0x2c: {  	s7 =	sld [smem:$0x3FAF]  }
0x2d: {  	s3 =	simm.s32 $0x108;
	s8 =	sld [smem:$0x3FB0]  }
0x2e: {  	s3 =	simm.s32 @!p0 $0x1082;
	s9 =	sld [smem:$0x3FB1]  }
0x2f: {  	lr =	sadd.s32 s0, s3;
	s0 =	sld [smem:$0x3FA8]  }
0x30: {  	s3 =	sld [smem:$0x3FAB]  }
0x31: {  	[smem:$0x3FB4] =	sst s10  }
0x32: {  	s10 =	sld [smem:$0x3FB2];
	_ =	sdelay $0x3  }
0x33: {  	p0 =	seq.s32 s10, $0x1;
	s10 =	sld [smem:$0x3FB4];
	_ =	sdelay $0x3  }
0x34: {  	[smem:$0x3FB4] =	sst s10  }
0x35: {  	s10 =	sld [smem:$0x3FB3];
	_ =	sdelay $0x3  }
0x36: {  	p1 =	seq.s32 s10, $0x1;
	s10 =	sld [smem:$0x3FB4];
	_ =	sdelay $0x3  }
0x37: {  	[smem:$0x3FB4] =	sst s10  }
0x38: {  	s10 =	sld [smem:$0x3FB5]  }
0x39: {  	_ = 	snop;
	(pc) =	sbr.ind lr, $3  }
0x3a: {  	_ = 	snop  }
0x3b: {  	_ = 	snop  }
0x3c: {  	p2 =	seq.s32 s10, $0x1;
	s10 =	sld [smem:$0x3FB4]  }
0x3d: {  	_ =	shalt  }
0x3e: {  	_ =	shalt  }
0x3f: {  	_ =	shalt  }
0x40: {  	_ =	shalt  }
0x41: {  	_ =	shalt  }
0x42: {  	_ =	shalt  }
0x43: {  	_ =	shalt  }
0x44: {  	_ =	shalt  }
0x45: {  	_ =	shalt  }
0x46: {  	_ =	shalt  }
0x47: {  	_ =	shalt  }
0x48: {  	_ =	shalt  }
0x49: {  	_ =	shalt  }
0x4a: {  	_ =	shalt  }
0x4b: {  	_ =	shalt  }
0x4c: {  	_ =	shalt  }
0x4d: {  	_ =	shalt  }
0x4e: {  	_ =	shalt  }
0x4f: {  	_ =	shalt  }
0x50: {  	_ =	shalt  }
0x51: {  	_ =	shalt  }
0x52: {  	_ =	shalt  }
0x53: {  	_ =	shalt  }
0x54: {  	_ =	shalt  }
0x55: {  	_ =	shalt  }
0x56: {  	_ =	shalt  }
0x57: {  	_ =	shalt  }
0x58: {  	_ =	shalt  }
0x59: {  	_ =	shalt  }
0x5a: {  	_ =	shalt  }
0x5b: {  	_ =	shalt  }
0x5c: {  	_ =	shalt  }
0x5d: {  	_ =	shalt  }
0x5e: {  	_ =	shalt  }
0x5f: {  	_ =	shalt  }
0x60: {  	_ =	shalt  }
0x61: {  	_ =	shalt  }
0x62: {  	_ =	shalt  }
0x63: {  	_ =	shalt  }
0x64: {  	_ =	shalt  }
0x65: {  	_ =	shalt  }
0x66: {  	_ =	shalt  }
0x67: {  	_ =	shalt  }
0x68: {  	_ =	shalt  }
0x69: {  	_ =	shalt  }
0x6a: {  	_ =	shalt  }
0x6b: {  	_ =	shalt  }
0x6c: {  	_ =	shalt  }
0x6d: {  	_ =	shalt  }
0x6e: {  	_ =	shalt  }
0x6f: {  	_ =	shalt  }
0x70: {  	_ =	shalt  }
0x71: {  	_ =	shalt  }
0x72: {  	_ =	shalt  }
0x73: {  	_ =	shalt  }
0x74: {  	_ =	shalt  }
0x75: {  	_ =	shalt  }
0x76: {  	_ =	shalt  }
0x77: {  	_ =	shalt  }
0x78: {  	_ =	shalt  }
0x79: {  	_ =	shalt  }
0x7a: {  	_ =	shalt  }
0x7b: {  	_ =	shalt  }
0x7c: {  	_ =	shalt  }
0x7d: {  	_ =	shalt  }
0x7e: {  	_ =	shalt  }
0x7f: {  	_ =	shalt  }
0x80: {  	_ =	shalt  }
0x81: {  	_ =	shalt  }
0x82: {  	_ =	shalt  }
0x83: {  	_ =	shalt  }
0x84: {  	_ =	shalt  }
0x85: {  	_ =	shalt  }
0x86: {  	_ =	shalt  }
0x87: {  	_ =	shalt  }
.Lfunc_end0:
.L_simem_size_0:
called_computation_lowered:
.L_overlay_start_0:
0x88: {  	s2 =	sld [smem:$0x3FD9]  }
0x89: {  	s3 =	sld [smem:$0x3FFE];
	_ =	sdelay $0x1  }
0x8a: {  	s1 =	srdreg.scid  }
0x8b: {  	s0 =	sand.u32 $0x1, s1  }
0x8c: {  	s17 =	sshll.u32 s0, $0xA;
	s2 =	sadd.s32 s3, s2  }
0x8d: {  	s2 =	sadd.s32 s2, s17  }
0x8e: {  	[smem:$0x3FC0] =	sst s2  }
0x8f: {  	_ = 	snop  }
0x90: {  	s2 =	sld [smem:$0x3FD0];
	(tm) =	ssettm $0x1  }
0x91: {  	s18 =	sld [smem:$0x3FFB];
	_ =	sdelay $0x3  }
0x92: {  	_ =	strace s18  }
0x93: {  	s3 =	sld [smem:$0x3FFC];
	_ =	sdelay $0x3  }
0x94: {  	_ =	strace s3  }
0x95: {  	s3 =	sld [smem:$0x3FFD];
	_ =	sdelay $0x3  }
0x96: {  	_ =	strace s3  }
0x97: {  	_ =	strace $0x8FFFFFFF  }
0x98: {  	s19 =	sld [smem:$0x3FDB];
	_ =	sdelay $0x1  }
0x99: {  	s4 =	simm.s32 $_scs_section_size  }
0x9a: {  	s5 =	simm.s32 $_size__tile_overlayer_lowered;
	s6 =	simm.s32 $_tile_overlayer_lowered  }
0x9b: {  	s22 =	simm.s32 $0x1BFF;
	s21 =	sshll.u32 s6, $0x1;
	s3 =	sadd.s32 s4, s19  }
0x9c: {  	s7 =	simm.s32 $0x0;
	s20 =	sshll.u32 s5, $0x1;
	s5 =	sadd.s32 s21, s3  }
0x9d: {  	[timem:s7], [sflag:s22] =	dma.local [hbm:s5], s20  }
0x9e: {  	_ =	swait.ge [sflag:s22], s20  }
0x9f: {  	s4 =	ssub.s32 $0x0, s20;
	[sflag:s22] =	ssyncset.done $0x0  }
0xa0: {  	[sflag:s22] =	ssyncadd.s32 s4;
	_ =	sdelay $0x1  }
0xa1: {  	s23 =	simm.s32 $0x1B8B  }
0xa2: {  	_ =	swait.ge [sflag:s23], $0x1  }
0xa3: {  	[sflag:s23] =	ssyncset.done $0x0  }
0xa4: {  	s25 =	simm.s32 $0x1B8E;
	s24 =	sld [smem:$0x3FFE];
	[sflag:s23] =	ssyncadd.s32 $0xFFFFFFFF  }
0xa5: {  	s26 =	simm.s32 $execute0_lowered;
	[smem:$0x3FD2] =	sst s25  }
0xa6: {  	s5 =	sshll.u32 s26, $0x1;
	_ =	strace $0x80000046;
	[dreg:$0x1] =	wrdreg $0xFFFFFFFF  }
0xa7: {  	s28 =	simm.s32 $_size_execute0_lowered;
	s3 =	sadd.s32 s3, s5;
	[dreg:$0x0] =	wrdreg $0x0  }
0xa8: {  	s5 =	sshll.u32 s28, $0x1;
	[dreg:$0x2] =	wrdreg s3  }
0xa9: {  	[dreg:$0x3] =	wrdreg s5  }
0xaa: {  	[dreg:$0x4] =	wrdreg $0xC0  }
0xab: {  	_ =	task [dreg:s7], $0x5FFFF  }
0xac: {  	[dreg:$0x1] =	wrdreg $0xFFFFFFFF  }
0xad: {  	[dreg:$0x0] =	wrdreg $0x60  }
0xae: {  	[dreg:$0x2] =	wrdreg s24  }
0xaf: {  	[dreg:$0x3] =	wrdreg s2  }
0xb0: {  	[dreg:$0x4] =	wrdreg $0x9  }
0xb1: {  	_ =	task.clear_ibuf [dreg:s7], $0x5FFFF;
	_ =	strace $0x90000046  }
0xb2: {  	s29 =	simm.s32 $0x9;
	_ =	strace $0x80000048  }
0xb3: {  	_ =	swait.ge [sflag:s29], $0x1  }
0xb4: {  	[sflag:s29] =	ssyncadd.s32 $0xFFFFFFFF  }
0xb5: {  	_ =	strace $0x90000048  }
0xb6: {  	_ =	sfence  }
0xb7: {  	s30 =	sld [smem:$0x0];
	_ =	sdelay $0x2  }
0xb8: {  	s31 =	sshll.u32 s1, $0xD;
	s1 =	sshrl.u32 s1, $0x2  }
0xb9: {  	s3 =	sand.u32 $0x4000, s31;
	s1 =	sadd.s32 s1, s30  }
0xba: {  	s0 =	sor.u32 s3, s0;
	s1 =	sshll.u32 s1, $0x11  }
0xbb: {  	s0 =	sor.u32 s1, s0  }
0xbc: {  	s0 =	sadd.s32 $0x8F2B, s0  }
0xbd: {  	[sflag:s0] =	ssyncadd.remote.s32 $0x1  }
0xbe: {  	_ =	sfence.sel $0xFFFF  }
0xbf: {  	[dreg:$0x0] =	wrdreg $0xFFFFFFFF;
	(pc) =	sbr.abs _section_cstart, $3  }
0xc0: {  	[dreg:$0x1] =	wrdreg $0xFFFFFFFF  }
0xc1: {  	_ =	task.clear_ibuf [dreg:s7], $0x2FFFF;
	_ =	strace $0x9FFFFFFF  }
0xc2: {  	(tm) =	ssettm $0x7FFFFFFF  }
0xc3: {  	_ =	shalt  }
tec
execute0_lowered:
.L_overlay_start_1:
0x0: {  	(tag) =	ssettag $0x1  }
0x1: {  	s1 =	srdreg.scid;
	s4 =	rddreg [dreg:$0x0]  }
0x2: {  	s0 =	stileid.u32;
	s5 =	rddreg [dreg:$0x1];
	s2 =	simm.s32 $0x0  }
0x3: {  	s9 =	simm.s32 $0x2780;
	s3 =	sand.u32 $0x1, s1;
	s30 =	sshll.u32 s0, $0x1  }
0x4: {  	s10 =	simm.s32 $0x4F00;
	s11 =	simm.s32 $0x7680;
	s1 =	sor.u32 s3, s30  }
0x5: {  	[smem:$0x7FF] =	sst s2;
	s3 =	ssub.s32 $0x2, s3;
	s6 =	smul.u32 $0x4E2, s1  }
0x6: {  	s12 =	simm.s32 $0x0;
	s1 =	rddreg [dreg:$0x2];
	s31 =	sshrl.u32 s3, $0x1  }
0x7: {  	_ =	strace $0x80000047;
	s8 =	ssub.s32 s3, s31;
	s7 =	sadd.s32 s6, s4  }
0x8: {  	s4 =	sadd.s32 s5, s6;
	s3 =	sadd.s32 $0x2200, s7;
	s5 =	sadd.s32 $0xC000, s7  }
0x9: {  	v0 =	vimm.f32 $0.0e+00;
	v1 =	vimm.f32 $1.000000000e+00;
	s6 =	sadd.s32 $0x15E00, s7;
	s7 =	smax.u32 s8, $0x1;
	s8 =	simm.s32 $0x1  }
.LBB2_1:
0xa: {  	[tilespmem:s2], [sflag:$0x1] =	stream.linear.gather [hbm4b:s3+s2], $0x2710, $0x38;
	[tilespmem:$0x9E00] =	vst v63  }
0xb: {  	_ =	swait.ge [sflag:s8], $0x2710  }
0xc: {  	[sflag:s8] =	ssyncset.done $0x0  }
0xd: {  	[sflag:s8] =	ssyncadd.s32 $0xFFFFD8F0  }
0xe: {  	[tilespmem:s9], [sflag:$0x1] =	stream.linear.gather [hbm4b:s4+s2], $0x2710, $0x38;
	[tilespmem:$0x9E00] =	vst v63  }
0xf: {  	_ =	swait.ge [sflag:s8], $0x2710  }
0x10: {  	[sflag:s8] =	ssyncset.done $0x0  }
0x11: {  	s13 =	simm.s32 $0x0;
	[sflag:s8] =	ssyncadd.s32 $0xFFFFD8F0  }
.LBB2_2:
0x12: {  	p0 =	sne.s32 s13, $0x9C00  }
.Ltmp0:
0x13: {  	_ = 	snop;
	(pc) =	sbr.rel @p0 .LBB2_2-.Ltmp0, $4  }
0x14: {  	_ = 	snop  }
0x15: {  	s14 =	sshra.s32 s13, $0x2  }
0x16: {  	[tilespmem:s14+$0x4F00] =	vst v0  }
0x17: {  	s13 =	sadd.s32 $0x40, s13;
	[tilespmem:s14+$0x7680] =	vst v0  }
0x18: {  	s14 =	simm.s32 $0x0  }
0x19: {  	s13 =	simm.s32 $0x40;
	v2 =	vld [tilespmem:s14+$0x0]  }
.LBB2_4:
0x1a: {  	p0 =	sne.s32 s13, $0x9C00;
	v3 =	vld [tilespmem:s14+$0x2780];
	_ =	sdelay $0x4  }
.Ltmp1:
0x1b: {  	(pc) =	sbr.rel @p0 .LBB2_4-.Ltmp1, $4  }
0x1c: {  	_ = 	snop  }
0x1d: {  	[tilespmem:v2+s10+$0x0] =	vst.idx.add.f32.msk $0xffff, v1  }
0x1e: {  	s14 =	sshra.s32 s13, $0x2;
	[tilespmem:v3+s11+$0x0] =	vst.idx.add.f32.msk $0xffff, v1  }
0x1f: {  	s13 =	sadd.s32 $0x40, s13;
	v2 =	vld [tilespmem:s14+$0x0]  }
0x20: {  	_ = 	snop  }
0x21: {  	v3 =	vld [tilespmem:s14+$0x2780];
	_ =	sdelay $0x6  }
0x22: {  	[tilespmem:v2+s10+$0x0] =	vst.idx.add.f32.msk $0xffff, v1  }
0x23: {  	[tilespmem:v3+s11+$0x0] =	vst.idx.add.f32.msk $0xffff, v1  }
0x24: {  	[hbm4b:s5+s2] =	stream.linear.scatter [tilespmem:s10], [sflag:$0x1], $0x2710, $0x38;
	[tilespmem:$0x9E00] =	vst v63  }
0x25: {  	s12 =	sadd.s32 $0x1, s12;
	_ =	swait.ge [sflag:s8], $0x2710  }
0x26: {  	p0 =	sne.s32 s12, s7;
	[sflag:s8] =	ssyncset.done $0x0  }
.Ltmp2:
0x27: {  	[sflag:s8] =	ssyncadd.s32 $0xFFFFD8F0;
	(pc) =	sbr.rel @p0 .LBB2_1-.Ltmp2, $4  }
0x28: {  	[hbm4b:s6+s2] =	stream.linear.scatter [tilespmem:s11], [sflag:$0x1], $0x2710, $0x38;
	[tilespmem:$0x9E00] =	vst v63  }
0x29: {  	_ =	swait.ge [sflag:s8], $0x2710  }
0x2a: {  	[sflag:s8] =	ssyncset.done $0x0  }
0x2b: {  	[sflag:s8] =	ssyncadd.s32 $0xFFFFD8F0  }
0x2c: {  	_ =	sfence.sel $0x180000  }
0x2d: {  	[bflag:$0x0] =	sbarrier.arrive $0xFFFF  }
0x2e: {  	p0 =	sne.s32 s0, $0x0;
	_ =	strace $0x90000047  }
0x2f: {  	s0 =	sadd.s32 @!p0 $0x100000, s1;
	[bflag:$0x2] =	sbarrier.arrive $0xFFFF  }
0x30: {  	[sflag:s0] =	ssyncadd.tile.s32 @!p0 $0x1;
	_ =	shalt  }
.Lfunc_end2:
_tile_overlayer_lowered:
.L_overlay_start_2:
0x31: {  	(tag) =	ssettag $0x2  }
0x32: {  	s0 =	rddreg [dreg:$0x0];
	s2 =	stileid.u32  }
0x33: {  	s1 =	rddreg [dreg:$0x1];
	p0 =	sne.s32 s2, $0x0  }
0x34: {  	s3 =	rddreg [dreg:$0x2];
	[bflag:$0x3] =	sbarrier.arrive $0xFFFF;
	s2 =	simm.s32 @!p0 $0x1C01  }
0x35: {  	[timem:s3], [sflag:s2] =	dma.local @!p0 [hbm:s0], s1  }
0x36: {  	s0 =	simm.s32 @!p0 $0x1  }
0x37: {  	_ =	swait.ge @!p0 [sflag:s0], s1  }
0x38: {  	s1 =	ssub.s32 @!p0 $0x0, s1;
	[sflag:s0] =	ssyncset.done @!p0 $0x0  }
0x39: {  	[sflag:s0] =	ssyncadd.s32 @!p0 s1  }
0x3a: {  	[bflag:$0x3] =	sbarrier.arrive $0xFFFF  }
0x3b: {  	_ =	shalt  }

// kernel: kernel.9.cloned.1.call-start
scs
__scs_entry_jumppad:
0x0: {  	(pc) =	sbr.rel $0x88, $3  }
0x1: {  	(tag) =	ssettag $0x0;
	lr =	simm.s32 $0x1  }
0x2: {  	[smem:$0x3F99] =	sst lr;
	_ =	strace $0xD0000000  }
0x3: {  	_ = 	snop  }
0x4: {  	_ = 	snop  }
0x5: {  	_ = 	snop  }
0x6: {  	_ = 	snop  }
0x7: {  	_ = 	snop  }
__scs_overlays_trampoline_lowered:
0x8: {  	[smem:$0x3FA8] =	sst s0  }
0x9: {  	[smem:$0x3FA9] =	sst s1  }
0xa: {  	[smem:$0x3FAA] =	sst s2  }
0xb: {  	[smem:$0x3FAB] =	sst s3  }
0xc: {  	[smem:$0x3FAC] =	sst s4  }
0xd: {  	[smem:$0x3FAD] =	sst s5  }
0xe: {  	[smem:$0x3FAE] =	sst s6  }
0xf: {  	[smem:$0x3FAF] =	sst s7  }
0x10: {  	[smem:$0x3FB0] =	sst s8  }
0x11: {  	[smem:$0x3FB1] =	sst s9;
	s0 =	simm.s32 @!p0 $0x0  }
0x12: {  	s1 =	sld [smem:$0x3F97];
	s0 =	simm.s32 @p0 $0x1  }
0x13: {  	[smem:$0x3FB2] =	sst s0;
	s0 =	simm.s32 @!p1 $0x0  }
0x14: {  	s2 =	sld [smem:$0x3F96];
	s0 =	simm.s32 @p1 $0x1  }
0x15: {  	[smem:$0x3FB3] =	sst s0;
	s0 =	simm.s32 @!p2 $0x0  }
0x16: {  	s3 =	sld [smem:$0x3FDB];
	s0 =	simm.s32 @p2 $0x1  }
0x17: {  	s4 =	simm.s32 $0x1BF5;
	[smem:$0x3FB5] =	sst s0  }
0x18: {  	s0 =	sld [smem:$0x3F98];
	_ =	swait.ge [sflag:s4], $0x0  }
0x19: {  	s7 =	sld [smem:$0x3F99]  }
0x1a: {  	s8 =	sadd.s32 $0xFFFFE003, lr  }
0x1b: {  	s9 =	sadd.s32 $0xFFFFFEF7, lr;
	s5 =	simm.s32 $0xFFFFFFFF;
	p2 =	slt.u32 s8, $0xFFFFF086  }
0x1c: {  	p1 =	slt.u32 s9, $0xF7A;
	s5 =	simm.s32 @!p2 $0x0  }
0x1d: {  	s5 =	simm.s32 @p1 $0x1;
	p0 =	seq.s32 s7, s2  }
0x1e: {  	s7 =	smul.u32 @!p0 $0xF7A, s2;
	p2 =	seq.s32 @!p0 s5, $0x0  }
0x1f: {  	s9 =	smul.u32 $0xF7A, s1;
	s8 =	simm.s32 @!p0 $0x1BF5;
	p2 =	por !p2, p0  }
0x20: {  	[sflag:s8] =	ssyncset.s32 @!p0 $0xFFFFF086;
	s6 =	sadd.s32 @!p0 s3, s7;
	s7 =	simm.s32 @!p0 $0x108  }
0x21: {  	s3 =	sadd.s32 s3, s9;
	s6 =	sadd.s32 @!p0 $0x88, s6;
	s7 =	simm.s32 @p2 $0x1082  }
0x22: {  	[simem:s7], [sflag:s8] =	dma.local @!p0 [hbm:s6], $0xF7A  }
0x23: {  	s9 =	sor.u32 $0xD0000000, s2;
	s6 =	simm.s32 $0x108;
	_ =	swait.ge @!p0 [sflag:s8], $0x0  }
0x24: {  	s3 =	sadd.s32 $0x88, s3;
	s6 =	simm.s32 @!p1 $0x1082;
	[sflag:s4] =	ssyncset.s32 $0xFFFFF086  }
0x25: {  	[simem:s6], [sflag:s4] =	dma.local [hbm:s3], $0xF7A  }
0x26: {  	[smem:$0x3F99] =	sst s1;
	(tag) =	ssettag s2;
	_ =	strace s9  }
0x27: {  	s1 =	sld [smem:$0x3FA9]  }
0x28: {  	s2 =	sld [smem:$0x3FAA]  }
0x29: {  	s4 =	sld [smem:$0x3FAC]  }
0x2a: {  	p0 =	seq.s32 s5, $0x0;
	s5 =	sld [smem:$0x3FAD]  }
0x2b: {  	s6 =	sld [smem:$0x3FAE]  }
0x2c: {  	s7 =	sld [smem:$0x3FAF]  }
0x2d: {  	s3 =	simm.s32 $0x108;
	s8 =	sld [smem:$0x3FB0]  }
0x2e: {  	s3 =	simm.s32 @!p0 $0x1082;
	s9 =	sld [smem:$0x3FB1]  }
0x2f: {  	lr =	sadd.s32 s0, s3;
	s0 =	sld [smem:$0x3FA8]  }
0x30: {  	s3 =	sld [smem:$0x3FAB]  }
0x31: {  	[smem:$0x3FB4] =	sst s10  }
0x32: {  	s10 =	sld [smem:$0x3FB2];
	_ =	sdelay $0x3  }
0x33: {  	p0 =	seq.s32 s10, $0x1;
	s10 =	sld [smem:$0x3FB4];
	_ =	sdelay $0x3  }
0x34: {  	[smem:$0x3FB4] =	sst s10  }
0x35: {  	s10 =	sld [smem:$0x3FB3];
	_ =	sdelay $0x3  }
0x36: {  	p1 =	seq.s32 s10, $0x1;
	s10 =	sld [smem:$0x3FB4];
	_ =	sdelay $0x3  }
0x37: {  	[smem:$0x3FB4] =	sst s10  }
0x38: {  	s10 =	sld [smem:$0x3FB5]  }
0x39: {  	_ = 	snop;
	(pc) =	sbr.ind lr, $3  }
0x3a: {  	_ = 	snop  }
0x3b: {  	_ = 	snop  }
0x3c: {  	p2 =	seq.s32 s10, $0x1;
	s10 =	sld [smem:$0x3FB4]  }
0x3d: {  	_ =	shalt  }
0x3e: {  	_ =	shalt  }
0x3f: {  	_ =	shalt  }
0x40: {  	_ =	shalt  }
0x41: {  	_ =	shalt  }
0x42: {  	_ =	shalt  }
0x43: {  	_ =	shalt  }
0x44: {  	_ =	shalt  }
0x45: {  	_ =	shalt  }
0x46: {  	_ =	shalt  }
0x47: {  	_ =	shalt  }
0x48: {  	_ =	shalt  }
0x49: {  	_ =	shalt  }
0x4a: {  	_ =	shalt  }
0x4b: {  	_ =	shalt  }
0x4c: {  	_ =	shalt  }
0x4d: {  	_ =	shalt  }
0x4e: {  	_ =	shalt  }
0x4f: {  	_ =	shalt  }
0x50: {  	_ =	shalt  }
0x51: {  	_ =	shalt  }
0x52: {  	_ =	shalt  }
0x53: {  	_ =	shalt  }
0x54: {  	_ =	shalt  }
0x55: {  	_ =	shalt  }
0x56: {  	_ =	shalt  }
0x57: {  	_ =	shalt  }
0x58: {  	_ =	shalt  }
0x59: {  	_ =	shalt  }
0x5a: {  	_ =	shalt  }
0x5b: {  	_ =	shalt  }
0x5c: {  	_ =	shalt  }
0x5d: {  	_ =	shalt  }
0x5e: {  	_ =	shalt  }
0x5f: {  	_ =	shalt  }
0x60: {  	_ =	shalt  }
0x61: {  	_ =	shalt  }
0x62: {  	_ =	shalt  }
0x63: {  	_ =	shalt  }
0x64: {  	_ =	shalt  }
0x65: {  	_ =	shalt  }
0x66: {  	_ =	shalt  }
0x67: {  	_ =	shalt  }
0x68: {  	_ =	shalt  }
0x69: {  	_ =	shalt  }
0x6a: {  	_ =	shalt  }
0x6b: {  	_ =	shalt  }
0x6c: {  	_ =	shalt  }
0x6d: {  	_ =	shalt  }
0x6e: {  	_ =	shalt  }
0x6f: {  	_ =	shalt  }
0x70: {  	_ =	shalt  }
0x71: {  	_ =	shalt  }
0x72: {  	_ =	shalt  }
0x73: {  	_ =	shalt  }
0x74: {  	_ =	shalt  }
0x75: {  	_ =	shalt  }
0x76: {  	_ =	shalt  }
0x77: {  	_ =	shalt  }
0x78: {  	_ =	shalt  }
0x79: {  	_ =	shalt  }
0x7a: {  	_ =	shalt  }
0x7b: {  	_ =	shalt  }
0x7c: {  	_ =	shalt  }
0x7d: {  	_ =	shalt  }
0x7e: {  	_ =	shalt  }
0x7f: {  	_ =	shalt  }
0x80: {  	_ =	shalt  }
0x81: {  	_ =	shalt  }
0x82: {  	_ =	shalt  }
0x83: {  	_ =	shalt  }
0x84: {  	_ =	shalt  }
0x85: {  	_ =	shalt  }
0x86: {  	_ =	shalt  }
0x87: {  	_ =	shalt  }
.Lfunc_end0:
.L_simem_size_0:
called_computation.1_lowered:
.L_overlay_start_0:
0x88: {  	s2 =	sld [smem:$0x3FD9]  }
0x89: {  	s3 =	sld [smem:$0x3FFE];
	_ =	sdelay $0x1  }
0x8a: {  	s1 =	srdreg.scid  }
0x8b: {  	s0 =	sand.u32 $0x1, s1  }
0x8c: {  	s17 =	sshll.u32 s0, $0xA;
	s2 =	sadd.s32 s3, s2  }
0x8d: {  	s2 =	sadd.s32 s2, s17  }
0x8e: {  	[smem:$0x3FC0] =	sst s2  }
0x8f: {  	_ = 	snop  }
0x90: {  	s2 =	sld [smem:$0x3FD0];
	(tm) =	ssettm $0x1  }
0x91: {  	s18 =	sld [smem:$0x3FFB];
	_ =	sdelay $0x3  }
0x92: {  	_ =	strace s18  }
0x93: {  	s3 =	sld [smem:$0x3FFC];
	_ =	sdelay $0x3  }
0x94: {  	_ =	strace s3  }
0x95: {  	s3 =	sld [smem:$0x3FFD];
	_ =	sdelay $0x3  }
0x96: {  	_ =	strace s3  }
0x97: {  	_ =	strace $0x8FFFFFFF  }
0x98: {  	s19 =	sld [smem:$0x3FDB];
	_ =	sdelay $0x1  }
0x99: {  	s4 =	simm.s32 $_scs_section_size  }
0x9a: {  	s5 =	simm.s32 $_size__tile_overlayer_lowered;
	s6 =	simm.s32 $_tile_overlayer_lowered  }
0x9b: {  	s22 =	simm.s32 $0x1BFF;
	s21 =	sshll.u32 s6, $0x1;
	s3 =	sadd.s32 s4, s19  }
0x9c: {  	s7 =	simm.s32 $0x0;
	s20 =	sshll.u32 s5, $0x1;
	s5 =	sadd.s32 s21, s3  }
0x9d: {  	[timem:s7], [sflag:s22] =	dma.local [hbm:s5], s20  }
0x9e: {  	_ =	swait.ge [sflag:s22], s20  }
0x9f: {  	s4 =	ssub.s32 $0x0, s20;
	[sflag:s22] =	ssyncset.done $0x0  }
0xa0: {  	[sflag:s22] =	ssyncadd.s32 s4;
	_ =	sdelay $0x1  }
0xa1: {  	s23 =	simm.s32 $0x1B8B  }
0xa2: {  	_ =	swait.ge [sflag:s23], $0x1  }
0xa3: {  	[sflag:s23] =	ssyncset.done $0x0  }
0xa4: {  	s25 =	simm.s32 $0x1B8E;
	s24 =	sld [smem:$0x3FFE];
	[sflag:s23] =	ssyncadd.s32 $0xFFFFFFFF  }
0xa5: {  	s26 =	simm.s32 $execute0_lowered;
	[smem:$0x3FD2] =	sst s25  }
0xa6: {  	s5 =	sshll.u32 s26, $0x1;
	_ =	strace $0x80000049;
	[dreg:$0x1] =	wrdreg $0xFFFFFFFF  }
0xa7: {  	s28 =	simm.s32 $_size_execute0_lowered;
	s3 =	sadd.s32 s3, s5;
	[dreg:$0x0] =	wrdreg $0x0  }
0xa8: {  	s5 =	sshll.u32 s28, $0x1;
	[dreg:$0x2] =	wrdreg s3  }
0xa9: {  	[dreg:$0x3] =	wrdreg s5  }
0xaa: {  	[dreg:$0x4] =	wrdreg $0xC0  }
0xab: {  	_ =	task [dreg:s7], $0x5FFFF  }
0xac: {  	[dreg:$0x1] =	wrdreg $0xFFFFFFFF  }
0xad: {  	[dreg:$0x0] =	wrdreg $0x60  }
0xae: {  	[dreg:$0x2] =	wrdreg s2  }
0xaf: {  	[dreg:$0x3] =	wrdreg s24  }
0xb0: {  	[dreg:$0x4] =	wrdreg $0x84000  }
0xb1: {  	[dreg:$0x5] =	wrdreg $0x9  }
0xb2: {  	_ =	task.clear_ibuf [dreg:s7], $0x6FFFF;
	_ =	strace $0x90000049  }
0xb3: {  	s29 =	simm.s32 $0x9;
	_ =	strace $0x8000004B  }
0xb4: {  	_ =	swait.ge [sflag:s29], $0x1  }
0xb5: {  	[sflag:s29] =	ssyncadd.s32 $0xFFFFFFFF  }
0xb6: {  	_ =	strace $0x9000004B  }
0xb7: {  	_ =	sfence  }
0xb8: {  	s30 =	sld [smem:$0x0];
	_ =	sdelay $0x2  }
0xb9: {  	s31 =	sshll.u32 s1, $0xD;
	s1 =	sshrl.u32 s1, $0x2  }
0xba: {  	s3 =	sand.u32 $0x4000, s31;
	s1 =	sadd.s32 s1, s30  }
0xbb: {  	s0 =	sor.u32 s3, s0;
	s1 =	sshll.u32 s1, $0x11  }
0xbc: {  	s0 =	sor.u32 s1, s0  }
0xbd: {  	s0 =	sadd.s32 $0x8F2B, s0  }
0xbe: {  	[sflag:s0] =	ssyncadd.remote.s32 $0x1  }
0xbf: {  	_ =	sfence.sel $0xFFFF  }
0xc0: {  	[dreg:$0x0] =	wrdreg $0xFFFFFFFF;
	(pc) =	sbr.abs _section_cstart, $3  }
0xc1: {  	[dreg:$0x1] =	wrdreg $0xFFFFFFFF  }
0xc2: {  	_ =	task.clear_ibuf [dreg:s7], $0x2FFFF;
	_ =	strace $0x9FFFFFFF  }
0xc3: {  	(tm) =	ssettm $0x7FFFFFFF  }
tec
execute0_lowered:
.L_overlay_start_1:
0x0: {  	(tag) =	ssettag $0x1  }
0x1: {  	s1 =	rddreg [dreg:$0x0]  }
0x2: {  	s0 =	rddreg [dreg:$0x1]  }
0x3: {  	s2 =	rddreg [dreg:$0x2];
	s26 =	stileid.u32  }
0x4: {  	s3 =	simm.s32 $0x0;
	s4 =	srdreg.scid;
	s6 =	smul.u32 $0x50000, s26  }
0x5: {  	s31 =	simm.s32 $0x400;
	[smem:$0x7FF] =	sst s3;
	s15 =	smul.u32 $0x280, s26  }
0x6: {  	s10 =	sadd.s32 $0x1FC00, s0;
	s5 =	sadd.s32 $0x33C00, s0;
	s21 =	smul.u32 $0x1400, s26  }
0x7: {  	s11 =	sand.u32 $0x1, s4;
	s20 =	sshll.u32 s26, $0x1;
	s8 =	smul.u32 $0xA0, s26  }
0x8: {  	p0 =	seq.s32 s26, $0xF;
	_ =	strace $0x8000004A;
	s12 =	smul.u32 $0x50, s11  }
0x9: {  	s19 =	ssub.s32 $0x2, s11;
	s4 =	sor.u32 s11, s20;
	s18 =	smul.u32 $0xA00, s11  }
0xa: {  	s11 =	smul.u32 $0x138800, s11;
	s7 =	sshrl.u32 s19, $0x1;
	s6 =	sshrl.u32 s6, $0x2  }
0xb: {  	s13 =	sshll.u32 s15, $0x7;
	s0 =	ssub.s32 s19, s7;
	s19 =	smul.u32 $0x50, s4  }
0xc: {  	s30 =	sadd.s32 s6, s2;
	s22 =	sor.u32 $0x1400, s13;
	s23 =	sor.u32 $0x2800, s13  }
0xd: {  	s17 =	sor.u32 $0x3C00, s13;
	s16 =	sadd.s32 $0x5000, s13;
	s14 =	sadd.s32 $0x6400, s13  }
0xe: {  	s9 =	sadd.s32 $0x7800, s13;
	s6 =	sadd.s32 $0x8C00, s13;
	s7 =	sadd.s32 s21, s10  }
0xf: {  	s12 =	sadd.s32 s12, s8;
	s21 =	smul.u32 $0xA00, s4;
	s18 =	sadd.s32 s18, s7  }
0x10: {  	s7 =	sor.u32 $0x6, s12;
	s0 =	smax.u32 s0, $0x1;
	[dreg:$0xc] =	wrdreg s30  }
0x11: {  	s12 =	sshll.u32 s12, $0x5;
	s18 =	sadd.s32 $0x60, s18;
	[smem:$0x7F6] =	sst s0  }
0x12: {  	s20 =	sshll.u32 s7, $0x5;
	s28 =	sadd.s32 s10, s21;
	[dreg:$0x4] =	wrdreg s18  }
0x13: {  	s25 =	sadd.s32 s12, s10;
	s24 =	sadd.s32 s20, s10;
	[dreg:$0xd] =	wrdreg s28  }
0x14: {  	s8 =	sadd.s32 $0xA000, s13;
	s29 =	sadd.s32 $0xA0, s25;
	[dreg:$0x5] =	wrdreg s24  }
0x15: {  	s4 =	sadd.s32 $0x1B8, s15;
	s20 =	sadd.s32 $0x80, s25;
	[dreg:$0x6] =	wrdreg s29  }
0x16: {  	s21 =	sshll.u32 s4, $0x7;
	s25 =	simm.s32 $0x180;
	[dreg:$0x7] =	wrdreg s20  }
0x17: {  	s4 =	simm.s32 @p0 $0x2738;
	s18 =	sadd.s32 s21, s2;
	[dreg:$0x9] =	wrdreg s25  }
0x18: {  	s12 =	sadd.s32 $0xB400, s13;
	s0 =	sshll.u32 @!p0 s4, $0x7;
	[dreg:$0xe] =	wrdreg s18  }
0x19: {  	s13 =	sadd.s32 $0xC800, s13;
	s24 =	simm.s32 $0x80;
	[smem:$0x7F7] =	sst s0  }
0x1a: {  	s10 =	sadd.s32 $0x1E0, s15;
	s29 =	simm.s32 $0x280;
	[dreg:$0x8] =	wrdreg s24  }
0x1b: {  	s21 =	sadd.s32 $0x230, s15;
	s20 =	simm.s32 $0x380;
	[dreg:$0xa] =	wrdreg s29  }
0x1c: {  	s4 =	simm.s32 $0x100;
	s18 =	sadd.s32 $0x258, s15;
	[dreg:$0xb] =	wrdreg s20  }
0x1d: {  	s24 =	sshll.u32 s10, $0x7;
	s20 =	sadd.s32 $0x208, s15;
	s10 =	simm.s32 @p0 $0x2760  }
0x1e: {  	s25 =	sadd.s32 s24, s2;
	s29 =	sshll.u32 s20, $0x7;
	s24 =	sshll.u32 s21, $0x7  }
0x1f: {  	s20 =	simm.s32 @p0 $0x2788;
	s21 =	simm.s32 @p0 $0x27B0;
	s0 =	sshll.u32 @!p0 s10, $0x7  }
0x20: {  	[dreg:$0xf] =	wrdreg s25;
	s25 =	smul.u32 $0x14000, s26;
	s15 =	sadd.s32 s29, s2  }
0x21: {  	s29 =	sadd.s32 s24, s2;
	s24 =	sshll.u32 s18, $0x7;
	[smem:$0x7F8] =	sst s0  }
0x22: {  	s18 =	simm.s32 @p0 $0x27D8;
	s0 =	sshll.u32 @!p0 s20, $0x7;
	[dreg:$0x10] =	wrdreg s15  }
0x23: {  	s26 =	sadd.s32 $0x20, s28;
	[dreg:$0x11] =	wrdreg s29;
	s15 =	sadd.s32 s24, s2  }
0x24: {  	s24 =	sadd.s32 s22, s2;
	s22 =	sadd.s32 s11, s22;
	s29 =	sadd.s32 s23, s2  }
0x25: {  	s23 =	sadd.s32 s11, s23;
	[smem:$0x7F9] =	sst s0;
	s0 =	sshll.u32 @!p0 s21, $0x7  }
0x26: {  	[smem:$0x7FC] =	sst s26;
	s26 =	simm.s32 $0x2;
	s21 =	simm.s32 $0x6  }
0x27: {  	[dreg:$0x12] =	wrdreg s15;
	s15 =	sadd.s32 $0x4F, s19;
	s25 =	sadd.s32 s25, s11  }
0x28: {  	s22 =	sshrl.u32 s22, $0x3;
	[dreg:$0x14] =	wrdreg s29;
	s23 =	sshrl.u32 s23, $0x3  }
0x29: {  	s29 =	sadd.s32 s14, s2;
	s14 =	sadd.s32 s11, s14;
	[smem:$0x7FA] =	sst s0  }
0x2a: {  	s0 =	sshll.u32 @!p0 s18, $0x7;
	[dreg:$0x13] =	wrdreg s24;
	s19 =	sshrl.u32 s25, $0x3  }
0x2b: {  	s22 =	sadd.s32 s5, s22;
	s25 =	sadd.s32 s16, s2;
	[dreg:$0x1a] =	wrdreg s29  }
0x2c: {  	s16 =	sadd.s32 s11, s16;
	s14 =	sshrl.u32 s14, $0x3;
	[smem:$0x7FB] =	sst s0  }
0x2d: {  	s29 =	sadd.s32 s8, s2;
	s8 =	sadd.s32 s11, s8;
	[dreg:$0x16] =	wrdreg s22  }
0x2e: {  	s0 =	simm.s32 $0x9;
	s19 =	sadd.s32 s5, s19;
	[dreg:$0x19] =	wrdreg s25  }
0x2f: {  	s16 =	sshrl.u32 s16, $0x3;
	s14 =	sadd.s32 s5, s14;
	[smem:$0x7EE] =	sst s29  }
0x30: {  	s25 =	sadd.s32 s6, s2;
	s6 =	sadd.s32 s11, s6;
	[dreg:$0x15] =	wrdreg s19  }
0x31: {  	s22 =	sadd.s32 s13, s2;
	s29 =	sadd.s32 $0x40, s28;
	[dreg:$0x1d] =	wrdreg s14  }
0x32: {  	s28 =	simm.s32 $0x0;
	s19 =	sadd.s32 s5, s23;
	[dreg:$0x1f] =	wrdreg s25  }
0x33: {  	s16 =	sadd.s32 s5, s16;
	s23 =	sadd.s32 s9, s2;
	[smem:$0x7F3] =	sst s22  }
0x34: {  	s9 =	sadd.s32 s11, s9;
	s6 =	sshrl.u32 s6, $0x3;
	[smem:$0x7FD] =	sst s29  }
0x35: {  	s14 =	sshrl.u32 s8, $0x3;
	s22 =	simm.s32 $0x8;
	[dreg:$0x17] =	wrdreg s19  }
0x36: {  	s19 =	sadd.s32 s17, s2;
	s17 =	sadd.s32 s11, s17;
	[dreg:$0x1c] =	wrdreg s16  }
0x37: {  	[dreg:$0x1e] =	wrdreg s23;
	s9 =	sshrl.u32 s9, $0x3;
	s6 =	sadd.s32 s5, s6  }
0x38: {  	s16 =	sadd.s32 s12, s2;
	s23 =	sadd.s32 s11, s13;
	s13 =	simm.s32 $0x4400  }
0x39: {  	s17 =	sshrl.u32 s17, $0x3;
	s9 =	sadd.s32 s5, s9;
	[smem:$0x7F0] =	sst s6  }
0x3a: {  	s6 =	sadd.s32 s5, s14;
	[smem:$0x7F2] =	sst s16;
	s25 =	sshrl.u32 s23, $0x3  }
0x3b: {  	s14 =	simm.s32 $0x7D;
	[dreg:$0x18] =	wrdreg s19;
	s17 =	sadd.s32 s5, s17  }
0x3c: {  	s16 =	simm.s32 $0x7;
	[dreg:$0x1b] =	wrdreg s17;
	s17 =	sadd.s32 s11, s12  }
0x3d: {  	s23 =	simm.s32 $0x4;
	[smem:$0x7F1] =	sst s6;
	s6 =	sshrl.u32 s17, $0x3  }
0x3e: {  	[smem:$0x7EF] =	sst s9;
	s12 =	simm.s32 $0x200;
	s6 =	sadd.s32 s5, s6  }
0x3f: {  	s17 =	simm.s32 $0x3;
	[smem:$0x7F4] =	sst s6;
	s6 =	sadd.s32 s5, s25  }
0x40: {  	v0 =	vimm.f32 $0.0e+00;
	s25 =	simm.s32 $0x300;
	[smem:$0x7F5] =	sst s6;
	s6 =	simm.s32 $0x5  }
.LBB2_1:
0x41: {  	s9 =	sand.u32 $0x7E00, s3  }
0x42: {  	s10 =	sand.u32 $0x70, s3;
	s18 =	sshrl.u32 s9, $0x2  }
0x43: {  	s9 =	simm.s32 $0x40;
	s18 =	sor.u32 s10, s18;
	s10 =	simm.s32 $0x0  }
.LBB2_2:
0x44: {  	p1 =	sne.s32 s9, $0x4FC0  }
0x45: {  	[tilespmem:s18+$0x400] =	vst v0;
	s10 =	sadd.s32 $0x10, s10;
	s18 =	smov.u32 s9;
	s9 =	sadd.s32 $0x40, s9  }
.Ltmp0:
0x46: {  	(pc) =	sbr.rel @p1 .LBB2_2-.Ltmp0, $4  }
0x47: {  	_ = 	snop  }
0x48: {  	s18 =	sand.u32 $0x7E00, s18  }
0x49: {  	s29 =	sand.u32 $0x70, s10;
	s18 =	sshrl.u32 s18, $0x2  }
0x4a: {  	s18 =	sor.u32 s29, s18  }
0x4b: {  	[tilespmem:s18+$0x400] =	vst v0  }
0x4c: {  	[spmem:s30] =	stream.linear.scatter [tilespmem:s31], [sflag:$0x9], $0x1400, $0x38;
	[tilespmem:$0x1BC80] =	vst v63  }
0x4d: {  	_ =	swait.ge [sflag:s0], $0x1400  }
0x4e: {  	[sflag:s0] =	ssyncset.done $0x0  }
0x4f: {  	[sflag:s0] =	ssyncadd.s32 $0xFFFFEC00  }
0x50: {  	[spmem:s24] =	stream.linear.scatter [tilespmem:s31], [sflag:$0x9], $0x1400, $0x38;
	[tilespmem:$0x1BC80] =	vst v63  }
0x51: {  	_ =	swait.ge [sflag:s0], $0x1400  }
0x52: {  	[sflag:s0] =	ssyncset.done $0x0  }
0x53: {  	s8 =	rddreg [dreg:$0x14];
	[sflag:s0] =	ssyncadd.s32 $0xFFFFEC00  }
0x54: {  	[spmem:s8] =	stream.linear.scatter [tilespmem:s31], [sflag:$0x9], $0x1400, $0x38;
	[tilespmem:$0x1BC80] =	vst v63  }
0x55: {  	_ =	swait.ge [sflag:s0], $0x1400  }
0x56: {  	[sflag:s0] =	ssyncset.done $0x0  }
0x57: {  	[sflag:s0] =	ssyncadd.s32 $0xFFFFEC00  }
0x58: {  	[spmem:s19] =	stream.linear.scatter [tilespmem:s31], [sflag:$0x9], $0x1400, $0x38;
	[tilespmem:$0x1BC80] =	vst v63  }
0x59: {  	_ =	swait.ge [sflag:s0], $0x1400  }
0x5a: {  	[sflag:s0] =	ssyncset.done $0x0  }
0x5b: {  	s24 =	rddreg [dreg:$0x19];
	[sflag:s0] =	ssyncadd.s32 $0xFFFFEC00  }
0x5c: {  	[spmem:s24] =	stream.linear.scatter [tilespmem:s31], [sflag:$0x9], $0x1400, $0x38;
	[tilespmem:$0x1BC80] =	vst v63  }
0x5d: {  	_ =	swait.ge [sflag:s0], $0x1400  }
0x5e: {  	[sflag:s0] =	ssyncset.done $0x0  }
0x5f: {  	s9 =	rddreg [dreg:$0x1a];
	[sflag:s0] =	ssyncadd.s32 $0xFFFFEC00  }
0x60: {  	[spmem:s9] =	stream.linear.scatter [tilespmem:s31], [sflag:$0x9], $0x1400, $0x38;
	[tilespmem:$0x1BC80] =	vst v63  }
0x61: {  	_ =	swait.ge [sflag:s0], $0x1400  }
0x62: {  	[sflag:s0] =	ssyncset.done $0x0  }
0x63: {  	s10 =	rddreg [dreg:$0x1e];
	[sflag:s0] =	ssyncadd.s32 $0xFFFFEC00  }
0x64: {  	[spmem:s10] =	stream.linear.scatter [tilespmem:s31], [sflag:$0x9], $0x1400, $0x38;
	[tilespmem:$0x1BC80] =	vst v63  }
0x65: {  	_ =	swait.ge [sflag:s0], $0x1400  }
0x66: {  	[sflag:s0] =	ssyncset.done $0x0  }
0x67: {  	s18 =	rddreg [dreg:$0x1f];
	[sflag:s0] =	ssyncadd.s32 $0xFFFFEC00  }
0x68: {  	[spmem:s18] =	stream.linear.scatter [tilespmem:s31], [sflag:$0x9], $0x1400, $0x38;
	[tilespmem:$0x1BC80] =	vst v63  }
0x69: {  	_ =	swait.ge [sflag:s0], $0x1400  }
0x6a: {  	s19 =	sld [smem:$0x7EE]  }
0x6b: {  	[sflag:s0] =	ssyncset.done $0x0  }
0x6c: {  	[sflag:s0] =	ssyncadd.s32 $0xFFFFEC00  }
0x6d: {  	[spmem:s19] =	stream.linear.scatter [tilespmem:s31], [sflag:$0x9], $0x1400, $0x38;
	[tilespmem:$0x1BC80] =	vst v63  }
0x6e: {  	_ =	swait.ge [sflag:s0], $0x1400  }
0x6f: {  	s20 =	sld [smem:$0x7F2]  }
0x70: {  	[sflag:s0] =	ssyncset.done $0x0  }
0x71: {  	[sflag:s0] =	ssyncadd.s32 $0xFFFFEC00  }
0x72: {  	[spmem:s20] =	stream.linear.scatter [tilespmem:s31], [sflag:$0x9], $0x1400, $0x38;
	[tilespmem:$0x1BC80] =	vst v63  }
0x73: {  	_ =	swait.ge [sflag:s0], $0x1400  }
0x74: {  	s8 =	sld [smem:$0x7F3]  }
0x75: {  	[sflag:s0] =	ssyncset.done $0x0  }
0x76: {  	s9 =	simm.s32 @!p0 $0x400;
	s10 =	simm.s32 @!p0 $0x9;
	[sflag:s0] =	ssyncadd.s32 $0xFFFFEC00  }
0x77: {  	[spmem:s8] =	stream.linear.scatter @!p0 [tilespmem:s9], [sflag:$0x9], $0x1400, $0x38;
	[tilespmem:$0x1BC80] =	vst v63  }
0x78: {  	_ =	swait.ge @!p0 [sflag:s10], $0x1400  }
0x79: {  	[sflag:s10] =	ssyncset.done @!p0 $0x0  }
0x7a: {  	s8 =	rddreg [dreg:$0xe];
	[sflag:s10] =	ssyncadd.s32 @!p0 $0xFFFFEC00  }
0x7b: {  	[spmem:s8] =	stream.linear.scatter @!p0 [tilespmem:s9], [sflag:$0x9], $0x1400, $0x38;
	[tilespmem:$0x1BC80] =	vst v63  }
0x7c: {  	_ =	swait.ge @!p0 [sflag:s10], $0x1400  }
0x7d: {  	[sflag:s10] =	ssyncset.done @!p0 $0x0  }
0x7e: {  	s8 =	rddreg [dreg:$0xf];
	[sflag:s10] =	ssyncadd.s32 @!p0 $0xFFFFEC00  }
0x7f: {  	[spmem:s8] =	stream.linear.scatter @!p0 [tilespmem:s9], [sflag:$0x9], $0x1400, $0x38;
	[tilespmem:$0x1BC80] =	vst v63  }
0x80: {  	_ =	swait.ge @!p0 [sflag:s10], $0x1400  }
0x81: {  	[sflag:s10] =	ssyncset.done @!p0 $0x0  }
0x82: {  	s8 =	rddreg [dreg:$0x10];
	[sflag:s10] =	ssyncadd.s32 @!p0 $0xFFFFEC00  }
0x83: {  	[spmem:s8] =	stream.linear.scatter @!p0 [tilespmem:s9], [sflag:$0x9], $0x1400, $0x38;
	[tilespmem:$0x1BC80] =	vst v63  }
0x84: {  	_ =	swait.ge @!p0 [sflag:s10], $0x1400  }
0x85: {  	[sflag:s10] =	ssyncset.done @!p0 $0x0  }
0x86: {  	s8 =	rddreg [dreg:$0x11];
	[sflag:s10] =	ssyncadd.s32 @!p0 $0xFFFFEC00  }
0x87: {  	[spmem:s8] =	stream.linear.scatter @!p0 [tilespmem:s9], [sflag:$0x9], $0x1400, $0x38;
	[tilespmem:$0x1BC80] =	vst v63  }
0x88: {  	_ =	swait.ge @!p0 [sflag:s10], $0x1400  }
0x89: {  	[sflag:s10] =	ssyncset.done @!p0 $0x0  }
0x8a: {  	s8 =	rddreg [dreg:$0x12];
	[sflag:s10] =	ssyncadd.s32 @!p0 $0xFFFFEC00  }
0x8b: {  	[spmem:s8] =	stream.linear.scatter @!p0 [tilespmem:s9], [sflag:$0x9], $0x1400, $0x38;
	[tilespmem:$0x1BC80] =	vst v63  }
0x8c: {  	_ =	swait.ge @!p0 [sflag:s10], $0x1400  }
0x8d: {  	[sflag:s10] =	ssyncset.done @!p0 $0x0;
	s18 =	sld [smem:$0x7FC]  }
0x8e: {  	s24 =	simm.s32 $0x0;
	[sflag:s10] =	ssyncadd.s32 @!p0 $0xFFFFEC00;
	s10 =	rddreg [dreg:$0xd]  }
0x8f: {  	[tilespmem:s24], [sflag:$0x1] =	stream.linear.gather [hbm4b:s10+s24], $0x100, $0x38;
	[tilespmem:$0x1BC80] =	vst v63  }
0x90: {  	s19 =	sld [smem:$0x7FD]  }
0x91: {  	[tilespmem:s4], [sflag:$0x2] =	stream.linear.gather [hbm4b:s18+s24], $0x100, $0x38;
	[tilespmem:$0x1BC80] =	vst v63  }
0x92: {  	s20 =	simm.s32 $0x1  }
0x93: {  	[tilespmem:s12], [sflag:$0x3] =	stream.linear.gather [hbm4b:s19+s24], $0x100, $0x38;
	[tilespmem:$0x1BC80] =	vst v63  }
0x94: {  	_ =	swait.ge [sflag:s20], $0x100  }
0x95: {  	p1 =	por $0x1, $0x1;
	[sflag:s20] =	ssyncset.done $0x0  }
0x96: {  	p1 =	por p1, p1;
	[sflag:s20] =	ssyncadd.s32 $0xFFFFFF00  }
0x97: {  	[tilespmem:s31], [sflag:$0x5] =	stream.indirect.gather [hbm4b:s1+s14], $0x80, s24, s14, $0xb8;
	[tilespmem:$0x1BC80] =	vst v63  }
0x98: {  	s9 =	simm.s32 @!p1 $0x8;
	[bflag:$0x0] =	sbarrier.arrive $0xFFFF  }
0x99: {  	_ =	swait.ge @!p1 [sflag:s9], $0x3E80  }
0x9a: {  	s24 =	rddreg [dreg:$0x4];
	[sflag:s9] =	ssyncset.done @!p1 $0x0  }
0x9b: {  	[sflag:s9] =	ssyncadd.s32 @!p1 $0xFFFFC180;
	s8 =	sadd.s32 $0x0, s24  }
0x9c: {  	[tilespmem:s25], [sflag:$0x4] =	stream.linear.gather [hbm4b:s8+s3], $0x100, $0x38;
	[tilespmem:$0x1BC80] =	vst v63  }
0x9d: {  	_ =	swait.ge [sflag:s26], $0x100  }
0x9e: {  	[sflag:s26] =	ssyncset.done $0x0  }
0x9f: {  	[sflag:s26] =	ssyncadd.s32 $0xFFFFFF00  }
0xa0: {  	[tilespmem:s13], [sflag:$0x6] =	stream.indirect.gather [hbm4b:s1+s14], $0x80, s4, s14, $0xb8;
	[tilespmem:$0x1BC80] =	vst v63  }
0xa1: {  	_ =	swait.ge [sflag:s6], $0x3E80  }
0xa2: {  	[sflag:s6] =	ssyncset.done $0x0  }
0xa3: {  	s10 =	rddreg [dreg:$0x8];
	[sflag:s6] =	ssyncadd.s32 $0xFFFFC180  }
0xa4: {  	[spmem:s2] =	stream.indirect.scatter.add.f32 [tilespmem:s31], [sflag:$0x7], $0x80, s10, s14, $0xb8;
	[tilespmem:$0x1BC80] =	vst v63  }
0xa5: {  	s18 =	sadd.s32 $0xFFFFFFFE, s7;
	_ =	swait.ge [sflag:s16], $0x3E80  }
0xa6: {  	p1 =	sgt.u32 s18, s15;
	s9 =	rddreg [dreg:$0x7];
	[sflag:s16] =	ssyncset.done $0x0  }
0xa7: {  	s10 =	simm.s32 @!p1 $0x0;
	[sflag:s16] =	ssyncadd.s32 $0xFFFFC180;
	s9 =	sadd.s32 @!p1 $0x0, s9  }
0xa8: {  	[tilespmem:s10], [sflag:$0x1] =	stream.linear.gather @!p1 [hbm4b:s9+s10], $0x100, $0x38;
	[tilespmem:$0x1BC80] =	vst v63  }
0xa9: {  	_ =	swait.ge [sflag:s17], $0x100  }
0xaa: {  	[sflag:s17] =	ssyncset.done $0x0  }
0xab: {  	[sflag:s17] =	ssyncadd.s32 $0xFFFFFF00  }
0xac: {  	[tilespmem:s31], [sflag:$0x5] =	stream.indirect.gather [hbm4b:s1+s14], $0x80, s12, s14, $0xb8;
	[tilespmem:$0x1BC80] =	vst v63  }
0xad: {  	_ =	swait.ge [sflag:s21], $0x3E80  }
0xae: {  	[sflag:s21] =	ssyncset.done $0x0  }
0xaf: {  	s20 =	sadd.s32 $0xFFFFFFFF, s7;
	s19 =	rddreg [dreg:$0x9];
	[sflag:s21] =	ssyncadd.s32 $0xFFFFC180  }
0xb0: {  	[spmem:s2] =	stream.indirect.scatter.add.f32 [tilespmem:s13], [sflag:$0x8], $0x80, s19, s14, $0xb8;
	[tilespmem:$0x1BC80] =	vst v63  }
0xb1: {  	p2 =	sgt.u32 s20, s15;
	_ =	swait.ge [sflag:s22], $0x3E80  }
0xb2: {  	s29 =	simm.s32 @!p2 $0x100;
	s9 =	rddreg [dreg:$0x6];
	[sflag:s22] =	ssyncset.done $0x0  }
0xb3: {  	s18 =	simm.s32 @!p2 $0x0;
	[sflag:s22] =	ssyncadd.s32 $0xFFFFC180;
	s9 =	sadd.s32 @!p2 $0x0, s9  }
0xb4: {  	[tilespmem:s29], [sflag:$0x2] =	stream.linear.gather @!p2 [hbm4b:s9+s18], $0x100, $0x38;
	[tilespmem:$0x1BC80] =	vst v63  }
0xb5: {  	_ =	swait.ge [sflag:s23], $0x100  }
0xb6: {  	[sflag:s23] =	ssyncset.done $0x0  }
0xb7: {  	[sflag:s23] =	ssyncadd.s32 $0xFFFFFF00  }
0xb8: {  	[tilespmem:s13], [sflag:$0x6] =	stream.indirect.gather [hbm4b:s1+s14], $0x80, s25, s14, $0xb8;
	[tilespmem:$0x1BC80] =	vst v63  }
0xb9: {  	_ =	swait.ge [sflag:s6], $0x3E80  }
0xba: {  	[sflag:s6] =	ssyncset.done $0x0  }
0xbb: {  	s24 =	rddreg [dreg:$0xa];
	[sflag:s6] =	ssyncadd.s32 $0xFFFFC180  }
0xbc: {  	[spmem:s2] =	stream.indirect.scatter.add.f32 [tilespmem:s31], [sflag:$0x7], $0x80, s24, s14, $0xb8;
	[tilespmem:$0x1BC80] =	vst v63  }
0xbd: {  	p2 =	sgt.u32 s7, s15;
	_ =	swait.ge [sflag:s16], $0x3E80  }
0xbe: {  	s18 =	simm.s32 @!p2 $0x200;
	s9 =	rddreg [dreg:$0x5];
	[sflag:s16] =	ssyncset.done $0x0  }
0xbf: {  	s29 =	simm.s32 @!p2 $0x0;
	[sflag:s16] =	ssyncadd.s32 $0xFFFFC180;
	s9 =	sadd.s32 @!p2 $0x0, s9  }
0xc0: {  	[tilespmem:s18], [sflag:$0x3] =	stream.linear.gather @!p2 [hbm4b:s9+s29], $0x100, $0x38;
	[tilespmem:$0x1BC80] =	vst v63  }
0xc1: {  	s9 =	simm.s32 @!p1 $0x1  }
0xc2: {  	_ =	swait.ge @!p1 [sflag:s9], $0x100  }
0xc3: {  	[sflag:s9] =	ssyncset.done @!p1 $0x0  }
0xc4: {  	s18 =	simm.s32 @!p1 $0x7D;
	s29 =	simm.s32 @!p1 $0x400;
	[sflag:s9] =	ssyncadd.s32 @!p1 $0xFFFFFF00  }
0xc5: {  	[tilespmem:s29], [sflag:$0x5] =	stream.indirect.gather @!p1 [hbm4b:s1+s18], $0x80, s10, s18, $0xb8;
	[tilespmem:$0x1BC80] =	vst v63  }
0xc6: {  	p6 =	por $0x0, $0x0;
	s30 =	sadd.s32 $0x4, s7;
	_ =	swait.ge [sflag:s21], $0x3E80  }
0xc7: {  	s9 =	simm.s32 $0x100;
	s29 =	simm.s32 $0x80;
	[sflag:s21] =	ssyncset.done $0x0  }
0xc8: {  	p1 =	por p6, p6;
	s18 =	rddreg [dreg:$0xb];
	[sflag:s21] =	ssyncadd.s32 $0xFFFFC180  }
.LBB2_4:
0xc9: {  	s19 =	simm.s32 @!p1 $0x8  }
0xca: {  	[spmem:s2] =	stream.indirect.scatter.add.f32 [tilespmem:s13], [sflag:$0x8], $0x80, s18, s14, $0xb8;
	[tilespmem:$0x1BC80] =	vst v63  }
0xcb: {  	_ =	swait.ge @!p1 [sflag:s19], $0x3E80  }
0xcc: {  	[sflag:s19] =	ssyncset.done @!p1 $0x0;
	s20 =	rddreg [dreg:$0x4]  }
0xcd: {  	[sflag:s19] =	ssyncadd.s32 @!p1 $0xFFFFC180;
	s18 =	sadd.s32 s29, s20  }
0xce: {  	[tilespmem:s25], [sflag:$0x4] =	stream.linear.gather [hbm4b:s18+s3], $0x100, $0x38;
	[tilespmem:$0x1BC80] =	vst v63  }
0xcf: {  	_ =	swait.ge [sflag:s26], $0x100  }
0xd0: {  	[sflag:s26] =	ssyncset.done $0x0  }
0xd1: {  	[sflag:s26] =	ssyncadd.s32 $0xFFFFFF00  }
0xd2: {  	[tilespmem:s13], [sflag:$0x6] =	stream.indirect.gather [hbm4b:s1+s14], $0x80, s4, s14, $0xb8;
	[tilespmem:$0x1BC80] =	vst v63  }
0xd3: {  	_ =	swait.ge [sflag:s6], $0x3E80  }
0xd4: {  	[sflag:s6] =	ssyncset.done $0x0  }
0xd5: {  	p3 =	seq.s32 s9, $0x0;
	s24 =	rddreg [dreg:$0x8];
	[sflag:s6] =	ssyncadd.s32 $0xFFFFC180  }
0xd6: {  	[spmem:s2] =	stream.indirect.scatter.add.f32 [tilespmem:s31], [sflag:$0x7], $0x80, s24, s14, $0xb8;
	[tilespmem:$0x1BC80] =	vst v63  }
0xd7: {  	s8 =	sadd.s32 $0xFFFFFFFE, s30;
	p1 =	por p3, p3;
	_ =	swait.ge [sflag:s16], $0x3E80  }
0xd8: {  	p3 =	sgt.u32 s8, s15;
	s18 =	rddreg [dreg:$0x7];
	[sflag:s16] =	ssyncset.done $0x0  }
0xd9: {  	[sflag:s16] =	ssyncadd.s32 $0xFFFFC180;
	s19 =	sadd.s32 @!p3 s29, s18;
	s18 =	simm.s32 @!p3 $0x0  }
0xda: {  	[tilespmem:s18], [sflag:$0x1] =	stream.linear.gather @!p3 [hbm4b:s19+s18], $0x100, $0x38;
	[tilespmem:$0x1BC80] =	vst v63  }
0xdb: {  	_ =	swait.ge [sflag:s17], $0x100  }
0xdc: {  	[sflag:s17] =	ssyncset.done $0x0  }
0xdd: {  	[sflag:s17] =	ssyncadd.s32 $0xFFFFFF00  }
0xde: {  	[tilespmem:s31], [sflag:$0x5] =	stream.indirect.gather [hbm4b:s1+s14], $0x80, s12, s14, $0xb8;
	[tilespmem:$0x1BC80] =	vst v63  }
0xdf: {  	_ =	swait.ge [sflag:s21], $0x3E80  }
0xe0: {  	[sflag:s21] =	ssyncset.done $0x0  }
0xe1: {  	s20 =	rddreg [dreg:$0x9];
	[sflag:s21] =	ssyncadd.s32 $0xFFFFC180  }
0xe2: {  	[spmem:s2] =	stream.indirect.scatter.add.f32 [tilespmem:s13], [sflag:$0x8], $0x80, s20, s14, $0xb8;
	[tilespmem:$0x1BC80] =	vst v63  }
0xe3: {  	s20 =	sadd.s32 $0xFFFFFFFF, s30  }
0xe4: {  	_ =	swait.ge [sflag:s22], $0x3E80;
	p4 =	sgt.u32 s20, s15  }
0xe5: {  	s19 =	rddreg [dreg:$0x6];
	[sflag:s22] =	ssyncset.done $0x0;
	s20 =	simm.s32 @!p4 $0x0  }
0xe6: {  	s8 =	simm.s32 @!p4 $0x100;
	[sflag:s22] =	ssyncadd.s32 $0xFFFFC180;
	s19 =	sadd.s32 @!p4 s29, s19  }
0xe7: {  	[tilespmem:s8], [sflag:$0x2] =	stream.linear.gather @!p4 [hbm4b:s19+s20], $0x100, $0x38;
	[tilespmem:$0x1BC80] =	vst v63  }
0xe8: {  	_ =	swait.ge [sflag:s23], $0x100  }
0xe9: {  	[sflag:s23] =	ssyncset.done $0x0  }
0xea: {  	[sflag:s23] =	ssyncadd.s32 $0xFFFFFF00  }
0xeb: {  	[tilespmem:s13], [sflag:$0x6] =	stream.indirect.gather [hbm4b:s1+s14], $0x80, s25, s14, $0xb8;
	[tilespmem:$0x1BC80] =	vst v63  }
0xec: {  	_ =	swait.ge [sflag:s6], $0x3E80  }
0xed: {  	s10 =	smov.u32 s9;
	[sflag:s6] =	ssyncset.done $0x0  }
0xee: {  	s9 =	sadd.s32 $0x80, s9;
	s24 =	rddreg [dreg:$0xa];
	[sflag:s6] =	ssyncadd.s32 $0xFFFFC180  }
0xef: {  	[spmem:s2] =	stream.indirect.scatter.add.f32 [tilespmem:s31], [sflag:$0x7], $0x80, s24, s14, $0xb8;
	[tilespmem:$0x1BC80] =	vst v63  }
0xf0: {  	p4 =	sgt.u32 s30, s15;
	s20 =	simm.s32 @!p3 $0x1;
	_ =	swait.ge [sflag:s16], $0x3E80  }
0xf1: {  	s19 =	simm.s32 @!p4 $0x200;
	s8 =	rddreg [dreg:$0x5];
	[sflag:s16] =	ssyncset.done $0x0  }
0xf2: {  	s24 =	simm.s32 @!p4 $0x0;
	[sflag:s16] =	ssyncadd.s32 $0xFFFFC180;
	s8 =	sadd.s32 @!p4 s29, s8  }
0xf3: {  	[tilespmem:s19], [sflag:$0x3] =	stream.linear.gather @!p4 [hbm4b:s8+s24], $0x100, $0x38;
	[tilespmem:$0x1BC80] =	vst v63  }
0xf4: {  	p2 =	sne.s32 s9, $0xA00;
	_ =	swait.ge @!p3 [sflag:s20], $0x100  }
0xf5: {  	s29 =	smov.u32 s10;
	s10 =	simm.s32 @!p3 $0x400;
	[sflag:s20] =	ssyncset.done @!p3 $0x0  }
.Ltmp1:
0xf6: {  	s8 =	simm.s32 @!p3 $0x7D;
	[sflag:s20] =	ssyncadd.s32 @!p3 $0xFFFFFF00;
	(pc) =	sbr.rel @p2 .LBB2_4-.Ltmp1, $4  }
0xf7: {  	[tilespmem:s10], [sflag:$0x5] =	stream.indirect.gather @!p3 [hbm4b:s1+s8], $0x80, s18, s8, $0xb8;
	[tilespmem:$0x1BC80] =	vst v63  }
0xf8: {  	_ =	swait.ge [sflag:s21], $0x3E80  }
0xf9: {  	[sflag:s21] =	ssyncset.done $0x0  }
0xfa: {  	s30 =	sadd.s32 $0x4, s30;
	s18 =	rddreg [dreg:$0xb];
	[sflag:s21] =	ssyncadd.s32 $0xFFFFC180  }
0xfb: {  	s8 =	simm.s32 @!p1 $0x8  }
0xfc: {  	[spmem:s2] =	stream.indirect.scatter.add.f32 [tilespmem:s13], [sflag:$0x8], $0x80, s18, s14, $0xb8;
	[tilespmem:$0x1BC80] =	vst v63  }
0xfd: {  	_ =	swait.ge @!p1 [sflag:s8], $0x3E80  }
0xfe: {  	s9 =	rddreg [dreg:$0x4];
	[sflag:s8] =	ssyncset.done @!p1 $0x0  }
0xff: {  	[sflag:s8] =	ssyncadd.s32 @!p1 $0xFFFFC180;
	s19 =	sadd.s32 s29, s9  }
0x100: {  	[tilespmem:s25], [sflag:$0x4] =	stream.linear.gather [hbm4b:s19+s3], $0x100, $0x38;
	[tilespmem:$0x1BC80] =	vst v63  }
0x101: {  	_ =	swait.ge [sflag:s26], $0x100  }
0x102: {  	[sflag:s26] =	ssyncset.done $0x0  }
0x103: {  	[sflag:s26] =	ssyncadd.s32 $0xFFFFFF00  }
0x104: {  	[tilespmem:s13], [sflag:$0x6] =	stream.indirect.gather [hbm4b:s1+s14], $0x80, s4, s14, $0xb8;
	[tilespmem:$0x1BC80] =	vst v63  }
0x105: {  	_ =	swait.ge [sflag:s6], $0x3E80  }
0x106: {  	[sflag:s6] =	ssyncset.done $0x0  }
0x107: {  	s20 =	rddreg [dreg:$0x8];
	[sflag:s6] =	ssyncadd.s32 $0xFFFFC180  }
0x108: {  	[spmem:s2] =	stream.indirect.scatter.add.f32 [tilespmem:s31], [sflag:$0x7], $0x80, s20, s14, $0xb8;
	[tilespmem:$0x1BC80] =	vst v63  }
0x109: {  	s24 =	sadd.s32 $0xFFFFFFFE, s30;
	_ =	swait.ge [sflag:s16], $0x3E80  }
0x10a: {  	p1 =	sgt.u32 s24, s15;
	s8 =	rddreg [dreg:$0x7];
	[sflag:s16] =	ssyncset.done $0x0  }
0x10b: {  	s9 =	simm.s32 @!p1 $0x0;
	[sflag:s16] =	ssyncadd.s32 $0xFFFFC180;
	s8 =	sadd.s32 @!p1 s29, s8  }
0x10c: {  	[tilespmem:s9], [sflag:$0x1] =	stream.linear.gather @!p1 [hbm4b:s8+s9], $0x100, $0x38;
	[tilespmem:$0x1BC80] =	vst v63  }
0x10d: {  	_ =	swait.ge [sflag:s17], $0x100  }
0x10e: {  	[sflag:s17] =	ssyncset.done $0x0  }
0x10f: {  	[sflag:s17] =	ssyncadd.s32 $0xFFFFFF00  }
0x110: {  	[tilespmem:s31], [sflag:$0x5] =	stream.indirect.gather [hbm4b:s1+s14], $0x80, s12, s14, $0xb8;
	[tilespmem:$0x1BC80] =	vst v63  }
0x111: {  	_ =	swait.ge [sflag:s21], $0x3E80  }
0x112: {  	[sflag:s21] =	ssyncset.done $0x0  }
0x113: {  	s10 =	rddreg [dreg:$0x9];
	[sflag:s21] =	ssyncadd.s32 $0xFFFFC180  }
0x114: {  	[spmem:s2] =	stream.indirect.scatter.add.f32 [tilespmem:s13], [sflag:$0x8], $0x80, s10, s14, $0xb8;
	[tilespmem:$0x1BC80] =	vst v63  }
0x115: {  	s10 =	sadd.s32 $0xFFFFFFFF, s30  }
0x116: {  	_ =	swait.ge [sflag:s22], $0x3E80;
	p2 =	sgt.u32 s10, s15  }
0x117: {  	s8 =	rddreg [dreg:$0x6];
	[sflag:s22] =	ssyncset.done $0x0;
	s10 =	simm.s32 @!p2 $0x0  }
0x118: {  	s18 =	simm.s32 @!p2 $0x100;
	[sflag:s22] =	ssyncadd.s32 $0xFFFFC180;
	s8 =	sadd.s32 @!p2 s29, s8  }
0x119: {  	[tilespmem:s18], [sflag:$0x2] =	stream.linear.gather @!p2 [hbm4b:s8+s10], $0x100, $0x38;
	[tilespmem:$0x1BC80] =	vst v63  }
0x11a: {  	_ =	swait.ge [sflag:s23], $0x100  }
0x11b: {  	[sflag:s23] =	ssyncset.done $0x0  }
0x11c: {  	[sflag:s23] =	ssyncadd.s32 $0xFFFFFF00  }
0x11d: {  	[tilespmem:s13], [sflag:$0x6] =	stream.indirect.gather [hbm4b:s1+s14], $0x80, s25, s14, $0xb8;
	[tilespmem:$0x1BC80] =	vst v63  }
0x11e: {  	_ =	swait.ge [sflag:s6], $0x3E80  }
0x11f: {  	[sflag:s6] =	ssyncset.done $0x0  }
0x120: {  	s18 =	rddreg [dreg:$0xa];
	[sflag:s6] =	ssyncadd.s32 $0xFFFFC180  }
0x121: {  	[spmem:s2] =	stream.indirect.scatter.add.f32 [tilespmem:s31], [sflag:$0x7], $0x80, s18, s14, $0xb8;
	[tilespmem:$0x1BC80] =	vst v63  }
0x122: {  	p2 =	sgt.u32 s30, s15;
	_ =	swait.ge [sflag:s16], $0x3E80  }
0x123: {  	s10 =	simm.s32 @!p2 $0x200;
	s8 =	rddreg [dreg:$0x5];
	[sflag:s16] =	ssyncset.done $0x0  }
0x124: {  	s18 =	simm.s32 @!p2 $0x0;
	[sflag:s16] =	ssyncadd.s32 $0xFFFFC180;
	s8 =	sadd.s32 @!p2 s29, s8  }
0x125: {  	[tilespmem:s10], [sflag:$0x3] =	stream.linear.gather @!p2 [hbm4b:s8+s18], $0x100, $0x38;
	[tilespmem:$0x1BC80] =	vst v63  }
0x126: {  	s8 =	simm.s32 @!p1 $0x1  }
0x127: {  	_ =	swait.ge @!p1 [sflag:s8], $0x100  }
0x128: {  	[sflag:s8] =	ssyncset.done @!p1 $0x0  }
0x129: {  	s10 =	simm.s32 @!p1 $0x7D;
	s18 =	simm.s32 @!p1 $0x400;
	[sflag:s8] =	ssyncadd.s32 @!p1 $0xFFFFFF00  }
0x12a: {  	[tilespmem:s18], [sflag:$0x5] =	stream.indirect.gather @!p1 [hbm4b:s1+s10], $0x80, s9, s10, $0xb8;
	[tilespmem:$0x1BC80] =	vst v63  }
0x12b: {  	_ =	swait.ge [sflag:s21], $0x3E80  }
0x12c: {  	[sflag:s21] =	ssyncset.done $0x0  }
0x12d: {  	s19 =	rddreg [dreg:$0xb];
	[sflag:s21] =	ssyncadd.s32 $0xFFFFC180  }
0x12e: {  	[spmem:s2] =	stream.indirect.scatter.add.f32 [tilespmem:s13], [sflag:$0x8], $0x80, s19, s14, $0xb8;
	[tilespmem:$0x1BC80] =	vst v63  }
0x12f: {  	_ =	swait.ge [sflag:s22], $0x3E80  }
0x130: {  	[sflag:s22] =	ssyncset.done $0x0  }
0x131: {  	[sflag:s22] =	ssyncadd.s32 $0xFFFFC180  }
0x132: {  	s20 =	stileid.u32;
	[bflag:$0x0] =	sbarrier.arrive $0xFFFF  }
0x133: {  	s8 =	sshll.u32 s20, $0x6;
	s30 =	rddreg [dreg:$0xc]  }
0x134: {  	s9 =	sor.u32 $0x1C09, s8;
	s29 =	rddreg [dreg:$0x15];
	s24 =	sshrl.u32 s30, $0x3  }
0x135: {  	[hbm:s29], [sflag:s9] =	dma.local [spmem:s24], $0x280  }
0x136: {  	_ =	swait.ge [sflag:s0], $0x280  }
0x137: {  	[sflag:s0] =	ssyncset.done $0x0;
	s24 =	rddreg [dreg:$0x13]  }
0x138: {  	s19 =	rddreg [dreg:$0x16];
	[sflag:s0] =	ssyncadd.s32 $0xFFFFFD80;
	s18 =	sshrl.u32 s24, $0x3  }
0x139: {  	[hbm:s19], [sflag:s9] =	dma.local [spmem:s18], $0x280  }
0x13a: {  	_ =	swait.ge [sflag:s0], $0x280  }
0x13b: {  	[sflag:s0] =	ssyncset.done $0x0;
	s20 =	rddreg [dreg:$0x14]  }
0x13c: {  	s29 =	rddreg [dreg:$0x17];
	[sflag:s0] =	ssyncadd.s32 $0xFFFFFD80;
	s8 =	sshrl.u32 s20, $0x3  }
0x13d: {  	[hbm:s29], [sflag:s9] =	dma.local [spmem:s8], $0x280  }
0x13e: {  	_ =	swait.ge [sflag:s0], $0x280  }
0x13f: {  	[sflag:s0] =	ssyncset.done $0x0;
	s19 =	rddreg [dreg:$0x18]  }
0x140: {  	s18 =	rddreg [dreg:$0x1b];
	[sflag:s0] =	ssyncadd.s32 $0xFFFFFD80;
	s10 =	sshrl.u32 s19, $0x3  }
0x141: {  	[hbm:s18], [sflag:s9] =	dma.local [spmem:s10], $0x280  }
0x142: {  	_ =	swait.ge [sflag:s0], $0x280  }
0x143: {  	[sflag:s0] =	ssyncset.done $0x0;
	s20 =	rddreg [dreg:$0x19]  }
0x144: {  	s29 =	rddreg [dreg:$0x1c];
	[sflag:s0] =	ssyncadd.s32 $0xFFFFFD80;
	s8 =	sshrl.u32 s20, $0x3  }
0x145: {  	[hbm:s29], [sflag:s9] =	dma.local [spmem:s8], $0x280  }
0x146: {  	_ =	swait.ge [sflag:s0], $0x280  }
0x147: {  	[sflag:s0] =	ssyncset.done $0x0;
	s10 =	rddreg [dreg:$0x1a]  }
0x148: {  	s18 =	rddreg [dreg:$0x1d];
	[sflag:s0] =	ssyncadd.s32 $0xFFFFFD80;
	s8 =	sshrl.u32 s10, $0x3  }
0x149: {  	[hbm:s18], [sflag:s9] =	dma.local [spmem:s8], $0x280  }
0x14a: {  	_ =	swait.ge [sflag:s0], $0x280  }
0x14b: {  	s29 =	sld [smem:$0x7EF]  }
0x14c: {  	[sflag:s0] =	ssyncset.done $0x0;
	s20 =	rddreg [dreg:$0x1e]  }
0x14d: {  	[sflag:s0] =	ssyncadd.s32 $0xFFFFFD80;
	s8 =	sshrl.u32 s20, $0x3  }
0x14e: {  	[hbm:s29], [sflag:s9] =	dma.local [spmem:s8], $0x280  }
0x14f: {  	_ =	swait.ge [sflag:s0], $0x280  }
0x150: {  	s18 =	sld [smem:$0x7F0]  }
0x151: {  	[sflag:s0] =	ssyncset.done $0x0;
	s10 =	rddreg [dreg:$0x1f]  }
0x152: {  	[sflag:s0] =	ssyncadd.s32 $0xFFFFFD80;
	s8 =	sshrl.u32 s10, $0x3  }
0x153: {  	[hbm:s18], [sflag:s9] =	dma.local [spmem:s8], $0x280  }
0x154: {  	_ =	swait.ge [sflag:s0], $0x280  }
0x155: {  	s20 =	sld [smem:$0x7EE]  }
0x156: {  	s29 =	sld [smem:$0x7F1]  }
0x157: {  	[sflag:s0] =	ssyncset.done $0x0  }
0x158: {  	[sflag:s0] =	ssyncadd.s32 $0xFFFFFD80;
	s8 =	sshrl.u32 s20, $0x3  }
0x159: {  	[hbm:s29], [sflag:s9] =	dma.local [spmem:s8], $0x280  }
0x15a: {  	_ =	swait.ge [sflag:s0], $0x280  }
0x15b: {  	s18 =	sld [smem:$0x7F2]  }
0x15c: {  	s20 =	sld [smem:$0x7F4]  }
0x15d: {  	[sflag:s0] =	ssyncset.done $0x0  }
0x15e: {  	[sflag:s0] =	ssyncadd.s32 $0xFFFFFD80;
	s8 =	sshrl.u32 s18, $0x3  }
0x15f: {  	[hbm:s20], [sflag:s9] =	dma.local [spmem:s8], $0x280  }
0x160: {  	_ =	swait.ge [sflag:s0], $0x280  }
0x161: {  	s8 =	sld [smem:$0x7F3]  }
0x162: {  	s10 =	sld [smem:$0x7F5]  }
0x163: {  	[sflag:s0] =	ssyncset.done $0x0  }
0x164: {  	[sflag:s0] =	ssyncadd.s32 $0xFFFFFD80;
	s8 =	sshrl.u32 @!p0 s8, $0x3  }
0x165: {  	[hbm:s10], [sflag:s9] =	dma.local @!p0 [spmem:s8], $0x280  }
0x166: {  	s8 =	simm.s32 @!p0 $0x9  }
0x167: {  	_ =	swait.ge @!p0 [sflag:s8], $0x280  }
0x168: {  	s18 =	sld [smem:$0x7F7];
	_ =	sdelay $0x2  }
0x169: {  	s10 =	sadd.s32 @!p0 s11, s18  }
0x16a: {  	[sflag:s8] =	ssyncset.done @!p0 $0x0;
	s18 =	sadd.s32 @!p0 s18, s2;
	s10 =	sshrl.u32 @!p0 s10, $0x3  }
0x16b: {  	[sflag:s8] =	ssyncadd.s32 @!p0 $0xFFFFFD80;
	s18 =	sshrl.u32 @!p0 s18, $0x3;
	s10 =	sadd.s32 @!p0 s5, s10  }
0x16c: {  	[hbm:s10], [sflag:s9] =	dma.local @!p0 [spmem:s18], $0x280  }
0x16d: {  	_ =	swait.ge @!p0 [sflag:s8], $0x280  }
0x16e: {  	s18 =	sld [smem:$0x7F8];
	_ =	sdelay $0x2  }
0x16f: {  	s10 =	sadd.s32 @!p0 s11, s18  }
0x170: {  	[sflag:s8] =	ssyncset.done @!p0 $0x0;
	s18 =	sadd.s32 @!p0 s18, s2;
	s10 =	sshrl.u32 @!p0 s10, $0x3  }
0x171: {  	[sflag:s8] =	ssyncadd.s32 @!p0 $0xFFFFFD80;
	s18 =	sshrl.u32 @!p0 s18, $0x3;
	s10 =	sadd.s32 @!p0 s5, s10  }
0x172: {  	[hbm:s10], [sflag:s9] =	dma.local @!p0 [spmem:s18], $0x280  }
0x173: {  	_ =	swait.ge @!p0 [sflag:s8], $0x280  }
0x174: {  	s18 =	sld [smem:$0x7F9];
	_ =	sdelay $0x2  }
0x175: {  	s10 =	sadd.s32 @!p0 s11, s18  }
0x176: {  	[sflag:s8] =	ssyncset.done @!p0 $0x0;
	s18 =	sadd.s32 @!p0 s18, s2;
	s10 =	sshrl.u32 @!p0 s10, $0x3  }
0x177: {  	[sflag:s8] =	ssyncadd.s32 @!p0 $0xFFFFFD80;
	s18 =	sshrl.u32 @!p0 s18, $0x3;
	s10 =	sadd.s32 @!p0 s5, s10  }
0x178: {  	[hbm:s10], [sflag:s9] =	dma.local @!p0 [spmem:s18], $0x280  }
0x179: {  	_ =	swait.ge @!p0 [sflag:s8], $0x280  }
0x17a: {  	s18 =	sld [smem:$0x7FA];
	_ =	sdelay $0x2  }
0x17b: {  	s10 =	sadd.s32 @!p0 s11, s18  }
0x17c: {  	[sflag:s8] =	ssyncset.done @!p0 $0x0;
	s18 =	sadd.s32 @!p0 s18, s2;
	s10 =	sshrl.u32 @!p0 s10, $0x3  }
0x17d: {  	[sflag:s8] =	ssyncadd.s32 @!p0 $0xFFFFFD80;
	s18 =	sshrl.u32 @!p0 s18, $0x3;
	s10 =	sadd.s32 @!p0 s5, s10  }
0x17e: {  	[hbm:s10], [sflag:s9] =	dma.local @!p0 [spmem:s18], $0x280  }
0x17f: {  	_ =	swait.ge @!p0 [sflag:s8], $0x280  }
0x180: {  	s18 =	sld [smem:$0x7FB];
	_ =	sdelay $0x2  }
0x181: {  	s10 =	sadd.s32 @!p0 s11, s18  }
0x182: {  	[sflag:s8] =	ssyncset.done @!p0 $0x0;
	s18 =	sadd.s32 @!p0 s18, s2;
	s10 =	sshrl.u32 @!p0 s10, $0x3  }
0x183: {  	[sflag:s8] =	ssyncadd.s32 @!p0 $0xFFFFFD80;
	s18 =	sshrl.u32 @!p0 s18, $0x3;
	s10 =	sadd.s32 @!p0 s5, s10  }
0x184: {  	[hbm:s10], [sflag:s9] =	dma.local @!p0 [spmem:s18], $0x280  }
0x185: {  	_ =	swait.ge @!p0 [sflag:s8], $0x280  }
0x186: {  	s29 =	sld [smem:$0x7F6];
	_ =	sdelay $0x1  }
0x187: {  	s28 =	sadd.s32 $0x1, s28  }
0x188: {  	p1 =	sne.s32 s28, s29  }
.Ltmp2:
0x189: {  	_ = 	snop;
	(pc) =	sbr.rel @p1 .LBB2_1-.Ltmp2, $3  }
0x18a: {  	_ =	sdelay $0x1  }
0x18b: {  	[sflag:s8] =	ssyncset.done @!p0 $0x0  }
0x18c: {  	[sflag:s8] =	ssyncadd.s32 @!p0 $0xFFFFFD80  }
0x18d: {  	_ =	sfence.sel $0x180000  }
0x18e: {  	[bflag:$0x0] =	sbarrier.arrive $0xFFFF  }
0x18f: {  	_ =	strace $0x9000004A  }
0x190: {  	s0 =	stileid.u32;
	[bflag:$0x2] =	sbarrier.arrive $0xFFFF  }
0x191: {  	p0 =	sne.s32 s0, $0x0;
	s0 =	rddreg [dreg:$0x3]  }
0x192: {  	s0 =	sadd.s32 @!p0 $0x100000, s0  }
0x193: {  	[sflag:s0] =	ssyncadd.tile.s32 @!p0 $0x1;
	_ =	shalt  }
.Lfunc_end2:
_tile_overlayer_lowered:
.L_overlay_start_2:
0x194: {  	(tag) =	ssettag $0x2  }
0x195: {  	s0 =	rddreg [dreg:$0x0];
	s2 =	stileid.u32  }
0x196: {  	s1 =	rddreg [dreg:$0x1];
	p0 =	sne.s32 s2, $0x0  }
0x197: {  	s3 =	rddreg [dreg:$0x2];
	[bflag:$0x3] =	sbarrier.arrive $0xFFFF;
	s2 =	simm.s32 @!p0 $0x1C09  }
0x198: {  	[timem:s3], [sflag:s2] =	dma.local @!p0 [hbm:s0], s1  }
0x199: {  	s0 =	simm.s32 @!p0 $0x9  }
0x19a: {  	_ =	swait.ge @!p0 [sflag:s0], s1  }
0x19b: {  	s1 =	ssub.s32 @!p0 $0x0, s1;
	[sflag:s0] =	ssyncset.done @!p0 $0x0  }
0x19c: {  	[sflag:s0] =	ssyncadd.s32 @!p0 s1  }
0x19d: {  	[bflag:$0x3] =	sbarrier.arrive $0xFFFF  }
0x19e: {  	_ =	shalt  }

</sc_bundles>
